<compile_context>
chip_gen: v7x
topology: tpu7x:2x2x1
jax: 0.10.2.dev20260603
libtpu: 0.0.44.dev20260713+nightly
codegen_flags: <defaults>
</compile_context>

<pallas_src>
import functools

import jax
import jax.numpy as jnp
from jax import lax
from jax.experimental import pallas as pl
from jax.experimental.pallas import tpu as pltpu
from jax.experimental.pallas import tpu_sc as plsc

N = 4096
IN_DIM = 512
HID = 256
OUT_DIM = 64
PROP = 4
LAM = 1.0 / 0.9 - 1.0
Q = 0.75
A_SCAD = 3.7
EPS = 1e-8

BLK = 256
NBLK = N // BLK
CAP = 1 << 18
INF_BITS = 0x7F800000



def _prep_kernel(F_ref, W1_ref, b1_ref, W2_ref, b2_ref, A_ref,
                 F0_ref, D_ref, Xn_ref):
    h = jnp.dot(F_ref[:], W1_ref[:], preferred_element_type=jnp.float32)
    h = jnp.maximum(h + b1_ref[:], 0.0)
    f0 = jnp.dot(h, W2_ref[:], preferred_element_type=jnp.float32) + b2_ref[:]
    F0_ref[:] = f0
    d = jnp.sum(A_ref[:], axis=1) + 1.0
    D_ref[0, 0, :] = d
    Xn_ref[:] = f0 / jnp.sqrt(d)[:, None]


def _dist_kernel(Xn_blk_ref, Xn_ref, y2_ref):
    xn = Xn_ref[:]
    rows = Xn_blk_ref[:]
    s_full = jnp.sum(xn * xn, axis=1)
    s_rows = jnp.sum(rows * rows, axis=1)
    g = lax.dot_general(rows, xn, (((1,), (1,)), ((), ())),
                        preferred_element_type=jnp.float32)
    y2_ref[:] = jnp.maximum(s_rows[:, None] + s_full[None, :] - 2.0 * g, 0.0)


def _gamma_kernel(y2e_ref, D_ref, lam_ref):
    d = D_ref[:]
    m_f = jnp.sum(d) - float(N)
    h = Q * (m_f - 1.0)
    k_f = jnp.floor(h)
    frac = h - k_f
    kd = k_f.astype(jnp.int32)
    k1 = kd
    k2 = kd + 1

    bits = lax.bitcast_convert_type(y2e_ref[:], jnp.int32)

    def body(_, carry):
        lo1, hi1, lo2, hi2 = carry
        mid1 = lo1 + (hi1 - lo1) // 2
        mid2 = lo2 + (hi2 - lo2) // 2
        c1 = jnp.sum((bits <= mid1).astype(jnp.int32))
        c2 = jnp.sum((bits <= mid2).astype(jnp.int32))
        ok1 = c1 >= k1 + 1
        ok2 = c2 >= k2 + 1
        return (jnp.where(ok1, lo1, mid1 + 1), jnp.where(ok1, mid1, hi1),
                jnp.where(ok2, lo2, mid2 + 1), jnp.where(ok2, mid2, hi2))

    z = jnp.int32(0)
    inf = jnp.int32(INF_BITS)
    _, hi1, _, hi2 = lax.fori_loop(0, 31, body, (z, inf, z, inf))
    y_k = jnp.sqrt(lax.bitcast_convert_type(hi1, jnp.float32))
    y_k1 = jnp.sqrt(lax.bitcast_convert_type(hi2, jnp.float32))
    gamma = jnp.where(frac > 0.0, y_k + frac * (y_k1 - y_k), y_k)
    gamma = jnp.maximum(gamma, EPS)
    lam_ref[:, :] = jnp.reshape(gamma / A_SCAD, (1, 1))


def _prop_kernel(A_ref, Xn_blk_ref, Xn_ref, D_ref, F0_ref, lam_ref,
                 Fc_ref, Xn_out_ref):
    i = pl.program_id(0)
    lam = lam_ref[0, 0]
    xn = Xn_ref[:]
    rows = Xn_blk_ref[:]
    s_full = jnp.sum(xn * xn, axis=1)
    s_rows = jnp.sum(rows * rows, axis=1)
    g = lax.dot_general(rows, xn, (((1,), (1,)), ((), ())),
                        preferred_element_type=jnp.float32)
    y2 = jnp.maximum(s_rows[:, None] + s_full[None, :] - 2.0 * g, 0.0)
    y = jnp.sqrt(y2)
    alam = A_SCAD * lam
    mid = (alam - y) / ((A_SCAD - 1.0) * y + 1e-12)
    w = jnp.where(y <= lam, 1.0, jnp.where(y <= alam, mid, 0.0))
    s = w * A_ref[:]
    d_rows = D_ref[0, pl.ds(i * BLK, BLK)]
    qhat = jnp.sum(s, axis=1) / d_rows + LAM
    agg = jnp.dot(s, Xn_ref[:], preferred_element_type=jnp.float32)
    ds_rows = jnp.sqrt(d_rows)
    fc = (agg / ds_rows[:, None] + LAM * F0_ref[:]) / qhat[:, None]
    Fc_ref[:] = fc
    Xn_out_ref[:] = fc / ds_rows[:, None]



_NC = 2
_NS = 16
_NW = _NC * _NS
_TROWS = N // _NW
_NSUB = 16
_SROWS = _TROWS // _NSUB
_ECAP = 640
_EPAD = _ECAP + 16
_TCAP = _NSUB * _ECAP
_TOTCAP = _NW * _TCAP

def _wid():
    return lax.axis_index("s") * _NC + lax.axis_index("c")


@functools.cache
def _sc_kernels():
    mesh = plsc.VectorSubcoreMesh(core_axis_name="c", subcore_axis_name="s")

    @functools.partial(
        pl.kernel,
        out_type=jax.ShapeDtypeStruct((_TOTCAP,), jnp.int32),
        mesh=mesh,
        compiler_params=pltpu.CompilerParams(needs_layout_passes=False),
        scratch_types=[
            pltpu.VMEM((_SROWS, N), jnp.float32),
            pltpu.VMEM((_EPAD,), jnp.int32),
        ],
    )
    def extract(a_hbm, eidx_hbm, slab_v, out_v):
        wid = _wid()
        row0 = wid * _TROWS
        iota = lax.iota(jnp.int32, 16)
        neg1 = jnp.full((16,), -1, jnp.int32)

        def sub(s, _):
            pltpu.sync_copy(a_hbm.at[pl.ds(row0 + s * _SROWS, _SROWS)], slab_v)
            for j in range(_EPAD // 16):
                out_v[pl.ds(j * 16, 16)] = neg1

            def grp(g, off):
                for r in range(_SROWS):
                    v = slab_v[r, pl.ds(g * 16, 16)]
                    m = v > 0.5
                    plsc.store_compressed(out_v.at[pl.ds(off, 16)],
                                          r * N + g * 16 + iota, mask=m)
                    pcnt = plsc.all_reduce_population_count(m)[0]
                    off = jnp.minimum(off + pcnt, _ECAP)
                return off

            lax.fori_loop(0, N // 16, grp, jnp.int32(0))
            pltpu.sync_copy(out_v.at[pl.ds(0, _ECAP)],
                            eidx_hbm.at[pl.ds(wid * _TCAP + s * _ECAP, _ECAP)])
            return _

        lax.fori_loop(0, _NSUB, sub, None)

    @functools.partial(
        pl.kernel,
        out_type=jax.ShapeDtypeStruct((_TOTCAP,), jnp.float32),
        mesh=mesh,
        compiler_params=pltpu.CompilerParams(needs_layout_passes=False),
        scratch_types=[
            pltpu.VMEM((_SROWS, N), jnp.float32),
            pltpu.VMEM((_TCAP,), jnp.int32),
            pltpu.VMEM((_TCAP,), jnp.float32),
        ],
    )
    def gather(y2_hbm, eidx_hbm, out_hbm, slab_v, eidx_v, out_v):
        wid = _wid()
        row0 = wid * _TROWS
        pltpu.sync_copy(eidx_hbm.at[pl.ds(wid * _TCAP, _TCAP)], eidx_v)
        inf = jnp.full((16,), jnp.inf, jnp.float32)

        def sub(s, _):
            pltpu.sync_copy(y2_hbm.at[pl.ds(row0 + s * _SROWS, _SROWS)],
                            slab_v)

            def grp(g, carry):
                o = s * _ECAP + g * 16
                idx = eidx_v[pl.ds(o, 16)]
                m = idx >= 0
                ic = jnp.maximum(idx, 0)
                vals = plsc.load_gather(
                    slab_v, [lax.shift_right_logical(ic, 12), ic & (N - 1)])
                out_v[pl.ds(o, 16)] = jnp.where(m, vals, inf)
                return carry

            lax.fori_loop(0, _ECAP // 16, grp, None)
            return _

        lax.fori_loop(0, _NSUB, sub, None)
        pltpu.sync_copy(out_v, out_hbm.at[pl.ds(wid * _TCAP, _TCAP)])

    return extract, gather




def _prep_call(F, W1, b1, W2, b2, A):
    return pl.pallas_call(
        _prep_kernel,
        grid=(NBLK,),
        in_specs=[
            pl.BlockSpec((BLK, IN_DIM), lambda i: (i, 0)),
            pl.BlockSpec((IN_DIM, HID), lambda i: (0, 0)),
            pl.BlockSpec((1, HID), lambda i: (0, 0)),
            pl.BlockSpec((HID, OUT_DIM), lambda i: (0, 0)),
            pl.BlockSpec((1, OUT_DIM), lambda i: (0, 0)),
            pl.BlockSpec((BLK, N), lambda i: (i, 0)),
        ],
        out_specs=[
            pl.BlockSpec((BLK, OUT_DIM), lambda i: (i, 0)),
            pl.BlockSpec((1, 1, BLK), lambda i: (i, 0, 0)),
            pl.BlockSpec((BLK, OUT_DIM), lambda i: (i, 0)),
        ],
        out_shape=[
            jax.ShapeDtypeStruct((N, OUT_DIM), jnp.float32),
            jax.ShapeDtypeStruct((NBLK, 1, BLK), jnp.float32),
            jax.ShapeDtypeStruct((N, OUT_DIM), jnp.float32),
        ],
    )(F, W1, b1, W2, b2, A)


def _dist_call(Xn):
    return pl.pallas_call(
        _dist_kernel,
        grid=(NBLK,),
        in_specs=[
            pl.BlockSpec((BLK, OUT_DIM), lambda i: (i, 0)),
            pl.BlockSpec((N, OUT_DIM), lambda i: (0, 0)),
        ],
        out_specs=pl.BlockSpec((BLK, N), lambda i: (i, 0)),
        out_shape=jax.ShapeDtypeStruct((N, N), jnp.float32),
    )(Xn, Xn)


def _gamma_call(y2e, D):
    return pl.pallas_call(
        _gamma_kernel,
        in_specs=[
            pl.BlockSpec((_TOTCAP // 128, 128), lambda: (0, 0)),
            pl.BlockSpec((1, N), lambda: (0, 0)),
        ],
        out_specs=pl.BlockSpec((1, 1), lambda: (0, 0)),
        out_shape=jax.ShapeDtypeStruct((1, 1), jnp.float32),
    )(y2e, D)


def _prop_call(A, Xn, D, F0, lam):
    return pl.pallas_call(
        _prop_kernel,
        grid=(NBLK,),
        in_specs=[
            pl.BlockSpec((BLK, N), lambda i: (i, 0)),
            pl.BlockSpec((BLK, OUT_DIM), lambda i: (i, 0)),
            pl.BlockSpec((N, OUT_DIM), lambda i: (0, 0)),
            pl.BlockSpec((1, N), lambda i: (0, 0)),
            pl.BlockSpec((BLK, OUT_DIM), lambda i: (i, 0)),
            pl.BlockSpec((1, 1), lambda i: (0, 0)),
        ],
        out_specs=[
            pl.BlockSpec((BLK, OUT_DIM), lambda i: (i, 0)),
            pl.BlockSpec((BLK, OUT_DIM), lambda i: (i, 0)),
        ],
        out_shape=[
            jax.ShapeDtypeStruct((N, OUT_DIM), jnp.float32),
            jax.ShapeDtypeStruct((N, OUT_DIM), jnp.float32),
        ],
    )(A, Xn, Xn, D, F0, lam)


def kernel(A, F, W1, b1, W2, b2):
    _extract, _gather = _sc_kernels()
    eidx = _extract(A)
    F0, D3, Xn = _prep_call(F, W1, b1.reshape(1, HID), W2,
                            b2.reshape(1, OUT_DIM), A)
    D = D3.reshape(1, N)

    Fc = F0
    for _ in range(PROP):
        y2 = _dist_call(Xn)
        y2e = _gather(y2, eidx)
        lam = _gamma_call(y2e.reshape(_TOTCAP // 128, 128), D)
        Fc, Xn = _prop_call(A, Xn, D, F0, lam)
    return Fc

# --- scband reference (transcript-rebuilt; emitter-appended) ---
"""Pipeline reference for scband-rung-percentile-gamma-59124519797084 (READ-ONLY COPY).

The authoritative reference and input builder live on the scoring server;
editing this copy changes nothing except your own understanding.
"""

import jax, jax.numpy as jnp
import numpy as np

N = 4096
IN_DIM = 512
HID = 256
OUT_DIM = 64
PROP = 4
LAM_HAT = 0.9
LAM = 1.0 / LAM_HAT - 1.0
Q = 0.75
A_SCAD = 3.7
EPS = 1e-8


def pairwise_squared_euclidean(X, Y):
    xx = jnp.sum(X * X, axis=-1)[:, None]
    yy = jnp.sum(Y * Y, axis=-1)[None, :]
    return jnp.clip(xx + yy - 2.0 * (X @ Y.T), 0.0, None)


def scad_weight(y, lam, a):
    denom = (a - 1.0) * y + 1e-12
    mid = (a * lam - y) / denom
    return jnp.where(y <= lam, 1.0, jnp.where(y <= a * lam, mid, 0.0))


def setup_inputs(seed: int = 0) -> dict:
    key = jax.random.key(seed)
    k1, k2, k3, k4 = jax.random.split(key, 4)
    # sparse symmetric binary adjacency, density ~0.01, no self-loops
    U = jax.random.uniform(k1, (N, N)) < 0.005
    A = jnp.maximum(U, U.T).astype(jnp.float32)
    A = A * (1.0 - jnp.eye(N, dtype=jnp.float32))
    F = jax.random.normal(k2, (N, IN_DIM), dtype=jnp.float32)
    W1 = jax.random.normal(k3, (IN_DIM, HID), dtype=jnp.float32) * 0.05
    b1 = jnp.zeros((HID,), dtype=jnp.float32)
    W2 = jax.random.normal(k4, (HID, OUT_DIM), dtype=jnp.float32) * 0.05
    b2 = jnp.zeros((OUT_DIM,), dtype=jnp.float32)
    return {"A": A, "F": F, "W1": W1, "b1": b1, "W2": W2, "b2": b2}


def reference(A, F, W1, b1, W2, b2):
    # MLP: X -> F0 (dropout=0, eval mode)
    h = jax.nn.relu(F @ W1 + b1)
    F0 = h @ W2 + b2
    eye = jnp.eye(N, dtype=A.dtype)
    Al = A + eye  # add_loops
    D = Al.sum(-1)
    D_sq = jnp.sqrt(D)[:, None]
    A_tilde = Al / (D_sq * D_sq.T)  # sym_norm
    A_bool = Al > 0
    eye_bool = jnp.eye(N, dtype=bool)
    edge_mask = A_bool & (~eye_bool)
    Fc = F0
    for k in range(PROP):
        q_k = Q  # use_layerwise_q=False -> all layers use percentile_q
        Xn = Fc / D_sq
        Z = jax.lax.stop_gradient(pairwise_squared_euclidean(Xn, Xn))
        y = jnp.sqrt(Z)
        ym = jnp.where(edge_mask, y, jnp.nan)
        gamma = jnp.nanquantile(ym, q_k)
        gamma = jnp.maximum(gamma, EPS)
        lam_k = gamma / A_SCAD
        W = scad_weight(y, lam_k, A_SCAD)
        W = W * (1.0 - eye)
        W = jnp.where(jnp.isnan(W), 1.0, W)
        Q_hat = ((W * Al).sum(-1) / D + LAM)[:, None]
        Fc = (W * A_tilde) @ Fc / Q_hat + LAM * F0 / Q_hat
    return Fc

if __name__ == "__main__":
    import jax
    _d = setup_inputs()
    print(jax.jit(kernel)(*tuple(_d.values())))

</pallas_src>

<mosaic_0001>
#map = affine_map<(d0, d1) -> (0, 0)>
#map1 = affine_map<(d0, d1) -> (0)>
module attributes {stable_mosaic.version = 14 : i64} {
  func.func @gather(%arg0: i32, %arg1: i32, %arg2: memref<4096x4096xf32, #tpu.memory_space<hbm>>, %arg3: memref<327680xi32, #tpu.memory_space<hbm>>, %arg4: memref<327680xf32, #tpu.memory_space<hbm>>, %arg5: memref<8x4096xf32, #tpu.memory_space<vmem>>, %arg6: memref<10240xi32, #tpu.memory_space<vmem>>, %arg7: memref<10240xf32, #tpu.memory_space<vmem>>) attributes {dimension_semantics = [#tpu.dimension_semantics<core_parallel>, #tpu.dimension_semantics<subcore_parallel>], iteration_bounds = array<i64: 2, 16>, scalar_prefetch = 0 : i64, scratch_operands = 3 : i64, tpu.core_type = #tpu.core_type<sc_vector_subcore>, window_params = [{transform_indices = #map}, {transform_indices = #map1}, {transform_indices = #map1}]} {
    %mul3A = arith.constant 2 : i32
    %mul3A_0 = arith.muli %arg1, %mul3A : i32
    %add3A = arith.addi %mul3A_0, %arg0 : i32
    %mul3A_1 = arith.constant 128 : i32
    %mul3A_2 = arith.muli %add3A, %mul3A_1 : i32
    %mul3A_3 = arith.constant 10240 : i32
    %mul3A_4 = arith.muli %add3A, %mul3A_3 : i32
    "tpu.region"() ({
      %run_scoped3A = tpu.sem_alloc : memref<!tpu.dma_semaphore, #tpu.memory_space<semaphore_mem>>
      %dma_start3A = tpu.memref_slice %arg3[%mul3A_4] : memref<327680xi32, #tpu.memory_space<hbm>> -> memref<10240xi32, #tpu.memory_space<hbm>>
      %dma_start3A_12 = tpu.memref_slice %arg3[%mul3A_4] : memref<327680xi32, #tpu.memory_space<hbm>> -> memref<10240xi32, #tpu.memory_space<hbm>>
      tpu.enqueue_dma source(%dma_start3A_12 : memref<10240xi32, #tpu.memory_space<hbm>>) target(%arg6 : memref<10240xi32, #tpu.memory_space<vmem>>) target_semaphore(%run_scoped3A : memref<!tpu.dma_semaphore, #tpu.memory_space<semaphore_mem>>)
      %dma_wait3A = tpu.memref_slice %arg3[%mul3A_4] : memref<327680xi32, #tpu.memory_space<hbm>> -> memref<10240xi32, #tpu.memory_space<hbm>>
      %dma_wait3A_13 = tpu.memref_slice %arg3[%mul3A_4] : memref<327680xi32, #tpu.memory_space<hbm>> -> memref<10240xi32, #tpu.memory_space<hbm>>
      tpu.wait_dma2 semaphore(%run_scoped3A : memref<!tpu.dma_semaphore, #tpu.memory_space<semaphore_mem>>) src(%dma_wait3A_13 : memref<10240xi32, #tpu.memory_space<hbm>>) dst(%arg6 : memref<10240xi32, #tpu.memory_space<vmem>>)
      tpu.yield
    }) : () -> ()
    %broadcast_in_dim3A = arith.constant 0x7F800000 : f32
    %broadcast_in_dim3A_5 = vector.broadcast %broadcast_in_dim3A : f32 to vector<16xf32>
    %scan3A = arith.constant 0 : i32
    %scan3A_6 = arith.constant 16 : i32
    %scan3A_7 = arith.addi %scan3A, %scan3A_6 : i32
    %scan3A_8 = arith.constant 1 : i32
    scf.for %scan3A_12 = %scan3A to %scan3A_7 step %scan3A_8  : i32 {
      %mul3A_13 = arith.constant 8 : i32
      %mul3A_14 = arith.muli %scan3A_12, %mul3A_13 : i32
      %add3A_15 = arith.addi %mul3A_2, %mul3A_14 : i32
      "tpu.region"() ({
        %run_scoped3A = tpu.sem_alloc : memref<!tpu.dma_semaphore, #tpu.memory_space<semaphore_mem>>
        %dma_start3A = arith.constant 0 : i32
        %dma_start3A_21 = tpu.memref_slice %arg2[%add3A_15, %dma_start3A] : memref<4096x4096xf32, #tpu.memory_space<hbm>> -> memref<8x4096xf32, #tpu.memory_space<hbm>>
        %dma_start3A_22 = arith.constant 0 : i32
        %dma_start3A_23 = tpu.memref_slice %arg2[%add3A_15, %dma_start3A_22] : memref<4096x4096xf32, #tpu.memory_space<hbm>> -> memref<8x4096xf32, #tpu.memory_space<hbm>>
        tpu.enqueue_dma source(%dma_start3A_23 : memref<8x4096xf32, #tpu.memory_space<hbm>>) target(%arg5 : memref<8x4096xf32, #tpu.memory_space<vmem>>) target_semaphore(%run_scoped3A : memref<!tpu.dma_semaphore, #tpu.memory_space<semaphore_mem>>)
        %dma_wait3A = arith.constant 0 : i32
        %dma_wait3A_24 = tpu.memref_slice %arg2[%add3A_15, %dma_wait3A] : memref<4096x4096xf32, #tpu.memory_space<hbm>> -> memref<8x4096xf32, #tpu.memory_space<hbm>>
        %dma_wait3A_25 = arith.constant 0 : i32
        %dma_wait3A_26 = tpu.memref_slice %arg2[%add3A_15, %dma_wait3A_25] : memref<4096x4096xf32, #tpu.memory_space<hbm>> -> memref<8x4096xf32, #tpu.memory_space<hbm>>
        tpu.wait_dma2 semaphore(%run_scoped3A : memref<!tpu.dma_semaphore, #tpu.memory_space<semaphore_mem>>) src(%dma_wait3A_26 : memref<8x4096xf32, #tpu.memory_space<hbm>>) dst(%arg5 : memref<8x4096xf32, #tpu.memory_space<vmem>>)
        tpu.yield
      }) : () -> ()
      %scan3A_16 = arith.constant 0 : i32
      %scan3A_17 = arith.constant 40 : i32
      %scan3A_18 = arith.addi %scan3A_16, %scan3A_17 : i32
      %scan3A_19 = arith.constant 1 : i32
      scf.for %scan3A_21 = %scan3A_16 to %scan3A_18 step %scan3A_19  : i32 {
        %mul3A_22 = arith.constant 640 : i32
        %mul3A_23 = arith.muli %scan3A_12, %mul3A_22 : i32
        %mul3A_24 = arith.constant 16 : i32
        %mul3A_25 = arith.muli %scan3A_21, %mul3A_24 : i32
        %add3A_26 = arith.addi %mul3A_23, %mul3A_25 : i32
        %get3A = arith.index_cast %add3A_26 : i32 to index
        %get3A_27 = tpu.vector_load %arg6[%get3A] {strides = array<i32>} : memref<10240xi32, #tpu.memory_space<vmem>>, vector<16xi32>,
        %ge3A = arith.constant 0 : i32
        %ge3A_28 = vector.broadcast %ge3A : i32 to vector<16xi32>
        %ge3A_29 = arith.cmpi sge, %get3A_27, %ge3A_28 : vector<16xi32>
        %max3A = arith.constant 0 : i32
        %max3A_30 = vector.broadcast %max3A : i32 to vector<16xi32>
        %max3A_31 = arith.maxsi %get3A_27, %max3A_30 : vector<16xi32>
        %shift_right_logical3A = arith.constant 12 : i32
        %shift_right_logical3A_32 = vector.broadcast %shift_right_logical3A : i32 to vector<16xi32>
        %shift_right_logical3A_33 = arith.shrui %max3A_31, %shift_right_logical3A_32 : vector<16xi32>
        %and3A = arith.constant 4095 : i32
        %and3A_34 = vector.broadcast %and3A : i32 to vector<16xi32>
        %and3A_35 = arith.andi %max3A_31, %and3A_34 : vector<16xi32>
        %gather3A = tpu.vector_load_idx %arg5[%shift_right_logical3A_33, %and3A_35] : memref<8x4096xf32, #tpu.memory_space<vmem>>[vector<16xi32>, vector<16xi32>], vector<16xf32>,
        %select_n3A = arith.select %ge3A_29, %gather3A, %broadcast_in_dim3A_5 : vector<16xi1>, vector<16xf32>
        %swap3A = arith.index_cast %add3A_26 : i32 to index
        %swap3A_36 = tpu.vector_load %arg7[%swap3A] {strides = array<i32>} : memref<10240xf32, #tpu.memory_space<vmem>>, vector<16xf32>,
        tpu.vector_store %arg7[%swap3A], %select_n3A {strides = array<i32>} : memref<10240xf32, #tpu.memory_space<vmem>>, vector<16xf32>,
      }
      %scan3A_20 = arith.constant 40 : i32
    }
    %scan3A_9 = arith.constant 16 : i32
    %mul3A_10 = arith.constant 10240 : i32
    %mul3A_11 = arith.muli %add3A, %mul3A_10 : i32
    "tpu.region"() ({
      %run_scoped3A = tpu.sem_alloc : memref<!tpu.dma_semaphore, #tpu.memory_space<semaphore_mem>>
      %dma_start3A = tpu.memref_slice %arg4[%mul3A_11] : memref<327680xf32, #tpu.memory_space<hbm>> -> memref<10240xf32, #tpu.memory_space<hbm>>
      %dma_start3A_12 = tpu.memref_slice %arg4[%mul3A_11] : memref<327680xf32, #tpu.memory_space<hbm>> -> memref<10240xf32, #tpu.memory_space<hbm>>
      tpu.enqueue_dma source(%arg7 : memref<10240xf32, #tpu.memory_space<vmem>>) target(%dma_start3A_12 : memref<10240xf32, #tpu.memory_space<hbm>>) target_semaphore(%run_scoped3A : memref<!tpu.dma_semaphore, #tpu.memory_space<semaphore_mem>>)
      %dma_wait3A = tpu.memref_slice %arg4[%mul3A_11] : memref<327680xf32, #tpu.memory_space<hbm>> -> memref<10240xf32, #tpu.memory_space<hbm>>
      %dma_wait3A_13 = tpu.memref_slice %arg4[%mul3A_11] : memref<327680xf32, #tpu.memory_space<hbm>> -> memref<10240xf32, #tpu.memory_space<hbm>>
      tpu.wait_dma2 semaphore(%run_scoped3A : memref<!tpu.dma_semaphore, #tpu.memory_space<semaphore_mem>>) src(%arg7 : memref<10240xf32, #tpu.memory_space<vmem>>) dst(%dma_wait3A_13 : memref<10240xf32, #tpu.memory_space<hbm>>)
      tpu.yield
    }) : () -> ()
    return
  }
}

#map = affine_map<(d0, d1) -> (0, 0)>
#map1 = affine_map<(d0, d1) -> (0)>
module attributes {stable_mosaic.version = 14 : i64} {
  func.func @gather(%arg0: i32, %arg1: i32, %arg2: memref<4096x4096xf32, #tpu.memory_space<hbm>>, %arg3: memref<327680xi32, #tpu.memory_space<hbm>>, %arg4: memref<327680xf32, #tpu.memory_space<hbm>>, %arg5: memref<8x4096xf32, #tpu.memory_space<vmem>>, %arg6: memref<10240xi32, #tpu.memory_space<vmem>>, %arg7: memref<10240xf32, #tpu.memory_space<vmem>>) attributes {dimension_semantics = [#tpu.dimension_semantics<core_parallel>, #tpu.dimension_semantics<subcore_parallel>], iteration_bounds = array<i64: 2, 16>, scalar_prefetch = 0 : i64, scratch_operands = 3 : i64, tpu.core_type = #tpu.core_type<sc_vector_subcore>, window_params = [{transform_indices = #map}, {transform_indices = #map1}, {transform_indices = #map1}]} {
    %mul3A = arith.constant 2 : i32
    %mul3A_0 = arith.muli %arg1, %mul3A : i32
    %add3A = arith.addi %mul3A_0, %arg0 : i32
    %mul3A_1 = arith.constant 128 : i32
    %mul3A_2 = arith.muli %add3A, %mul3A_1 : i32
    %mul3A_3 = arith.constant 10240 : i32
    %mul3A_4 = arith.muli %add3A, %mul3A_3 : i32
    "tpu.region"() ({
      %run_scoped3A = tpu.sem_alloc : memref<!tpu.dma_semaphore, #tpu.memory_space<semaphore_mem>>
      %dma_start3A = tpu.memref_slice %arg3[%mul3A_4] : memref<327680xi32, #tpu.memory_space<hbm>> -> memref<10240xi32, #tpu.memory_space<hbm>>
      %dma_start3A_12 = tpu.memref_slice %arg3[%mul3A_4] : memref<327680xi32, #tpu.memory_space<hbm>> -> memref<10240xi32, #tpu.memory_space<hbm>>
      tpu.enqueue_dma source(%dma_start3A_12 : memref<10240xi32, #tpu.memory_space<hbm>>) target(%arg6 : memref<10240xi32, #tpu.memory_space<vmem>>) target_semaphore(%run_scoped3A : memref<!tpu.dma_semaphore, #tpu.memory_space<semaphore_mem>>)
      %dma_wait3A = tpu.memref_slice %arg3[%mul3A_4] : memref<327680xi32, #tpu.memory_space<hbm>> -> memref<10240xi32, #tpu.memory_space<hbm>>
      %dma_wait3A_13 = tpu.memref_slice %arg3[%mul3A_4] : memref<327680xi32, #tpu.memory_space<hbm>> -> memref<10240xi32, #tpu.memory_space<hbm>>
      tpu.wait_dma2 semaphore(%run_scoped3A : memref<!tpu.dma_semaphore, #tpu.memory_space<semaphore_mem>>) src(%dma_wait3A_13 : memref<10240xi32, #tpu.memory_space<hbm>>) dst(%arg6 : memref<10240xi32, #tpu.memory_space<vmem>>)
      tpu.yield
    }) : () -> ()
    %broadcast_in_dim3A = arith.constant 0x7F800000 : f32
    %broadcast_in_dim3A_5 = vector.broadcast %broadcast_in_dim3A : f32 to vector<16xf32>
    %scan3A = arith.constant 0 : i32
    %scan3A_6 = arith.constant 16 : i32
    %scan3A_7 = arith.addi %scan3A, %scan3A_6 : i32
    %scan3A_8 = arith.constant 1 : i32
    scf.for %scan3A_12 = %scan3A to %scan3A_7 step %scan3A_8  : i32 {
      %mul3A_13 = arith.constant 8 : i32
      %mul3A_14 = arith.muli %scan3A_12, %mul3A_13 : i32
      %add3A_15 = arith.addi %mul3A_2, %mul3A_14 : i32
      "tpu.region"() ({
        %run_scoped3A = tpu.sem_alloc : memref<!tpu.dma_semaphore, #tpu.memory_space<semaphore_mem>>
        %dma_start3A = arith.constant 0 : i32
        %dma_start3A_21 = tpu.memref_slice %arg2[%add3A_15, %dma_start3A] : memref<4096x4096xf32, #tpu.memory_space<hbm>> -> memref<8x4096xf32, #tpu.memory_space<hbm>>
        %dma_start3A_22 = arith.constant 0 : i32
        %dma_start3A_23 = tpu.memref_slice %arg2[%add3A_15, %dma_start3A_22] : memref<4096x4096xf32, #tpu.memory_space<hbm>> -> memref<8x4096xf32, #tpu.memory_space<hbm>>
        tpu.enqueue_dma source(%dma_start3A_23 : memref<8x4096xf32, #tpu.memory_space<hbm>>) target(%arg5 : memref<8x4096xf32, #tpu.memory_space<vmem>>) target_semaphore(%run_scoped3A : memref<!tpu.dma_semaphore, #tpu.memory_space<semaphore_mem>>)
        %dma_wait3A = arith.constant 0 : i32
        %dma_wait3A_24 = tpu.memref_slice %arg2[%add3A_15, %dma_wait3A] : memref<4096x4096xf32, #tpu.memory_space<hbm>> -> memref<8x4096xf32, #tpu.memory_space<hbm>>
        %dma_wait3A_25 = arith.constant 0 : i32
        %dma_wait3A_26 = tpu.memref_slice %arg2[%add3A_15, %dma_wait3A_25] : memref<4096x4096xf32, #tpu.memory_space<hbm>> -> memref<8x4096xf32, #tpu.memory_space<hbm>>
        tpu.wait_dma2 semaphore(%run_scoped3A : memref<!tpu.dma_semaphore, #tpu.memory_space<semaphore_mem>>) src(%dma_wait3A_26 : memref<8x4096xf32, #tpu.memory_space<hbm>>) dst(%arg5 : memref<8x4096xf32, #tpu.memory_space<vmem>>)
        tpu.yield
      }) : () -> ()
      %scan3A_16 = arith.constant 0 : i32
      %scan3A_17 = arith.constant 40 : i32
      %scan3A_18 = arith.addi %scan3A_16, %scan3A_17 : i32
      %scan3A_19 = arith.constant 1 : i32
      scf.for %scan3A_21 = %scan3A_16 to %scan3A_18 step %scan3A_19  : i32 {
        %mul3A_22 = arith.constant 640 : i32
        %mul3A_23 = arith.muli %scan3A_12, %mul3A_22 : i32
        %mul3A_24 = arith.constant 16 : i32
        %mul3A_25 = arith.muli %scan3A_21, %mul3A_24 : i32
        %add3A_26 = arith.addi %mul3A_23, %mul3A_25 : i32
        %get3A = arith.index_cast %add3A_26 : i32 to index
        %get3A_27 = tpu.vector_load %arg6[%get3A] {strides = array<i32>} : memref<10240xi32, #tpu.memory_space<vmem>>, vector<16xi32>,
        %ge3A = arith.constant 0 : i32
        %ge3A_28 = vector.broadcast %ge3A : i32 to vector<16xi32>
        %ge3A_29 = arith.cmpi sge, %get3A_27, %ge3A_28 : vector<16xi32>
        %max3A = arith.constant 0 : i32
        %max3A_30 = vector.broadcast %max3A : i32 to vector<16xi32>
        %max3A_31 = arith.maxsi %get3A_27, %max3A_30 : vector<16xi32>
        %shift_right_logical3A = arith.constant 12 : i32
        %shift_right_logical3A_32 = vector.broadcast %shift_right_logical3A : i32 to vector<16xi32>
        %shift_right_logical3A_33 = arith.shrui %max3A_31, %shift_right_logical3A_32 : vector<16xi32>
        %and3A = arith.constant 4095 : i32
        %and3A_34 = vector.broadcast %and3A : i32 to vector<16xi32>
        %and3A_35 = arith.andi %max3A_31, %and3A_34 : vector<16xi32>
        %gather3A = tpu.vector_load_idx %arg5[%shift_right_logical3A_33, %and3A_35] : memref<8x4096xf32, #tpu.memory_space<vmem>>[vector<16xi32>, vector<16xi32>], vector<16xf32>,
        %select_n3A = arith.select %ge3A_29, %gather3A, %broadcast_in_dim3A_5 : vector<16xi1>, vector<16xf32>
        %swap3A = arith.index_cast %add3A_26 : i32 to index
        %swap3A_36 = tpu.vector_load %arg7[%swap3A] {strides = array<i32>} : memref<10240xf32, #tpu.memory_space<vmem>>, vector<16xf32>,
        tpu.vector_store %arg7[%swap3A], %select_n3A {strides = array<i32>} : memref<10240xf32, #tpu.memory_space<vmem>>, vector<16xf32>,
      }
      %scan3A_20 = arith.constant 40 : i32
    }
    %scan3A_9 = arith.constant 16 : i32
    %mul3A_10 = arith.constant 10240 : i32
    %mul3A_11 = arith.muli %add3A, %mul3A_10 : i32
    "tpu.region"() ({
      %run_scoped3A = tpu.sem_alloc : memref<!tpu.dma_semaphore, #tpu.memory_space<semaphore_mem>>
      %dma_start3A = tpu.memref_slice %arg4[%mul3A_11] : memref<327680xf32, #tpu.memory_space<hbm>> -> memref<10240xf32, #tpu.memory_space<hbm>>
      %dma_start3A_12 = tpu.memref_slice %arg4[%mul3A_11] : memref<327680xf32, #tpu.memory_space<hbm>> -> memref<10240xf32, #tpu.memory_space<hbm>>
      tpu.enqueue_dma source(%arg7 : memref<10240xf32, #tpu.memory_space<vmem>>) target(%dma_start3A_12 : memref<10240xf32, #tpu.memory_space<hbm>>) target_semaphore(%run_scoped3A : memref<!tpu.dma_semaphore, #tpu.memory_space<semaphore_mem>>)
      %dma_wait3A = tpu.memref_slice %arg4[%mul3A_11] : memref<327680xf32, #tpu.memory_space<hbm>> -> memref<10240xf32, #tpu.memory_space<hbm>>
      %dma_wait3A_13 = tpu.memref_slice %arg4[%mul3A_11] : memref<327680xf32, #tpu.memory_space<hbm>> -> memref<10240xf32, #tpu.memory_space<hbm>>
      tpu.wait_dma2 semaphore(%run_scoped3A : memref<!tpu.dma_semaphore, #tpu.memory_space<semaphore_mem>>) src(%arg7 : memref<10240xf32, #tpu.memory_space<vmem>>) dst(%dma_wait3A_13 : memref<10240xf32, #tpu.memory_space<hbm>>)
      tpu.yield
    }) : () -> ()
    return
  }
}

#map = affine_map<(d0, d1) -> (0, 0)>
#map1 = affine_map<(d0, d1) -> (0)>
module attributes {stable_mosaic.version = 14 : i64} {
  func.func @gather(%arg0: i32, %arg1: i32, %arg2: memref<4096x4096xf32, #tpu.memory_space<hbm>>, %arg3: memref<327680xi32, #tpu.memory_space<hbm>>, %arg4: memref<327680xf32, #tpu.memory_space<hbm>>, %arg5: memref<8x4096xf32, #tpu.memory_space<vmem>>, %arg6: memref<10240xi32, #tpu.memory_space<vmem>>, %arg7: memref<10240xf32, #tpu.memory_space<vmem>>) attributes {dimension_semantics = [#tpu.dimension_semantics<core_parallel>, #tpu.dimension_semantics<subcore_parallel>], iteration_bounds = array<i64: 2, 16>, scalar_prefetch = 0 : i64, scratch_operands = 3 : i64, tpu.core_type = #tpu.core_type<sc_vector_subcore>, window_params = [{transform_indices = #map}, {transform_indices = #map1}, {transform_indices = #map1}]} {
    %mul3A = arith.constant 2 : i32
    %mul3A_0 = arith.muli %arg1, %mul3A : i32
    %add3A = arith.addi %mul3A_0, %arg0 : i32
    %mul3A_1 = arith.constant 128 : i32
    %mul3A_2 = arith.muli %add3A, %mul3A_1 : i32
    %mul3A_3 = arith.constant 10240 : i32
    %mul3A_4 = arith.muli %add3A, %mul3A_3 : i32
    "tpu.region"() ({
      %run_scoped3A = tpu.sem_alloc : memref<!tpu.dma_semaphore, #tpu.memory_space<semaphore_mem>>
      %dma_start3A = tpu.memref_slice %arg3[%mul3A_4] : memref<327680xi32, #tpu.memory_space<hbm>> -> memref<10240xi32, #tpu.memory_space<hbm>>
      %dma_start3A_12 = tpu.memref_slice %arg3[%mul3A_4] : memref<327680xi32, #tpu.memory_space<hbm>> -> memref<10240xi32, #tpu.memory_space<hbm>>
      tpu.enqueue_dma source(%dma_start3A_12 : memref<10240xi32, #tpu.memory_space<hbm>>) target(%arg6 : memref<10240xi32, #tpu.memory_space<vmem>>) target_semaphore(%run_scoped3A : memref<!tpu.dma_semaphore, #tpu.memory_space<semaphore_mem>>)
      %dma_wait3A = tpu.memref_slice %arg3[%mul3A_4] : memref<327680xi32, #tpu.memory_space<hbm>> -> memref<10240xi32, #tpu.memory_space<hbm>>
      %dma_wait3A_13 = tpu.memref_slice %arg3[%mul3A_4] : memref<327680xi32, #tpu.memory_space<hbm>> -> memref<10240xi32, #tpu.memory_space<hbm>>
      tpu.wait_dma2 semaphore(%run_scoped3A : memref<!tpu.dma_semaphore, #tpu.memory_space<semaphore_mem>>) src(%dma_wait3A_13 : memref<10240xi32, #tpu.memory_space<hbm>>) dst(%arg6 : memref<10240xi32, #tpu.memory_space<vmem>>)
      tpu.yield
    }) : () -> ()
    %broadcast_in_dim3A = arith.constant 0x7F800000 : f32
    %broadcast_in_dim3A_5 = vector.broadcast %broadcast_in_dim3A : f32 to vector<16xf32>
    %scan3A = arith.constant 0 : i32
    %scan3A_6 = arith.constant 16 : i32
    %scan3A_7 = arith.addi %scan3A, %scan3A_6 : i32
    %scan3A_8 = arith.constant 1 : i32
    scf.for %scan3A_12 = %scan3A to %scan3A_7 step %scan3A_8  : i32 {
      %mul3A_13 = arith.constant 8 : i32
      %mul3A_14 = arith.muli %scan3A_12, %mul3A_13 : i32
      %add3A_15 = arith.addi %mul3A_2, %mul3A_14 : i32
      "tpu.region"() ({
        %run_scoped3A = tpu.sem_alloc : memref<!tpu.dma_semaphore, #tpu.memory_space<semaphore_mem>>
        %dma_start3A = arith.constant 0 : i32
        %dma_start3A_21 = tpu.memref_slice %arg2[%add3A_15, %dma_start3A] : memref<4096x4096xf32, #tpu.memory_space<hbm>> -> memref<8x4096xf32, #tpu.memory_space<hbm>>
        %dma_start3A_22 = arith.constant 0 : i32
        %dma_start3A_23 = tpu.memref_slice %arg2[%add3A_15, %dma_start3A_22] : memref<4096x4096xf32, #tpu.memory_space<hbm>> -> memref<8x4096xf32, #tpu.memory_space<hbm>>
        tpu.enqueue_dma source(%dma_start3A_23 : memref<8x4096xf32, #tpu.memory_space<hbm>>) target(%arg5 : memref<8x4096xf32, #tpu.memory_space<vmem>>) target_semaphore(%run_scoped3A : memref<!tpu.dma_semaphore, #tpu.memory_space<semaphore_mem>>)
        %dma_wait3A = arith.constant 0 : i32
        %dma_wait3A_24 = tpu.memref_slice %arg2[%add3A_15, %dma_wait3A] : memref<4096x4096xf32, #tpu.memory_space<hbm>> -> memref<8x4096xf32, #tpu.memory_space<hbm>>
        %dma_wait3A_25 = arith.constant 0 : i32
        %dma_wait3A_26 = tpu.memref_slice %arg2[%add3A_15, %dma_wait3A_25] : memref<4096x4096xf32, #tpu.memory_space<hbm>> -> memref<8x4096xf32, #tpu.memory_space<hbm>>
        tpu.wait_dma2 semaphore(%run_scoped3A : memref<!tpu.dma_semaphore, #tpu.memory_space<semaphore_mem>>) src(%dma_wait3A_26 : memref<8x4096xf32, #tpu.memory_space<hbm>>) dst(%arg5 : memref<8x4096xf32, #tpu.memory_space<vmem>>)
        tpu.yield
      }) : () -> ()
      %scan3A_16 = arith.constant 0 : i32
      %scan3A_17 = arith.constant 40 : i32
      %scan3A_18 = arith.addi %scan3A_16, %scan3A_17 : i32
      %scan3A_19 = arith.constant 1 : i32
      scf.for %scan3A_21 = %scan3A_16 to %scan3A_18 step %scan3A_19  : i32 {
        %mul3A_22 = arith.constant 640 : i32
        %mul3A_23 = arith.muli %scan3A_12, %mul3A_22 : i32
        %mul3A_24 = arith.constant 16 : i32
        %mul3A_25 = arith.muli %scan3A_21, %mul3A_24 : i32
        %add3A_26 = arith.addi %mul3A_23, %mul3A_25 : i32
        %get3A = arith.index_cast %add3A_26 : i32 to index
        %get3A_27 = tpu.vector_load %arg6[%get3A] {strides = array<i32>} : memref<10240xi32, #tpu.memory_space<vmem>>, vector<16xi32>,
        %ge3A = arith.constant 0 : i32
        %ge3A_28 = vector.broadcast %ge3A : i32 to vector<16xi32>
        %ge3A_29 = arith.cmpi sge, %get3A_27, %ge3A_28 : vector<16xi32>
        %max3A = arith.constant 0 : i32
        %max3A_30 = vector.broadcast %max3A : i32 to vector<16xi32>
        %max3A_31 = arith.maxsi %get3A_27, %max3A_30 : vector<16xi32>
        %shift_right_logical3A = arith.constant 12 : i32
        %shift_right_logical3A_32 = vector.broadcast %shift_right_logical3A : i32 to vector<16xi32>
        %shift_right_logical3A_33 = arith.shrui %max3A_31, %shift_right_logical3A_32 : vector<16xi32>
        %and3A = arith.constant 4095 : i32
        %and3A_34 = vector.broadcast %and3A : i32 to vector<16xi32>
        %and3A_35 = arith.andi %max3A_31, %and3A_34 : vector<16xi32>
        %gather3A = tpu.vector_load_idx %arg5[%shift_right_logical3A_33, %and3A_35] : memref<8x4096xf32, #tpu.memory_space<vmem>>[vector<16xi32>, vector<16xi32>], vector<16xf32>,
        %select_n3A = arith.select %ge3A_29, %gather3A, %broadcast_in_dim3A_5 : vector<16xi1>, vector<16xf32>
        %swap3A = arith.index_cast %add3A_26 : i32 to index
        %swap3A_36 = tpu.vector_load %arg7[%swap3A] {strides = array<i32>} : memref<10240xf32, #tpu.memory_space<vmem>>, vector<16xf32>,
        tpu.vector_store %arg7[%swap3A], %select_n3A {strides = array<i32>} : memref<10240xf32, #tpu.memory_space<vmem>>, vector<16xf32>,
      }
      %scan3A_20 = arith.constant 40 : i32
    }
    %scan3A_9 = arith.constant 16 : i32
    %mul3A_10 = arith.constant 10240 : i32
    %mul3A_11 = arith.muli %add3A, %mul3A_10 : i32
    "tpu.region"() ({
      %run_scoped3A = tpu.sem_alloc : memref<!tpu.dma_semaphore, #tpu.memory_space<semaphore_mem>>
      %dma_start3A = tpu.memref_slice %arg4[%mul3A_11] : memref<327680xf32, #tpu.memory_space<hbm>> -> memref<10240xf32, #tpu.memory_space<hbm>>
      %dma_start3A_12 = tpu.memref_slice %arg4[%mul3A_11] : memref<327680xf32, #tpu.memory_space<hbm>> -> memref<10240xf32, #tpu.memory_space<hbm>>
      tpu.enqueue_dma source(%arg7 : memref<10240xf32, #tpu.memory_space<vmem>>) target(%dma_start3A_12 : memref<10240xf32, #tpu.memory_space<hbm>>) target_semaphore(%run_scoped3A : memref<!tpu.dma_semaphore, #tpu.memory_space<semaphore_mem>>)
      %dma_wait3A = tpu.memref_slice %arg4[%mul3A_11] : memref<327680xf32, #tpu.memory_space<hbm>> -> memref<10240xf32, #tpu.memory_space<hbm>>
      %dma_wait3A_13 = tpu.memref_slice %arg4[%mul3A_11] : memref<327680xf32, #tpu.memory_space<hbm>> -> memref<10240xf32, #tpu.memory_space<hbm>>
      tpu.wait_dma2 semaphore(%run_scoped3A : memref<!tpu.dma_semaphore, #tpu.memory_space<semaphore_mem>>) src(%arg7 : memref<10240xf32, #tpu.memory_space<vmem>>) dst(%dma_wait3A_13 : memref<10240xf32, #tpu.memory_space<hbm>>)
      tpu.yield
    }) : () -> ()
    return
  }
}

#map = affine_map<(d0, d1) -> (0, 0)>
#map1 = affine_map<(d0, d1) -> (0)>
module attributes {stable_mosaic.version = 14 : i64} {
  func.func @extract(%arg0: i32, %arg1: i32, %arg2: memref<4096x4096xf32, #tpu.memory_space<hbm>>, %arg3: memref<327680xi32, #tpu.memory_space<hbm>>, %arg4: memref<8x4096xf32, #tpu.memory_space<vmem>>, %arg5: memref<656xi32, #tpu.memory_space<vmem>>) attributes {dimension_semantics = [#tpu.dimension_semantics<core_parallel>, #tpu.dimension_semantics<subcore_parallel>], iteration_bounds = array<i64: 2, 16>, scalar_prefetch = 0 : i64, scratch_operands = 2 : i64, tpu.core_type = #tpu.core_type<sc_vector_subcore>, window_params = [{transform_indices = #map}, {transform_indices = #map1}]} {
    %mul3A = arith.constant 2 : i32
    %mul3A_0 = arith.muli %arg1, %mul3A : i32
    %add3A = arith.addi %mul3A_0, %arg0 : i32
    %mul3A_1 = arith.constant 128 : i32
    %mul3A_2 = arith.muli %add3A, %mul3A_1 : i32
    %iota3A = tpu.iota {dimensions = array<i32: 0>} : vector<16xi32>
    %broadcast_in_dim3A = arith.constant -1 : i32
    %broadcast_in_dim3A_3 = vector.broadcast %broadcast_in_dim3A : i32 to vector<16xi32>
    %scan3A = arith.constant 0 : i32
    %scan3A_4 = arith.constant 16 : i32
    %scan3A_5 = arith.addi %scan3A, %scan3A_4 : i32
    %scan3A_6 = arith.constant 1 : i32
    scf.for %scan3A_8 = %scan3A to %scan3A_5 step %scan3A_6  : i32 {
      %mul3A_9 = arith.constant 8 : i32
      %mul3A_10 = arith.muli %scan3A_8, %mul3A_9 : i32
      %add3A_11 = arith.addi %mul3A_2, %mul3A_10 : i32
      "tpu.region"() ({
        %run_scoped3A = tpu.sem_alloc : memref<!tpu.dma_semaphore, #tpu.memory_space<semaphore_mem>>
        %dma_start3A = arith.constant 0 : i32
        %dma_start3A_105 = tpu.memref_slice %arg2[%add3A_11, %dma_start3A] : memref<4096x4096xf32, #tpu.memory_space<hbm>> -> memref<8x4096xf32, #tpu.memory_space<hbm>>
        %dma_start3A_106 = arith.constant 0 : i32
        %dma_start3A_107 = tpu.memref_slice %arg2[%add3A_11, %dma_start3A_106] : memref<4096x4096xf32, #tpu.memory_space<hbm>> -> memref<8x4096xf32, #tpu.memory_space<hbm>>
        tpu.enqueue_dma source(%dma_start3A_107 : memref<8x4096xf32, #tpu.memory_space<hbm>>) target(%arg4 : memref<8x4096xf32, #tpu.memory_space<vmem>>) target_semaphore(%run_scoped3A : memref<!tpu.dma_semaphore, #tpu.memory_space<semaphore_mem>>)
        %dma_wait3A = arith.constant 0 : i32
        %dma_wait3A_108 = tpu.memref_slice %arg2[%add3A_11, %dma_wait3A] : memref<4096x4096xf32, #tpu.memory_space<hbm>> -> memref<8x4096xf32, #tpu.memory_space<hbm>>
        %dma_wait3A_109 = arith.constant 0 : i32
        %dma_wait3A_110 = tpu.memref_slice %arg2[%add3A_11, %dma_wait3A_109] : memref<4096x4096xf32, #tpu.memory_space<hbm>> -> memref<8x4096xf32, #tpu.memory_space<hbm>>
        tpu.wait_dma2 semaphore(%run_scoped3A : memref<!tpu.dma_semaphore, #tpu.memory_space<semaphore_mem>>) src(%dma_wait3A_110 : memref<8x4096xf32, #tpu.memory_space<hbm>>) dst(%arg4 : memref<8x4096xf32, #tpu.memory_space<vmem>>)
        tpu.yield
      }) : () -> ()
      %swap3A = arith.constant 0 : index
      %swap3A_12 = tpu.vector_load %arg5[%swap3A] {strides = array<i32>} : memref<656xi32, #tpu.memory_space<vmem>>, vector<16xi32>,
      tpu.vector_store %arg5[%swap3A], %broadcast_in_dim3A_3 {strides = array<i32>} : memref<656xi32, #tpu.memory_space<vmem>>, vector<16xi32>,
      %swap3A_13 = arith.constant 16 : index
      %swap3A_14 = tpu.vector_load %arg5[%swap3A_13] {strides = array<i32>} : memref<656xi32, #tpu.memory_space<vmem>>, vector<16xi32>,
      tpu.vector_store %arg5[%swap3A_13], %broadcast_in_dim3A_3 {strides = array<i32>} : memref<656xi32, #tpu.memory_space<vmem>>, vector<16xi32>,
      %swap3A_15 = arith.constant 32 : index
      %swap3A_16 = tpu.vector_load %arg5[%swap3A_15] {strides = array<i32>} : memref<656xi32, #tpu.memory_space<vmem>>, vector<16xi32>,
      tpu.vector_store %arg5[%swap3A_15], %broadcast_in_dim3A_3 {strides = array<i32>} : memref<656xi32, #tpu.memory_space<vmem>>, vector<16xi32>,
      %swap3A_17 = arith.constant 48 : index
      %swap3A_18 = tpu.vector_load %arg5[%swap3A_17] {strides = array<i32>} : memref<656xi32, #tpu.memory_space<vmem>>, vector<16xi32>,
      tpu.vector_store %arg5[%swap3A_17], %broadcast_in_dim3A_3 {strides = array<i32>} : memref<656xi32, #tpu.memory_space<vmem>>, vector<16xi32>,
      %swap3A_19 = arith.constant 64 : index
      %swap3A_20 = tpu.vector_load %arg5[%swap3A_19] {strides = array<i32>} : memref<656xi32, #tpu.memory_space<vmem>>, vector<16xi32>,
      tpu.vector_store %arg5[%swap3A_19], %broadcast_in_dim3A_3 {strides = array<i32>} : memref<656xi32, #tpu.memory_space<vmem>>, vector<16xi32>,
      %swap3A_21 = arith.constant 80 : index
      %swap3A_22 = tpu.vector_load %arg5[%swap3A_21] {strides = array<i32>} : memref<656xi32, #tpu.memory_space<vmem>>, vector<16xi32>,
      tpu.vector_store %arg5[%swap3A_21], %broadcast_in_dim3A_3 {strides = array<i32>} : memref<656xi32, #tpu.memory_space<vmem>>, vector<16xi32>,
      %swap3A_23 = arith.constant 96 : index
      %swap3A_24 = tpu.vector_load %arg5[%swap3A_23] {strides = array<i32>} : memref<656xi32, #tpu.memory_space<vmem>>, vector<16xi32>,
      tpu.vector_store %arg5[%swap3A_23], %broadcast_in_dim3A_3 {strides = array<i32>} : memref<656xi32, #tpu.memory_space<vmem>>, vector<16xi32>,
      %swap3A_25 = arith.constant 112 : index
      %swap3A_26 = tpu.vector_load %arg5[%swap3A_25] {strides = array<i32>} : memref<656xi32, #tpu.memory_space<vmem>>, vector<16xi32>,
      tpu.vector_store %arg5[%swap3A_25], %broadcast_in_dim3A_3 {strides = array<i32>} : memref<656xi32, #tpu.memory_space<vmem>>, vector<16xi32>,
      %swap3A_27 = arith.constant 128 : index
      %swap3A_28 = tpu.vector_load %arg5[%swap3A_27] {strides = array<i32>} : memref<656xi32, #tpu.memory_space<vmem>>, vector<16xi32>,
      tpu.vector_store %arg5[%swap3A_27], %broadcast_in_dim3A_3 {strides = array<i32>} : memref<656xi32, #tpu.memory_space<vmem>>, vector<16xi32>,
      %swap3A_29 = arith.constant 144 : index
      %swap3A_30 = tpu.vector_load %arg5[%swap3A_29] {strides = array<i32>} : memref<656xi32, #tpu.memory_space<vmem>>, vector<16xi32>,
      tpu.vector_store %arg5[%swap3A_29], %broadcast_in_dim3A_3 {strides = array<i32>} : memref<656xi32, #tpu.memory_space<vmem>>, vector<16xi32>,
      %swap3A_31 = arith.constant 160 : index
      %swap3A_32 = tpu.vector_load %arg5[%swap3A_31] {strides = array<i32>} : memref<656xi32, #tpu.memory_space<vmem>>, vector<16xi32>,
      tpu.vector_store %arg5[%swap3A_31], %broadcast_in_dim3A_3 {strides = array<i32>} : memref<656xi32, #tpu.memory_space<vmem>>, vector<16xi32>,
      %swap3A_33 = arith.constant 176 : index
      %swap3A_34 = tpu.vector_load %arg5[%swap3A_33] {strides = array<i32>} : memref<656xi32, #tpu.memory_space<vmem>>, vector<16xi32>,
      tpu.vector_store %arg5[%swap3A_33], %broadcast_in_dim3A_3 {strides = array<i32>} : memref<656xi32, #tpu.memory_space<vmem>>, vector<16xi32>,
      %swap3A_35 = arith.constant 192 : index
      %swap3A_36 = tpu.vector_load %arg5[%swap3A_35] {strides = array<i32>} : memref<656xi32, #tpu.memory_space<vmem>>, vector<16xi32>,
      tpu.vector_store %arg5[%swap3A_35], %broadcast_in_dim3A_3 {strides = array<i32>} : memref<656xi32, #tpu.memory_space<vmem>>, vector<16xi32>,
      %swap3A_37 = arith.constant 208 : index
      %swap3A_38 = tpu.vector_load %arg5[%swap3A_37] {strides = array<i32>} : memref<656xi32, #tpu.memory_space<vmem>>, vector<16xi32>,
      tpu.vector_store %arg5[%swap3A_37], %broadcast_in_dim3A_3 {strides = array<i32>} : memref<656xi32, #tpu.memory_space<vmem>>, vector<16xi32>,
      %swap3A_39 = arith.constant 224 : index
      %swap3A_40 = tpu.vector_load %arg5[%swap3A_39] {strides = array<i32>} : memref<656xi32, #tpu.memory_space<vmem>>, vector<16xi32>,
      tpu.vector_store %arg5[%swap3A_39], %broadcast_in_dim3A_3 {strides = array<i32>} : memref<656xi32, #tpu.memory_space<vmem>>, vector<16xi32>,
      %swap3A_41 = arith.constant 240 : index
      %swap3A_42 = tpu.vector_load %arg5[%swap3A_41] {strides = array<i32>} : memref<656xi32, #tpu.memory_space<vmem>>, vector<16xi32>,
      tpu.vector_store %arg5[%swap3A_41], %broadcast_in_dim3A_3 {strides = array<i32>} : memref<656xi32, #tpu.memory_space<vmem>>, vector<16xi32>,
      %swap3A_43 = arith.constant 256 : index
      %swap3A_44 = tpu.vector_load %arg5[%swap3A_43] {strides = array<i32>} : memref<656xi32, #tpu.memory_space<vmem>>, vector<16xi32>,
      tpu.vector_store %arg5[%swap3A_43], %broadcast_in_dim3A_3 {strides = array<i32>} : memref<656xi32, #tpu.memory_space<vmem>>, vector<16xi32>,
      %swap3A_45 = arith.constant 272 : index
      %swap3A_46 = tpu.vector_load %arg5[%swap3A_45] {strides = array<i32>} : memref<656xi32, #tpu.memory_space<vmem>>, vector<16xi32>,
      tpu.vector_store %arg5[%swap3A_45], %broadcast_in_dim3A_3 {strides = array<i32>} : memref<656xi32, #tpu.memory_space<vmem>>, vector<16xi32>,
      %swap3A_47 = arith.constant 288 : index
      %swap3A_48 = tpu.vector_load %arg5[%swap3A_47] {strides = array<i32>} : memref<656xi32, #tpu.memory_space<vmem>>, vector<16xi32>,
      tpu.vector_store %arg5[%swap3A_47], %broadcast_in_dim3A_3 {strides = array<i32>} : memref<656xi32, #tpu.memory_space<vmem>>, vector<16xi32>,
      %swap3A_49 = arith.constant 304 : index
      %swap3A_50 = tpu.vector_load %arg5[%swap3A_49] {strides = array<i32>} : memref<656xi32, #tpu.memory_space<vmem>>, vector<16xi32>,
      tpu.vector_store %arg5[%swap3A_49], %broadcast_in_dim3A_3 {strides = array<i32>} : memref<656xi32, #tpu.memory_space<vmem>>, vector<16xi32>,
      %swap3A_51 = arith.constant 320 : index
      %swap3A_52 = tpu.vector_load %arg5[%swap3A_51] {strides = array<i32>} : memref<656xi32, #tpu.memory_space<vmem>>, vector<16xi32>,
      tpu.vector_store %arg5[%swap3A_51], %broadcast_in_dim3A_3 {strides = array<i32>} : memref<656xi32, #tpu.memory_space<vmem>>, vector<16xi32>,
      %swap3A_53 = arith.constant 336 : index
      %swap3A_54 = tpu.vector_load %arg5[%swap3A_53] {strides = array<i32>} : memref<656xi32, #tpu.memory_space<vmem>>, vector<16xi32>,
      tpu.vector_store %arg5[%swap3A_53], %broadcast_in_dim3A_3 {strides = array<i32>} : memref<656xi32, #tpu.memory_space<vmem>>, vector<16xi32>,
      %swap3A_55 = arith.constant 352 : index
      %swap3A_56 = tpu.vector_load %arg5[%swap3A_55] {strides = array<i32>} : memref<656xi32, #tpu.memory_space<vmem>>, vector<16xi32>,
      tpu.vector_store %arg5[%swap3A_55], %broadcast_in_dim3A_3 {strides = array<i32>} : memref<656xi32, #tpu.memory_space<vmem>>, vector<16xi32>,
      %swap3A_57 = arith.constant 368 : index
      %swap3A_58 = tpu.vector_load %arg5[%swap3A_57] {strides = array<i32>} : memref<656xi32, #tpu.memory_space<vmem>>, vector<16xi32>,
      tpu.vector_store %arg5[%swap3A_57], %broadcast_in_dim3A_3 {strides = array<i32>} : memref<656xi32, #tpu.memory_space<vmem>>, vector<16xi32>,
      %swap3A_59 = arith.constant 384 : index
      %swap3A_60 = tpu.vector_load %arg5[%swap3A_59] {strides = array<i32>} : memref<656xi32, #tpu.memory_space<vmem>>, vector<16xi32>,
      tpu.vector_store %arg5[%swap3A_59], %broadcast_in_dim3A_3 {strides = array<i32>} : memref<656xi32, #tpu.memory_space<vmem>>, vector<16xi32>,
      %swap3A_61 = arith.constant 400 : index
      %swap3A_62 = tpu.vector_load %arg5[%swap3A_61] {strides = array<i32>} : memref<656xi32, #tpu.memory_space<vmem>>, vector<16xi32>,
      tpu.vector_store %arg5[%swap3A_61], %broadcast_in_dim3A_3 {strides = array<i32>} : memref<656xi32, #tpu.memory_space<vmem>>, vector<16xi32>,
      %swap3A_63 = arith.constant 416 : index
      %swap3A_64 = tpu.vector_load %arg5[%swap3A_63] {strides = array<i32>} : memref<656xi32, #tpu.memory_space<vmem>>, vector<16xi32>,
      tpu.vector_store %arg5[%swap3A_63], %broadcast_in_dim3A_3 {strides = array<i32>} : memref<656xi32, #tpu.memory_space<vmem>>, vector<16xi32>,
      %swap3A_65 = arith.constant 432 : index
      %swap3A_66 = tpu.vector_load %arg5[%swap3A_65] {strides = array<i32>} : memref<656xi32, #tpu.memory_space<vmem>>, vector<16xi32>,
      tpu.vector_store %arg5[%swap3A_65], %broadcast_in_dim3A_3 {strides = array<i32>} : memref<656xi32, #tpu.memory_space<vmem>>, vector<16xi32>,
      %swap3A_67 = arith.constant 448 : index
      %swap3A_68 = tpu.vector_load %arg5[%swap3A_67] {strides = array<i32>} : memref<656xi32, #tpu.memory_space<vmem>>, vector<16xi32>,
      tpu.vector_store %arg5[%swap3A_67], %broadcast_in_dim3A_3 {strides = array<i32>} : memref<656xi32, #tpu.memory_space<vmem>>, vector<16xi32>,
      %swap3A_69 = arith.constant 464 : index
      %swap3A_70 = tpu.vector_load %arg5[%swap3A_69] {strides = array<i32>} : memref<656xi32, #tpu.memory_space<vmem>>, vector<16xi32>,
      tpu.vector_store %arg5[%swap3A_69], %broadcast_in_dim3A_3 {strides = array<i32>} : memref<656xi32, #tpu.memory_space<vmem>>, vector<16xi32>,
      %swap3A_71 = arith.constant 480 : index
      %swap3A_72 = tpu.vector_load %arg5[%swap3A_71] {strides = array<i32>} : memref<656xi32, #tpu.memory_space<vmem>>, vector<16xi32>,
      tpu.vector_store %arg5[%swap3A_71], %broadcast_in_dim3A_3 {strides = array<i32>} : memref<656xi32, #tpu.memory_space<vmem>>, vector<16xi32>,
      %swap3A_73 = arith.constant 496 : index
      %swap3A_74 = tpu.vector_load %arg5[%swap3A_73] {strides = array<i32>} : memref<656xi32, #tpu.memory_space<vmem>>, vector<16xi32>,
      tpu.vector_store %arg5[%swap3A_73], %broadcast_in_dim3A_3 {strides = array<i32>} : memref<656xi32, #tpu.memory_space<vmem>>, vector<16xi32>,
      %swap3A_75 = arith.constant 512 : index
      %swap3A_76 = tpu.vector_load %arg5[%swap3A_75] {strides = array<i32>} : memref<656xi32, #tpu.memory_space<vmem>>, vector<16xi32>,
      tpu.vector_store %arg5[%swap3A_75], %broadcast_in_dim3A_3 {strides = array<i32>} : memref<656xi32, #tpu.memory_space<vmem>>, vector<16xi32>,
      %swap3A_77 = arith.constant 528 : index
      %swap3A_78 = tpu.vector_load %arg5[%swap3A_77] {strides = array<i32>} : memref<656xi32, #tpu.memory_space<vmem>>, vector<16xi32>,
      tpu.vector_store %arg5[%swap3A_77], %broadcast_in_dim3A_3 {strides = array<i32>} : memref<656xi32, #tpu.memory_space<vmem>>, vector<16xi32>,
      %swap3A_79 = arith.constant 544 : index
      %swap3A_80 = tpu.vector_load %arg5[%swap3A_79] {strides = array<i32>} : memref<656xi32, #tpu.memory_space<vmem>>, vector<16xi32>,
      tpu.vector_store %arg5[%swap3A_79], %broadcast_in_dim3A_3 {strides = array<i32>} : memref<656xi32, #tpu.memory_space<vmem>>, vector<16xi32>,
      %swap3A_81 = arith.constant 560 : index
      %swap3A_82 = tpu.vector_load %arg5[%swap3A_81] {strides = array<i32>} : memref<656xi32, #tpu.memory_space<vmem>>, vector<16xi32>,
      tpu.vector_store %arg5[%swap3A_81], %broadcast_in_dim3A_3 {strides = array<i32>} : memref<656xi32, #tpu.memory_space<vmem>>, vector<16xi32>,
      %swap3A_83 = arith.constant 576 : index
      %swap3A_84 = tpu.vector_load %arg5[%swap3A_83] {strides = array<i32>} : memref<656xi32, #tpu.memory_space<vmem>>, vector<16xi32>,
      tpu.vector_store %arg5[%swap3A_83], %broadcast_in_dim3A_3 {strides = array<i32>} : memref<656xi32, #tpu.memory_space<vmem>>, vector<16xi32>,
      %swap3A_85 = arith.constant 592 : index
      %swap3A_86 = tpu.vector_load %arg5[%swap3A_85] {strides = array<i32>} : memref<656xi32, #tpu.memory_space<vmem>>, vector<16xi32>,
      tpu.vector_store %arg5[%swap3A_85], %broadcast_in_dim3A_3 {strides = array<i32>} : memref<656xi32, #tpu.memory_space<vmem>>, vector<16xi32>,
      %swap3A_87 = arith.constant 608 : index
      %swap3A_88 = tpu.vector_load %arg5[%swap3A_87] {strides = array<i32>} : memref<656xi32, #tpu.memory_space<vmem>>, vector<16xi32>,
      tpu.vector_store %arg5[%swap3A_87], %broadcast_in_dim3A_3 {strides = array<i32>} : memref<656xi32, #tpu.memory_space<vmem>>, vector<16xi32>,
      %swap3A_89 = arith.constant 624 : index
      %swap3A_90 = tpu.vector_load %arg5[%swap3A_89] {strides = array<i32>} : memref<656xi32, #tpu.memory_space<vmem>>, vector<16xi32>,
      tpu.vector_store %arg5[%swap3A_89], %broadcast_in_dim3A_3 {strides = array<i32>} : memref<656xi32, #tpu.memory_space<vmem>>, vector<16xi32>,
      %swap3A_91 = arith.constant 640 : index
      %swap3A_92 = tpu.vector_load %arg5[%swap3A_91] {strides = array<i32>} : memref<656xi32, #tpu.memory_space<vmem>>, vector<16xi32>,
      tpu.vector_store %arg5[%swap3A_91], %broadcast_in_dim3A_3 {strides = array<i32>} : memref<656xi32, #tpu.memory_space<vmem>>, vector<16xi32>,
      %scan3A_93 = arith.constant 0 : i32
      %scan3A_94 = arith.constant 0 : i32
      %scan3A_95 = arith.constant 256 : i32
      %scan3A_96 = arith.addi %scan3A_94, %scan3A_95 : i32
      %scan3A_97 = arith.constant 1 : i32
      %scan3A_98 = scf.for %scan3A_105 = %scan3A_94 to %scan3A_96 step %scan3A_97 iter_args(%scan3A_106 = %scan3A_93) -> (i32)  : i32 {
        %mul3A_107 = arith.constant 16 : i32
        %mul3A_108 = arith.muli %scan3A_105, %mul3A_107 : i32
        %get3A = arith.constant 0 : i32
        %get3A_109 = arith.index_cast %get3A : i32 to index
        %get3A_110 = arith.index_cast %mul3A_108 : i32 to index
        %get3A_111 = tpu.vector_load %arg4[%get3A_109, %get3A_110] {strides = array<i32>} : memref<8x4096xf32, #tpu.memory_space<vmem>>, vector<16xf32>,
        %gt3A = arith.constant 5.000000e-01 : f32
        %gt3A_112 = vector.broadcast %gt3A : f32 to vector<16xf32>
        %gt3A_113 = arith.cmpf ogt, %get3A_111, %gt3A_112 : vector<16xf32>
        %mul3A_114 = arith.constant 16 : i32
        %mul3A_115 = arith.muli %scan3A_105, %mul3A_114 : i32
        %add3A_116 = arith.constant 0 : i32
        %add3A_117 = arith.addi %add3A_116, %mul3A_115 : i32
        %add3A_118 = vector.broadcast %add3A_117 : i32 to vector<16xi32>
        %add3A_119 = arith.addi %add3A_118, %iota3A : vector<16xi32>
        %swap3A_120 = arith.index_cast %scan3A_106 : i32 to index
        %swap3A_121 = tpu.vector_load %arg5[%swap3A_120] masked %gt3A_113 {strides = array<i32>} : memref<656xi32, #tpu.memory_space<vmem>>, vector<16xi32>, vector<16xi1>
        tpu.vector_store %arg5[%swap3A_120], %add3A_119 masked %gt3A_113 {strides = array<i32>} : memref<656xi32, #tpu.memory_space<vmem>>, vector<16xi32>, vector<16xi1>
        %all_reduce_population_count3A = tpu.all_reduce %gt3A_113 {dim = 0 : i64, kind = #tpu.reduction_kind<sum>} : vector<16xi1> -> vector<16xi32>
        %slice3A = vector.extract_strided_slice %all_reduce_population_count3A {offsets = [0], sizes = [1], strides = [1]} : vector<16xi32> to vector<1xi32>
        %squeeze3A = vector.extract %slice3A[0] : i32 from vector<1xi32>
        %add3A_122 = arith.addi %scan3A_106, %squeeze3A : i32
        %min3A = arith.constant 640 : i32
        %min3A_123 = arith.minsi %add3A_122, %min3A : i32
        %mul3A_124 = arith.constant 16 : i32
        %mul3A_125 = arith.muli %scan3A_105, %mul3A_124 : i32
        %get3A_126 = arith.constant 1 : i32
        %get3A_127 = arith.index_cast %get3A_126 : i32 to index
        %get3A_128 = arith.index_cast %mul3A_125 : i32 to index
        %get3A_129 = tpu.vector_load %arg4[%get3A_127, %get3A_128] {strides = array<i32>} : memref<8x4096xf32, #tpu.memory_space<vmem>>, vector<16xf32>,
        %gt3A_130 = arith.constant 5.000000e-01 : f32
        %gt3A_131 = vector.broadcast %gt3A_130 : f32 to vector<16xf32>
        %gt3A_132 = arith.cmpf ogt, %get3A_129, %gt3A_131 : vector<16xf32>
        %mul3A_133 = arith.constant 16 : i32
        %mul3A_134 = arith.muli %scan3A_105, %mul3A_133 : i32
        %add3A_135 = arith.constant 4096 : i32
        %add3A_136 = arith.addi %add3A_135, %mul3A_134 : i32
        %add3A_137 = vector.broadcast %add3A_136 : i32 to vector<16xi32>
        %add3A_138 = arith.addi %add3A_137, %iota3A : vector<16xi32>
        %swap3A_139 = arith.index_cast %min3A_123 : i32 to index
        %swap3A_140 = tpu.vector_load %arg5[%swap3A_139] masked %gt3A_132 {strides = array<i32>} : memref<656xi32, #tpu.memory_space<vmem>>, vector<16xi32>, vector<16xi1>
        tpu.vector_store %arg5[%swap3A_139], %add3A_138 masked %gt3A_132 {strides = array<i32>} : memref<656xi32, #tpu.memory_space<vmem>>, vector<16xi32>, vector<16xi1>
        %all_reduce_population_count3A_141 = tpu.all_reduce %gt3A_132 {dim = 0 : i64, kind = #tpu.reduction_kind<sum>} : vector<16xi1> -> vector<16xi32>
        %slice3A_142 = vector.extract_strided_slice %all_reduce_population_count3A_141 {offsets = [0], sizes = [1], strides = [1]} : vector<16xi32> to vector<1xi32>
        %squeeze3A_143 = vector.extract %slice3A_142[0] : i32 from vector<1xi32>
        %add3A_144 = arith.addi %min3A_123, %squeeze3A_143 : i32
        %min3A_145 = arith.constant 640 : i32
        %min3A_146 = arith.minsi %add3A_144, %min3A_145 : i32
        %mul3A_147 = arith.constant 16 : i32
        %mul3A_148 = arith.muli %scan3A_105, %mul3A_147 : i32
        %get3A_149 = arith.constant 2 : i32
        %get3A_150 = arith.index_cast %get3A_149 : i32 to index
        %get3A_151 = arith.index_cast %mul3A_148 : i32 to index
        %get3A_152 = tpu.vector_load %arg4[%get3A_150, %get3A_151] {strides = array<i32>} : memref<8x4096xf32, #tpu.memory_space<vmem>>, vector<16xf32>,
        %gt3A_153 = arith.constant 5.000000e-01 : f32
        %gt3A_154 = vector.broadcast %gt3A_153 : f32 to vector<16xf32>
        %gt3A_155 = arith.cmpf ogt, %get3A_152, %gt3A_154 : vector<16xf32>
        %mul3A_156 = arith.constant 16 : i32
        %mul3A_157 = arith.muli %scan3A_105, %mul3A_156 : i32
        %add3A_158 = arith.constant 8192 : i32
        %add3A_159 = arith.addi %add3A_158, %mul3A_157 : i32
        %add3A_160 = vector.broadcast %add3A_159 : i32 to vector<16xi32>
        %add3A_161 = arith.addi %add3A_160, %iota3A : vector<16xi32>
        %swap3A_162 = arith.index_cast %min3A_146 : i32 to index
        %swap3A_163 = tpu.vector_load %arg5[%swap3A_162] masked %gt3A_155 {strides = array<i32>} : memref<656xi32, #tpu.memory_space<vmem>>, vector<16xi32>, vector<16xi1>
        tpu.vector_store %arg5[%swap3A_162], %add3A_161 masked %gt3A_155 {strides = array<i32>} : memref<656xi32, #tpu.memory_space<vmem>>, vector<16xi32>, vector<16xi1>
        %all_reduce_population_count3A_164 = tpu.all_reduce %gt3A_155 {dim = 0 : i64, kind = #tpu.reduction_kind<sum>} : vector<16xi1> -> vector<16xi32>
        %slice3A_165 = vector.extract_strided_slice %all_reduce_population_count3A_164 {offsets = [0], sizes = [1], strides = [1]} : vector<16xi32> to vector<1xi32>
        %squeeze3A_166 = vector.extract %slice3A_165[0] : i32 from vector<1xi32>
        %add3A_167 = arith.addi %min3A_146, %squeeze3A_166 : i32
        %min3A_168 = arith.constant 640 : i32
        %min3A_169 = arith.minsi %add3A_167, %min3A_168 : i32
        %mul3A_170 = arith.constant 16 : i32
        %mul3A_171 = arith.muli %scan3A_105, %mul3A_170 : i32
        %get3A_172 = arith.constant 3 : i32
        %get3A_173 = arith.index_cast %get3A_172 : i32 to index
        %get3A_174 = arith.index_cast %mul3A_171 : i32 to index
        %get3A_175 = tpu.vector_load %arg4[%get3A_173, %get3A_174] {strides = array<i32>} : memref<8x4096xf32, #tpu.memory_space<vmem>>, vector<16xf32>,
        %gt3A_176 = arith.constant 5.000000e-01 : f32
        %gt3A_177 = vector.broadcast %gt3A_176 : f32 to vector<16xf32>
        %gt3A_178 = arith.cmpf ogt, %get3A_175, %gt3A_177 : vector<16xf32>
        %mul3A_179 = arith.constant 16 : i32
        %mul3A_180 = arith.muli %scan3A_105, %mul3A_179 : i32
        %add3A_181 = arith.constant 12288 : i32
        %add3A_182 = arith.addi %add3A_181, %mul3A_180 : i32
        %add3A_183 = vector.broadcast %add3A_182 : i32 to vector<16xi32>
        %add3A_184 = arith.addi %add3A_183, %iota3A : vector<16xi32>
        %swap3A_185 = arith.index_cast %min3A_169 : i32 to index
        %swap3A_186 = tpu.vector_load %arg5[%swap3A_185] masked %gt3A_178 {strides = array<i32>} : memref<656xi32, #tpu.memory_space<vmem>>, vector<16xi32>, vector<16xi1>
        tpu.vector_store %arg5[%swap3A_185], %add3A_184 masked %gt3A_178 {strides = array<i32>} : memref<656xi32, #tpu.memory_space<vmem>>, vector<16xi32>, vector<16xi1>
        %all_reduce_population_count3A_187 = tpu.all_reduce %gt3A_178 {dim = 0 : i64, kind = #tpu.reduction_kind<sum>} : vector<16xi1> -> vector<16xi32>
        %slice3A_188 = vector.extract_strided_slice %all_reduce_population_count3A_187 {offsets = [0], sizes = [1], strides = [1]} : vector<16xi32> to vector<1xi32>
        %squeeze3A_189 = vector.extract %slice3A_188[0] : i32 from vector<1xi32>
        %add3A_190 = arith.addi %min3A_169, %squeeze3A_189 : i32
        %min3A_191 = arith.constant 640 : i32
        %min3A_192 = arith.minsi %add3A_190, %min3A_191 : i32
        %mul3A_193 = arith.constant 16 : i32
        %mul3A_194 = arith.muli %scan3A_105, %mul3A_193 : i32
        %get3A_195 = arith.constant 4 : i32
        %get3A_196 = arith.index_cast %get3A_195 : i32 to index
        %get3A_197 = arith.index_cast %mul3A_194 : i32 to index
        %get3A_198 = tpu.vector_load %arg4[%get3A_196, %get3A_197] {strides = array<i32>} : memref<8x4096xf32, #tpu.memory_space<vmem>>, vector<16xf32>,
        %gt3A_199 = arith.constant 5.000000e-01 : f32
        %gt3A_200 = vector.broadcast %gt3A_199 : f32 to vector<16xf32>
        %gt3A_201 = arith.cmpf ogt, %get3A_198, %gt3A_200 : vector<16xf32>
        %mul3A_202 = arith.constant 16 : i32
        %mul3A_203 = arith.muli %scan3A_105, %mul3A_202 : i32
        %add3A_204 = arith.constant 16384 : i32
        %add3A_205 = arith.addi %add3A_204, %mul3A_203 : i32
        %add3A_206 = vector.broadcast %add3A_205 : i32 to vector<16xi32>
        %add3A_207 = arith.addi %add3A_206, %iota3A : vector<16xi32>
        %swap3A_208 = arith.index_cast %min3A_192 : i32 to index
        %swap3A_209 = tpu.vector_load %arg5[%swap3A_208] masked %gt3A_201 {strides = array<i32>} : memref<656xi32, #tpu.memory_space<vmem>>, vector<16xi32>, vector<16xi1>
        tpu.vector_store %arg5[%swap3A_208], %add3A_207 masked %gt3A_201 {strides = array<i32>} : memref<656xi32, #tpu.memory_space<vmem>>, vector<16xi32>, vector<16xi1>
        %all_reduce_population_count3A_210 = tpu.all_reduce %gt3A_201 {dim = 0 : i64, kind = #tpu.reduction_kind<sum>} : vector<16xi1> -> vector<16xi32>
        %slice3A_211 = vector.extract_strided_slice %all_reduce_population_count3A_210 {offsets = [0], sizes = [1], strides = [1]} : vector<16xi32> to vector<1xi32>
        %squeeze3A_212 = vector.extract %slice3A_211[0] : i32 from vector<1xi32>
        %add3A_213 = arith.addi %min3A_192, %squeeze3A_212 : i32
        %min3A_214 = arith.constant 640 : i32
        %min3A_215 = arith.minsi %add3A_213, %min3A_214 : i32
        %mul3A_216 = arith.constant 16 : i32
        %mul3A_217 = arith.muli %scan3A_105, %mul3A_216 : i32
        %get3A_218 = arith.constant 5 : i32
        %get3A_219 = arith.index_cast %get3A_218 : i32 to index
        %get3A_220 = arith.index_cast %mul3A_217 : i32 to index
        %get3A_221 = tpu.vector_load %arg4[%get3A_219, %get3A_220] {strides = array<i32>} : memref<8x4096xf32, #tpu.memory_space<vmem>>, vector<16xf32>,
        %gt3A_222 = arith.constant 5.000000e-01 : f32
        %gt3A_223 = vector.broadcast %gt3A_222 : f32 to vector<16xf32>
        %gt3A_224 = arith.cmpf ogt, %get3A_221, %gt3A_223 : vector<16xf32>
        %mul3A_225 = arith.constant 16 : i32
        %mul3A_226 = arith.muli %scan3A_105, %mul3A_225 : i32
        %add3A_227 = arith.constant 20480 : i32
        %add3A_228 = arith.addi %add3A_227, %mul3A_226 : i32
        %add3A_229 = vector.broadcast %add3A_228 : i32 to vector<16xi32>
        %add3A_230 = arith.addi %add3A_229, %iota3A : vector<16xi32>
        %swap3A_231 = arith.index_cast %min3A_215 : i32 to index
        %swap3A_232 = tpu.vector_load %arg5[%swap3A_231] masked %gt3A_224 {strides = array<i32>} : memref<656xi32, #tpu.memory_space<vmem>>, vector<16xi32>, vector<16xi1>
        tpu.vector_store %arg5[%swap3A_231], %add3A_230 masked %gt3A_224 {strides = array<i32>} : memref<656xi32, #tpu.memory_space<vmem>>, vector<16xi32>, vector<16xi1>
        %all_reduce_population_count3A_233 = tpu.all_reduce %gt3A_224 {dim = 0 : i64, kind = #tpu.reduction_kind<sum>} : vector<16xi1> -> vector<16xi32>
        %slice3A_234 = vector.extract_strided_slice %all_reduce_population_count3A_233 {offsets = [0], sizes = [1], strides = [1]} : vector<16xi32> to vector<1xi32>
        %squeeze3A_235 = vector.extract %slice3A_234[0] : i32 from vector<1xi32>
        %add3A_236 = arith.addi %min3A_215, %squeeze3A_235 : i32
        %min3A_237 = arith.constant 640 : i32
        %min3A_238 = arith.minsi %add3A_236, %min3A_237 : i32
        %mul3A_239 = arith.constant 16 : i32
        %mul3A_240 = arith.muli %scan3A_105, %mul3A_239 : i32
        %get3A_241 = arith.constant 6 : i32
        %get3A_242 = arith.index_cast %get3A_241 : i32 to index
        %get3A_243 = arith.index_cast %mul3A_240 : i32 to index
        %get3A_244 = tpu.vector_load %arg4[%get3A_242, %get3A_243] {strides = array<i32>} : memref<8x4096xf32, #tpu.memory_space<vmem>>, vector<16xf32>,
        %gt3A_245 = arith.constant 5.000000e-01 : f32
        %gt3A_246 = vector.broadcast %gt3A_245 : f32 to vector<16xf32>
        %gt3A_247 = arith.cmpf ogt, %get3A_244, %gt3A_246 : vector<16xf32>
        %mul3A_248 = arith.constant 16 : i32
        %mul3A_249 = arith.muli %scan3A_105, %mul3A_248 : i32
        %add3A_250 = arith.constant 24576 : i32
        %add3A_251 = arith.addi %add3A_250, %mul3A_249 : i32
        %add3A_252 = vector.broadcast %add3A_251 : i32 to vector<16xi32>
        %add3A_253 = arith.addi %add3A_252, %iota3A : vector<16xi32>
        %swap3A_254 = arith.index_cast %min3A_238 : i32 to index
        %swap3A_255 = tpu.vector_load %arg5[%swap3A_254] masked %gt3A_247 {strides = array<i32>} : memref<656xi32, #tpu.memory_space<vmem>>, vector<16xi32>, vector<16xi1>
        tpu.vector_store %arg5[%swap3A_254], %add3A_253 masked %gt3A_247 {strides = array<i32>} : memref<656xi32, #tpu.memory_space<vmem>>, vector<16xi32>, vector<16xi1>
        %all_reduce_population_count3A_256 = tpu.all_reduce %gt3A_247 {dim = 0 : i64, kind = #tpu.reduction_kind<sum>} : vector<16xi1> -> vector<16xi32>
        %slice3A_257 = vector.extract_strided_slice %all_reduce_population_count3A_256 {offsets = [0], sizes = [1], strides = [1]} : vector<16xi32> to vector<1xi32>
        %squeeze3A_258 = vector.extract %slice3A_257[0] : i32 from vector<1xi32>
        %add3A_259 = arith.addi %min3A_238, %squeeze3A_258 : i32
        %min3A_260 = arith.constant 640 : i32
        %min3A_261 = arith.minsi %add3A_259, %min3A_260 : i32
        %mul3A_262 = arith.constant 16 : i32
        %mul3A_263 = arith.muli %scan3A_105, %mul3A_262 : i32
        %get3A_264 = arith.constant 7 : i32
        %get3A_265 = arith.index_cast %get3A_264 : i32 to index
        %get3A_266 = arith.index_cast %mul3A_263 : i32 to index
        %get3A_267 = tpu.vector_load %arg4[%get3A_265, %get3A_266] {strides = array<i32>} : memref<8x4096xf32, #tpu.memory_space<vmem>>, vector<16xf32>,
        %gt3A_268 = arith.constant 5.000000e-01 : f32
        %gt3A_269 = vector.broadcast %gt3A_268 : f32 to vector<16xf32>
        %gt3A_270 = arith.cmpf ogt, %get3A_267, %gt3A_269 : vector<16xf32>
        %mul3A_271 = arith.constant 16 : i32
        %mul3A_272 = arith.muli %scan3A_105, %mul3A_271 : i32
        %add3A_273 = arith.constant 28672 : i32
        %add3A_274 = arith.addi %add3A_273, %mul3A_272 : i32
        %add3A_275 = vector.broadcast %add3A_274 : i32 to vector<16xi32>
        %add3A_276 = arith.addi %add3A_275, %iota3A : vector<16xi32>
        %swap3A_277 = arith.index_cast %min3A_261 : i32 to index
        %swap3A_278 = tpu.vector_load %arg5[%swap3A_277] masked %gt3A_270 {strides = array<i32>} : memref<656xi32, #tpu.memory_space<vmem>>, vector<16xi32>, vector<16xi1>
        tpu.vector_store %arg5[%swap3A_277], %add3A_276 masked %gt3A_270 {strides = array<i32>} : memref<656xi32, #tpu.memory_space<vmem>>, vector<16xi32>, vector<16xi1>
        %all_reduce_population_count3A_279 = tpu.all_reduce %gt3A_270 {dim = 0 : i64, kind = #tpu.reduction_kind<sum>} : vector<16xi1> -> vector<16xi32>
        %slice3A_280 = vector.extract_strided_slice %all_reduce_population_count3A_279 {offsets = [0], sizes = [1], strides = [1]} : vector<16xi32> to vector<1xi32>
        %squeeze3A_281 = vector.extract %slice3A_280[0] : i32 from vector<1xi32>
        %add3A_282 = arith.addi %min3A_261, %squeeze3A_281 : i32
        %min3A_283 = arith.constant 640 : i32
        %min3A_284 = arith.minsi %add3A_282, %min3A_283 : i32
        scf.yield %min3A_284 : i32
      }
      %scan3A_99 = arith.constant 256 : i32
      %mul3A_100 = arith.constant 10240 : i32
      %mul3A_101 = arith.muli %add3A, %mul3A_100 : i32
      %mul3A_102 = arith.constant 640 : i32
      %mul3A_103 = arith.muli %scan3A_8, %mul3A_102 : i32
      %add3A_104 = arith.addi %mul3A_101, %mul3A_103 : i32
      "tpu.region"() ({
        %run_scoped3A = tpu.sem_alloc : memref<!tpu.dma_semaphore, #tpu.memory_space<semaphore_mem>>
        %dma_start3A = arith.constant 0 : i32
        %dma_start3A_105 = tpu.memref_slice %arg5[%dma_start3A] : memref<656xi32, #tpu.memory_space<vmem>> -> memref<640xi32, #tpu.memory_space<vmem>>
        %dma_start3A_106 = tpu.memref_slice %arg3[%add3A_104] : memref<327680xi32, #tpu.memory_space<hbm>> -> memref<640xi32, #tpu.memory_space<hbm>>
        %dma_start3A_107 = tpu.memref_slice %arg3[%add3A_104] : memref<327680xi32, #tpu.memory_space<hbm>> -> memref<640xi32, #tpu.memory_space<hbm>>
        %dma_start3A_108 = arith.constant 0 : i32
        %dma_start3A_109 = tpu.memref_slice %arg5[%dma_start3A_108] : memref<656xi32, #tpu.memory_space<vmem>> -> memref<640xi32, #tpu.memory_space<vmem>>
        tpu.enqueue_dma source(%dma_start3A_109 : memref<640xi32, #tpu.memory_space<vmem>>) target(%dma_start3A_107 : memref<640xi32, #tpu.memory_space<hbm>>) target_semaphore(%run_scoped3A : memref<!tpu.dma_semaphore, #tpu.memory_space<semaphore_mem>>)
        %dma_wait3A = arith.constant 0 : i32
        %dma_wait3A_110 = tpu.memref_slice %arg5[%dma_wait3A] : memref<656xi32, #tpu.memory_space<vmem>> -> memref<640xi32, #tpu.memory_space<vmem>>
        %dma_wait3A_111 = tpu.memref_slice %arg3[%add3A_104] : memref<327680xi32, #tpu.memory_space<hbm>> -> memref<640xi32, #tpu.memory_space<hbm>>
        %dma_wait3A_112 = tpu.memref_slice %arg3[%add3A_104] : memref<327680xi32, #tpu.memory_space<hbm>> -> memref<640xi32, #tpu.memory_space<hbm>>
        %dma_wait3A_113 = arith.constant 0 : i32
        %dma_wait3A_114 = tpu.memref_slice %arg5[%dma_wait3A_113] : memref<656xi32, #tpu.memory_space<vmem>> -> memref<640xi32, #tpu.memory_space<vmem>>
        tpu.wait_dma2 semaphore(%run_scoped3A : memref<!tpu.dma_semaphore, #tpu.memory_space<semaphore_mem>>) src(%dma_wait3A_114 : memref<640xi32, #tpu.memory_space<vmem>>) dst(%dma_wait3A_112 : memref<640xi32, #tpu.memory_space<hbm>>)
        tpu.yield
      }) : () -> ()
    }
    %scan3A_7 = arith.constant 16 : i32
    return
  }
}

#map = affine_map<(d0, d1) -> (0, 0)>
#map1 = affine_map<(d0, d1) -> (0)>
module attributes {stable_mosaic.version = 14 : i64} {
  func.func @gather(%arg0: i32, %arg1: i32, %arg2: memref<4096x4096xf32, #tpu.memory_space<hbm>>, %arg3: memref<327680xi32, #tpu.memory_space<hbm>>, %arg4: memref<327680xf32, #tpu.memory_space<hbm>>, %arg5: memref<8x4096xf32, #tpu.memory_space<vmem>>, %arg6: memref<10240xi32, #tpu.memory_space<vmem>>, %arg7: memref<10240xf32, #tpu.memory_space<vmem>>) attributes {dimension_semantics = [#tpu.dimension_semantics<core_parallel>, #tpu.dimension_semantics<subcore_parallel>], iteration_bounds = array<i64: 2, 16>, scalar_prefetch = 0 : i64, scratch_operands = 3 : i64, tpu.core_type = #tpu.core_type<sc_vector_subcore>, window_params = [{transform_indices = #map}, {transform_indices = #map1}, {transform_indices = #map1}]} {
    %mul3A = arith.constant 2 : i32
    %mul3A_0 = arith.muli %arg1, %mul3A : i32
    %add3A = arith.addi %mul3A_0, %arg0 : i32
    %mul3A_1 = arith.constant 128 : i32
    %mul3A_2 = arith.muli %add3A, %mul3A_1 : i32
    %mul3A_3 = arith.constant 10240 : i32
    %mul3A_4 = arith.muli %add3A, %mul3A_3 : i32
    "tpu.region"() ({
      %run_scoped3A = tpu.sem_alloc : memref<!tpu.dma_semaphore, #tpu.memory_space<semaphore_mem>>
      %dma_start3A = tpu.memref_slice %arg3[%mul3A_4] : memref<327680xi32, #tpu.memory_space<hbm>> -> memref<10240xi32, #tpu.memory_space<hbm>>
      %dma_start3A_12 = tpu.memref_slice %arg3[%mul3A_4] : memref<327680xi32, #tpu.memory_space<hbm>> -> memref<10240xi32, #tpu.memory_space<hbm>>
      tpu.enqueue_dma source(%dma_start3A_12 : memref<10240xi32, #tpu.memory_space<hbm>>) target(%arg6 : memref<10240xi32, #tpu.memory_space<vmem>>) target_semaphore(%run_scoped3A : memref<!tpu.dma_semaphore, #tpu.memory_space<semaphore_mem>>)
      %dma_wait3A = tpu.memref_slice %arg3[%mul3A_4] : memref<327680xi32, #tpu.memory_space<hbm>> -> memref<10240xi32, #tpu.memory_space<hbm>>
      %dma_wait3A_13 = tpu.memref_slice %arg3[%mul3A_4] : memref<327680xi32, #tpu.memory_space<hbm>> -> memref<10240xi32, #tpu.memory_space<hbm>>
      tpu.wait_dma2 semaphore(%run_scoped3A : memref<!tpu.dma_semaphore, #tpu.memory_space<semaphore_mem>>) src(%dma_wait3A_13 : memref<10240xi32, #tpu.memory_space<hbm>>) dst(%arg6 : memref<10240xi32, #tpu.memory_space<vmem>>)
      tpu.yield
    }) : () -> ()
    %broadcast_in_dim3A = arith.constant 0x7F800000 : f32
    %broadcast_in_dim3A_5 = vector.broadcast %broadcast_in_dim3A : f32 to vector<16xf32>
    %scan3A = arith.constant 0 : i32
    %scan3A_6 = arith.constant 16 : i32
    %scan3A_7 = arith.addi %scan3A, %scan3A_6 : i32
    %scan3A_8 = arith.constant 1 : i32
    scf.for %scan3A_12 = %scan3A to %scan3A_7 step %scan3A_8  : i32 {
      %mul3A_13 = arith.constant 8 : i32
      %mul3A_14 = arith.muli %scan3A_12, %mul3A_13 : i32
      %add3A_15 = arith.addi %mul3A_2, %mul3A_14 : i32
      "tpu.region"() ({
        %run_scoped3A = tpu.sem_alloc : memref<!tpu.dma_semaphore, #tpu.memory_space<semaphore_mem>>
        %dma_start3A = arith.constant 0 : i32
        %dma_start3A_21 = tpu.memref_slice %arg2[%add3A_15, %dma_start3A] : memref<4096x4096xf32, #tpu.memory_space<hbm>> -> memref<8x4096xf32, #tpu.memory_space<hbm>>
        %dma_start3A_22 = arith.constant 0 : i32
        %dma_start3A_23 = tpu.memref_slice %arg2[%add3A_15, %dma_start3A_22] : memref<4096x4096xf32, #tpu.memory_space<hbm>> -> memref<8x4096xf32, #tpu.memory_space<hbm>>
        tpu.enqueue_dma source(%dma_start3A_23 : memref<8x4096xf32, #tpu.memory_space<hbm>>) target(%arg5 : memref<8x4096xf32, #tpu.memory_space<vmem>>) target_semaphore(%run_scoped3A : memref<!tpu.dma_semaphore, #tpu.memory_space<semaphore_mem>>)
        %dma_wait3A = arith.constant 0 : i32
        %dma_wait3A_24 = tpu.memref_slice %arg2[%add3A_15, %dma_wait3A] : memref<4096x4096xf32, #tpu.memory_space<hbm>> -> memref<8x4096xf32, #tpu.memory_space<hbm>>
        %dma_wait3A_25 = arith.constant 0 : i32
        %dma_wait3A_26 = tpu.memref_slice %arg2[%add3A_15, %dma_wait3A_25] : memref<4096x4096xf32, #tpu.memory_space<hbm>> -> memref<8x4096xf32, #tpu.memory_space<hbm>>
        tpu.wait_dma2 semaphore(%run_scoped3A : memref<!tpu.dma_semaphore, #tpu.memory_space<semaphore_mem>>) src(%dma_wait3A_26 : memref<8x4096xf32, #tpu.memory_space<hbm>>) dst(%arg5 : memref<8x4096xf32, #tpu.memory_space<vmem>>)
        tpu.yield
      }) : () -> ()
      %scan3A_16 = arith.constant 0 : i32
      %scan3A_17 = arith.constant 40 : i32
      %scan3A_18 = arith.addi %scan3A_16, %scan3A_17 : i32
      %scan3A_19 = arith.constant 1 : i32
      scf.for %scan3A_21 = %scan3A_16 to %scan3A_18 step %scan3A_19  : i32 {
        %mul3A_22 = arith.constant 640 : i32
        %mul3A_23 = arith.muli %scan3A_12, %mul3A_22 : i32
        %mul3A_24 = arith.constant 16 : i32
        %mul3A_25 = arith.muli %scan3A_21, %mul3A_24 : i32
        %add3A_26 = arith.addi %mul3A_23, %mul3A_25 : i32
        %get3A = arith.index_cast %add3A_26 : i32 to index
        %get3A_27 = tpu.vector_load %arg6[%get3A] {strides = array<i32>} : memref<10240xi32, #tpu.memory_space<vmem>>, vector<16xi32>,
        %ge3A = arith.constant 0 : i32
        %ge3A_28 = vector.broadcast %ge3A : i32 to vector<16xi32>
        %ge3A_29 = arith.cmpi sge, %get3A_27, %ge3A_28 : vector<16xi32>
        %max3A = arith.constant 0 : i32
        %max3A_30 = vector.broadcast %max3A : i32 to vector<16xi32>
        %max3A_31 = arith.maxsi %get3A_27, %max3A_30 : vector<16xi32>
        %shift_right_logical3A = arith.constant 12 : i32
        %shift_right_logical3A_32 = vector.broadcast %shift_right_logical3A : i32 to vector<16xi32>
        %shift_right_logical3A_33 = arith.shrui %max3A_31, %shift_right_logical3A_32 : vector<16xi32>
        %and3A = arith.constant 4095 : i32
        %and3A_34 = vector.broadcast %and3A : i32 to vector<16xi32>
        %and3A_35 = arith.andi %max3A_31, %and3A_34 : vector<16xi32>
        %gather3A = tpu.vector_load_idx %arg5[%shift_right_logical3A_33, %and3A_35] : memref<8x4096xf32, #tpu.memory_space<vmem>>[vector<16xi32>, vector<16xi32>], vector<16xf32>,
        %select_n3A = arith.select %ge3A_29, %gather3A, %broadcast_in_dim3A_5 : vector<16xi1>, vector<16xf32>
        %swap3A = arith.index_cast %add3A_26 : i32 to index
        %swap3A_36 = tpu.vector_load %arg7[%swap3A] {strides = array<i32>} : memref<10240xf32, #tpu.memory_space<vmem>>, vector<16xf32>,
        tpu.vector_store %arg7[%swap3A], %select_n3A {strides = array<i32>} : memref<10240xf32, #tpu.memory_space<vmem>>, vector<16xf32>,
      }
      %scan3A_20 = arith.constant 40 : i32
    }
    %scan3A_9 = arith.constant 16 : i32
    %mul3A_10 = arith.constant 10240 : i32
    %mul3A_11 = arith.muli %add3A, %mul3A_10 : i32
    "tpu.region"() ({
      %run_scoped3A = tpu.sem_alloc : memref<!tpu.dma_semaphore, #tpu.memory_space<semaphore_mem>>
      %dma_start3A = tpu.memref_slice %arg4[%mul3A_11] : memref<327680xf32, #tpu.memory_space<hbm>> -> memref<10240xf32, #tpu.memory_space<hbm>>
      %dma_start3A_12 = tpu.memref_slice %arg4[%mul3A_11] : memref<327680xf32, #tpu.memory_space<hbm>> -> memref<10240xf32, #tpu.memory_space<hbm>>
      tpu.enqueue_dma source(%arg7 : memref<10240xf32, #tpu.memory_space<vmem>>) target(%dma_start3A_12 : memref<10240xf32, #tpu.memory_space<hbm>>) target_semaphore(%run_scoped3A : memref<!tpu.dma_semaphore, #tpu.memory_space<semaphore_mem>>)
      %dma_wait3A = tpu.memref_slice %arg4[%mul3A_11] : memref<327680xf32, #tpu.memory_space<hbm>> -> memref<10240xf32, #tpu.memory_space<hbm>>
      %dma_wait3A_13 = tpu.memref_slice %arg4[%mul3A_11] : memref<327680xf32, #tpu.memory_space<hbm>> -> memref<10240xf32, #tpu.memory_space<hbm>>
      tpu.wait_dma2 semaphore(%run_scoped3A : memref<!tpu.dma_semaphore, #tpu.memory_space<semaphore_mem>>) src(%arg7 : memref<10240xf32, #tpu.memory_space<vmem>>) dst(%dma_wait3A_13 : memref<10240xf32, #tpu.memory_space<hbm>>)
      tpu.yield
    }) : () -> ()
    return
  }
}

module attributes {stable_mosaic.version = 14 : i64} {
  func.func @_gamma_kernel(%arg0: memref<2560x128xf32, #tpu.memory_space<vmem>>, %arg1: memref<1x4096xf32, #tpu.memory_space<vmem>>, %arg2: memref<1x1xf32, #tpu.memory_space<vmem>>) attributes {dimension_semantics = [], scalar_prefetch = 0 : i64, scratch_operands = 0 : i64, tpu.core_type = #tpu.core_type<tc>} {
    %get3A = arith.constant 0 : index
    %get3A_0 = arith.constant 0 : index
    %get3A_1 = vector.load %arg1[%get3A, %get3A_0] : memref<1x4096xf32, #tpu.memory_space<vmem>>, vector<1x4096xf32>
    %reduce_sum3A = vector.shape_cast %get3A_1 : vector<1x4096xf32> to vector<1x1x4096xf32>
    %reduce_sum3A_2 = arith.constant dense<0.000000e+00> : vector<1xf32>
    %reduce_sum3A_3 = vector.multi_reduction <add>, %reduce_sum3A, %reduce_sum3A_2 [1, 2] : vector<1x1x4096xf32> to vector<1xf32>
    %reduce_sum3A_4 = vector.shape_cast %reduce_sum3A_3 : vector<1xf32> to vector<1x1x1xf32>
    %reduce_sum3A_5 = vector.extract %reduce_sum3A_4[0, 0, 0] : f32 from vector<1x1x1xf32>
    %sub3A = arith.constant 4.096000e+03 : f32
    %sub3A_6 = arith.subf %reduce_sum3A_5, %sub3A : f32
    %sub3A_7 = arith.constant 1.000000e+00 : f32
    %sub3A_8 = arith.subf %sub3A_6, %sub3A_7 : f32
    %mul3A = arith.constant 7.500000e-01 : f32
    %mul3A_9 = arith.mulf %mul3A, %sub3A_8 : f32
    %floor3A = math.floor %mul3A_9 : f32
    %sub3A_10 = arith.subf %mul3A_9, %floor3A : f32
    %convert_element_type3A = arith.fptosi %floor3A : f32 to i32
    %add3A = arith.constant 1 : i32
    %add3A_11 = arith.addi %convert_element_type3A, %add3A : i32
    %get3A_12 = arith.constant 0 : index
    %get3A_13 = arith.constant 0 : index
    %get3A_14 = vector.load %arg0[%get3A_12, %get3A_13] : memref<2560x128xf32, #tpu.memory_space<vmem>>, vector<2560x128xf32>
    %bitcast_convert_type3A = tpu.bitcast %get3A_14 : vector<2560x128xf32> -> vector<2560x128xi32>
    %scan3A = arith.constant 0 : i32
    %scan3A_15 = arith.constant 2139095040 : i32
    %scan3A_16 = arith.constant 0 : i32
    %scan3A_17 = arith.constant 2139095040 : i32
    %scan3A_18 = arith.constant 0 : i32
    %scan3A_19 = arith.constant 31 : i32
    %scan3A_20 = arith.addi %scan3A_18, %scan3A_19 : i32
    %scan3A_21 = arith.constant 1 : i32
    %scan3A_22:4 = scf.for %scan3A_34 = %scan3A_18 to %scan3A_20 step %scan3A_21 iter_args(%scan3A_35 = %scan3A, %scan3A_36 = %scan3A_15, %scan3A_37 = %scan3A_16, %scan3A_38 = %scan3A_17) -> (i32, i32, i32, i32)  : i32 {
      %sub3A_39 = arith.subi %scan3A_36, %scan3A_35 : i32
      %jit3A = arith.constant 2 : i32
      %div3A_40 = arith.divsi %sub3A_39, %jit3A : i32
      %sign3A = arith.constant 0 : i32
      %sign3A_41 = arith.cmpi sgt, %sub3A_39, %sign3A : i32
      %sign3A_42 = arith.extui %sign3A_41 : i1 to i32
      %sign3A_43 = arith.constant 0 : i32
      %sign3A_44 = arith.cmpi slt, %sub3A_39, %sign3A_43 : i32
      %sign3A_45 = arith.extui %sign3A_44 : i1 to i32
      %sign3A_46 = arith.subi %sign3A_42, %sign3A_45 : i32
      %sign3A_47 = arith.constant 0 : i32
      %sign3A_48 = arith.cmpi sgt, %jit3A, %sign3A_47 : i32
      %sign3A_49 = arith.extui %sign3A_48 : i1 to i32
      %sign3A_50 = arith.constant 0 : i32
      %sign3A_51 = arith.cmpi slt, %jit3A, %sign3A_50 : i32
      %sign3A_52 = arith.extui %sign3A_51 : i1 to i32
      %sign3A_53 = arith.subi %sign3A_49, %sign3A_52 : i32
      %ne3A = arith.cmpi ne, %sign3A_46, %sign3A_53 : i32
      %rem3A = arith.remsi %sub3A_39, %jit3A : i32
      %ne3A_54 = arith.constant 0 : i32
      %ne3A_55 = arith.cmpi ne, %rem3A, %ne3A_54 : i32
      %and3A = arith.andi %ne3A, %ne3A_55 : i1
      %sub3A_56 = arith.constant 1 : i32
      %sub3A_57 = arith.subi %div3A_40, %sub3A_56 : i32
      %select_n3A_58 = arith.select %and3A, %sub3A_57, %div3A_40 : i32
      %add3A_59 = arith.addi %scan3A_35, %select_n3A_58 : i32
      %sub3A_60 = arith.subi %scan3A_38, %scan3A_37 : i32
      %jit3A_61 = arith.constant 2 : i32
      %div3A_62 = arith.divsi %sub3A_60, %jit3A_61 : i32
      %sign3A_63 = arith.constant 0 : i32
      %sign3A_64 = arith.cmpi sgt, %sub3A_60, %sign3A_63 : i32
      %sign3A_65 = arith.extui %sign3A_64 : i1 to i32
      %sign3A_66 = arith.constant 0 : i32
      %sign3A_67 = arith.cmpi slt, %sub3A_60, %sign3A_66 : i32
      %sign3A_68 = arith.extui %sign3A_67 : i1 to i32
      %sign3A_69 = arith.subi %sign3A_65, %sign3A_68 : i32
      %sign3A_70 = arith.constant 0 : i32
      %sign3A_71 = arith.cmpi sgt, %jit3A_61, %sign3A_70 : i32
      %sign3A_72 = arith.extui %sign3A_71 : i1 to i32
      %sign3A_73 = arith.constant 0 : i32
      %sign3A_74 = arith.cmpi slt, %jit3A_61, %sign3A_73 : i32
      %sign3A_75 = arith.extui %sign3A_74 : i1 to i32
      %sign3A_76 = arith.subi %sign3A_72, %sign3A_75 : i32
      %ne3A_77 = arith.cmpi ne, %sign3A_69, %sign3A_76 : i32
      %rem3A_78 = arith.remsi %sub3A_60, %jit3A_61 : i32
      %ne3A_79 = arith.constant 0 : i32
      %ne3A_80 = arith.cmpi ne, %rem3A_78, %ne3A_79 : i32
      %and3A_81 = arith.andi %ne3A_77, %ne3A_80 : i1
      %sub3A_82 = arith.constant 1 : i32
      %sub3A_83 = arith.subi %div3A_62, %sub3A_82 : i32
      %select_n3A_84 = arith.select %and3A_81, %sub3A_83, %div3A_62 : i32
      %add3A_85 = arith.addi %scan3A_37, %select_n3A_84 : i32
      %le3A = vector.broadcast %add3A_59 : i32 to vector<2560x128xi32>
      %le3A_86 = arith.cmpi sle, %bitcast_convert_type3A, %le3A : vector<2560x128xi32>
      %convert_element_type3A_87 = arith.extui %le3A_86 : vector<2560x128xi1> to vector<2560x128xi32>
      %reduce_sum3A_88 = vector.shape_cast %convert_element_type3A_87 : vector<2560x128xi32> to vector<1x2560x128xi32>
      %reduce_sum3A_89 = arith.constant dense<0> : vector<1xi32>
      %reduce_sum3A_90 = vector.multi_reduction <add>, %reduce_sum3A_88, %reduce_sum3A_89 [1, 2] : vector<1x2560x128xi32> to vector<1xi32>
      %reduce_sum3A_91 = vector.shape_cast %reduce_sum3A_90 : vector<1xi32> to vector<1x1x1xi32>
      %reduce_sum3A_92 = vector.extract %reduce_sum3A_91[0, 0, 0] : i32 from vector<1x1x1xi32>
      %le3A_93 = vector.broadcast %add3A_85 : i32 to vector<2560x128xi32>
      %le3A_94 = arith.cmpi sle, %bitcast_convert_type3A, %le3A_93 : vector<2560x128xi32>
      %convert_element_type3A_95 = arith.extui %le3A_94 : vector<2560x128xi1> to vector<2560x128xi32>
      %reduce_sum3A_96 = vector.shape_cast %convert_element_type3A_95 : vector<2560x128xi32> to vector<1x2560x128xi32>
      %reduce_sum3A_97 = arith.constant dense<0> : vector<1xi32>
      %reduce_sum3A_98 = vector.multi_reduction <add>, %reduce_sum3A_96, %reduce_sum3A_97 [1, 2] : vector<1x2560x128xi32> to vector<1xi32>
      %reduce_sum3A_99 = vector.shape_cast %reduce_sum3A_98 : vector<1xi32> to vector<1x1x1xi32>
      %reduce_sum3A_100 = vector.extract %reduce_sum3A_99[0, 0, 0] : i32 from vector<1x1x1xi32>
      %add3A_101 = arith.constant 1 : i32
      %add3A_102 = arith.addi %convert_element_type3A, %add3A_101 : i32
      %ge3A = arith.cmpi sge, %reduce_sum3A_92, %add3A_102 : i32
      %add3A_103 = arith.constant 1 : i32
      %add3A_104 = arith.addi %add3A_11, %add3A_103 : i32
      %ge3A_105 = arith.cmpi sge, %reduce_sum3A_100, %add3A_104 : i32
      %add3A_106 = arith.constant 1 : i32
      %add3A_107 = arith.addi %add3A_59, %add3A_106 : i32
      %select_n3A_108 = arith.select %ge3A, %scan3A_35, %add3A_107 : i32
      %select_n3A_109 = arith.select %ge3A, %add3A_59, %scan3A_36 : i32
      %add3A_110 = arith.constant 1 : i32
      %add3A_111 = arith.addi %add3A_85, %add3A_110 : i32
      %select_n3A_112 = arith.select %ge3A_105, %scan3A_37, %add3A_111 : i32
      %select_n3A_113 = arith.select %ge3A_105, %add3A_85, %scan3A_38 : i32
      scf.yield %select_n3A_108, %select_n3A_109, %select_n3A_112, %select_n3A_113 : i32, i32, i32, i32
    }
    %bitcast_convert_type3A_23 = arith.bitcast %scan3A_22#1 : i32 to f32
    %sqrt3A = math.sqrt %bitcast_convert_type3A_23 : f32
    %bitcast_convert_type3A_24 = arith.bitcast %scan3A_22#3 : i32 to f32
    %sqrt3A_25 = math.sqrt %bitcast_convert_type3A_24 : f32
    %gt3A = arith.constant 0.000000e+00 : f32
    %gt3A_26 = arith.cmpf ogt, %sub3A_10, %gt3A : f32
    %sub3A_27 = arith.subf %sqrt3A_25, %sqrt3A : f32
    %mul3A_28 = arith.mulf %sub3A_10, %sub3A_27 : f32
    %add3A_29 = arith.addf %sqrt3A, %mul3A_28 : f32
    %select_n3A = arith.select %gt3A_26, %add3A_29, %sqrt3A : f32
    %max3A = arith.constant 9.99999993E-9 : f32
    %max3A_30 = arith.maximumf %select_n3A, %max3A : f32
    %div3A = arith.constant 3.700000e+00 : f32
    %div3A_31 = arith.divf %max3A_30, %div3A : f32
    %reshape3A = vector.broadcast %div3A_31 : f32 to vector<1x1xf32>
    %swap3A = arith.constant 0 : index
    %swap3A_32 = arith.constant 0 : index
    %swap3A_33 = vector.load %arg2[%swap3A, %swap3A_32] : memref<1x1xf32, #tpu.memory_space<vmem>>, vector<1x1xf32>
    tpu.vector_store %arg2[%swap3A, %swap3A_32], %reshape3A {strides = array<i32>} : memref<1x1xf32, #tpu.memory_space<vmem>>, vector<1x1xf32>,
    return
  }
}

module attributes {stable_mosaic.version = 14 : i64} {
  func.func @_prep_kernel(%arg0: i32, %arg1: memref<256x512xf32, #tpu.memory_space<vmem>>, %arg2: memref<512x256xf32, #tpu.memory_space<vmem>>, %arg3: memref<1x256xf32, #tpu.memory_space<vmem>>, %arg4: memref<256x64xf32, #tpu.memory_space<vmem>>, %arg5: memref<1x64xf32, #tpu.memory_space<vmem>>, %arg6: memref<256x4096xf32, #tpu.memory_space<vmem>>, %arg7: memref<256x64xf32, #tpu.memory_space<vmem>>, %arg8: memref<1x1x256xf32, #tpu.memory_space<vmem>>, %arg9: memref<256x64xf32, #tpu.memory_space<vmem>>) attributes {dimension_semantics = [#tpu.dimension_semantics<arbitrary>], iteration_bounds = array<i64: 16>, scalar_prefetch = 0 : i64, scratch_operands = 0 : i64, tpu.core_type = #tpu.core_type<tc>, window_params = [{transform_indices = @transform_0, window_bounds = array<i64: 256, 512>}, {pipeline_mode = #tpu.pipeline_mode<synchronous>, transform_indices = @transform_1, window_bounds = array<i64: 512, 256>}, {pipeline_mode = #tpu.pipeline_mode<synchronous>, transform_indices = @transform_2, window_bounds = array<i64: 1, 256>}, {pipeline_mode = #tpu.pipeline_mode<synchronous>, transform_indices = @transform_3, window_bounds = array<i64: 256, 64>}, {pipeline_mode = #tpu.pipeline_mode<synchronous>, transform_indices = @transform_4, window_bounds = array<i64: 1, 64>}, {transform_indices = @transform_5, window_bounds = array<i64: 256, 4096>}, {transform_indices = @transform_6, window_bounds = array<i64: 256, 64>}, {transform_indices = @transform_7, window_bounds = array<i64: 1, 1, 256>}, {transform_indices = @transform_8, window_bounds = array<i64: 256, 64>}]} {
    %get3A = arith.constant 0 : index
    %get3A_0 = arith.constant 0 : index
    %get3A_1 = vector.load %arg1[%get3A, %get3A_0] : memref<256x512xf32, #tpu.memory_space<vmem>>, vector<256x512xf32>
    %get3A_2 = arith.constant 0 : index
    %get3A_3 = arith.constant 0 : index
    %get3A_4 = vector.load %arg2[%get3A_2, %get3A_3] : memref<512x256xf32, #tpu.memory_space<vmem>>, vector<512x256xf32>
    %dot_general3A = arith.constant dense<0.000000e+00> : vector<256x256xf32>
    %dot_general3A_5 = tpu.matmul %get3A_1, %get3A_4, %dot_general3A {dimension_numbers = #tpu.dot_dimension_numbers<[1], [0], [0], [1], [0, 0, 1, 1], [], []>, transpose_lhs_hint = false} : vector<256x512xf32>, vector<512x256xf32>, vector<256x256xf32> -> vector<256x256xf32>
    %get3A_6 = arith.constant 0 : index
    %get3A_7 = arith.constant 0 : index
    %get3A_8 = vector.load %arg3[%get3A_6, %get3A_7] : memref<1x256xf32, #tpu.memory_space<vmem>>, vector<1x256xf32>
    %add3A = vector.broadcast %get3A_8 : vector<1x256xf32> to vector<256x256xf32>
    %add3A_9 = arith.addf %dot_general3A_5, %add3A : vector<256x256xf32>
    %max3A = arith.constant 0.000000e+00 : f32
    %max3A_10 = vector.broadcast %max3A : f32 to vector<256x256xf32>
    %max3A_11 = arith.maximumf %add3A_9, %max3A_10 : vector<256x256xf32>
    %get3A_12 = arith.constant 0 : index
    %get3A_13 = arith.constant 0 : index
    %get3A_14 = vector.load %arg4[%get3A_12, %get3A_13] : memref<256x64xf32, #tpu.memory_space<vmem>>, vector<256x64xf32>
    %dot_general3A_15 = arith.constant dense<0.000000e+00> : vector<256x64xf32>
    %dot_general3A_16 = tpu.matmul %max3A_11, %get3A_14, %dot_general3A_15 {dimension_numbers = #tpu.dot_dimension_numbers<[1], [0], [0], [1], [0, 0, 1, 1], [], []>, transpose_lhs_hint = false} : vector<256x256xf32>, vector<256x64xf32>, vector<256x64xf32> -> vector<256x64xf32>
    %get3A_17 = arith.constant 0 : index
    %get3A_18 = arith.constant 0 : index
    %get3A_19 = vector.load %arg5[%get3A_17, %get3A_18] : memref<1x64xf32, #tpu.memory_space<vmem>>, vector<1x64xf32>
    %add3A_20 = vector.broadcast %get3A_19 : vector<1x64xf32> to vector<256x64xf32>
    %add3A_21 = arith.addf %dot_general3A_16, %add3A_20 : vector<256x64xf32>
    %swap3A = arith.constant 0 : index
    %swap3A_22 = arith.constant 0 : index
    %swap3A_23 = vector.load %arg7[%swap3A, %swap3A_22] : memref<256x64xf32, #tpu.memory_space<vmem>>, vector<256x64xf32>
    tpu.vector_store %arg7[%swap3A, %swap3A_22], %add3A_21 {strides = array<i32>} : memref<256x64xf32, #tpu.memory_space<vmem>>, vector<256x64xf32>,
    %get3A_24 = arith.constant 0 : index
    %get3A_25 = arith.constant 0 : index
    %get3A_26 = vector.load %arg6[%get3A_24, %get3A_25] : memref<256x4096xf32, #tpu.memory_space<vmem>>, vector<256x4096xf32>
    %reduce_sum3A = arith.constant dense<0.000000e+00> : vector<256xf32>
    %reduce_sum3A_27 = vector.multi_reduction <add>, %get3A_26, %reduce_sum3A [1] : vector<256x4096xf32> to vector<256xf32>
    %add3A_28 = arith.constant 1.000000e+00 : f32
    %add3A_29 = vector.broadcast %add3A_28 : f32 to vector<256xf32>
    %add3A_30 = arith.addf %reduce_sum3A_27, %add3A_29 : vector<256xf32>
    %swap3A_31 = arith.constant 0 : index
    %swap3A_32 = arith.constant 0 : index
    %swap3A_33 = arith.constant 0 : index
    %swap3A_34 = vector.load %arg8[%swap3A_31, %swap3A_32, %swap3A_33] : memref<1x1x256xf32, #tpu.memory_space<vmem>>, vector<1x1x256xf32>
    %swap3A_35 = vector.shape_cast %swap3A_34 : vector<1x1x256xf32> to vector<256xf32>
    %swap3A_36 = vector.shape_cast %add3A_30 : vector<256xf32> to vector<1x1x256xf32>
    tpu.vector_store %arg8[%swap3A_31, %swap3A_32, %swap3A_33], %swap3A_36 {strides = array<i32>} : memref<1x1x256xf32, #tpu.memory_space<vmem>>, vector<1x1x256xf32>,
    %sqrt3A = math.sqrt %add3A_30 : vector<256xf32>
    %broadcast_in_dim3A = vector.shape_cast %sqrt3A : vector<256xf32> to vector<256x1xf32>
    %div3A = vector.broadcast %broadcast_in_dim3A : vector<256x1xf32> to vector<256x64xf32>
    %div3A_37 = arith.divf %add3A_21, %div3A : vector<256x64xf32>
    %swap3A_38 = arith.constant 0 : index
    %swap3A_39 = arith.constant 0 : index
    %swap3A_40 = vector.load %arg9[%swap3A_38, %swap3A_39] : memref<256x64xf32, #tpu.memory_space<vmem>>, vector<256x64xf32>
    tpu.vector_store %arg9[%swap3A_38, %swap3A_39], %div3A_37 {strides = array<i32>} : memref<256x64xf32, #tpu.memory_space<vmem>>, vector<256x64xf32>,
    return
  }
  func.func @transform_0(%arg0: i32) -> (i32, i32) {
    %c0_i32 = arith.constant 0 : i32
    %c0_i32_0 = arith.constant 0 : i32
    return %arg0, %c0_i32 : i32, i32
  }
  func.func @transform_1(%arg0: i32) -> (i32, i32) {
    %c0_i32 = arith.constant 0 : i32
    %c0_i32_0 = arith.constant 0 : i32
    %c0_i32_1 = arith.constant 0 : i32
    return %c0_i32, %c0_i32_0 : i32, i32
  }
  func.func @transform_2(%arg0: i32) -> (i32, i32) {
    %c0_i32 = arith.constant 0 : i32
    %c0_i32_0 = arith.constant 0 : i32
    %c0_i32_1 = arith.constant 0 : i32
    return %c0_i32, %c0_i32_0 : i32, i32
  }
  func.func @transform_3(%arg0: i32) -> (i32, i32) {
    %c0_i32 = arith.constant 0 : i32
    %c0_i32_0 = arith.constant 0 : i32
    %c0_i32_1 = arith.constant 0 : i32
    return %c0_i32, %c0_i32_0 : i32, i32
  }
  func.func @transform_4(%arg0: i32) -> (i32, i32) {
    %c0_i32 = arith.constant 0 : i32
    %c0_i32_0 = arith.constant 0 : i32
    %c0_i32_1 = arith.constant 0 : i32
    return %c0_i32, %c0_i32_0 : i32, i32
  }
  func.func @transform_5(%arg0: i32) -> (i32, i32) {
    %c0_i32 = arith.constant 0 : i32
    %c0_i32_0 = arith.constant 0 : i32
    return %arg0, %c0_i32 : i32, i32
  }
  func.func @transform_6(%arg0: i32) -> (i32, i32) {
    %c0_i32 = arith.constant 0 : i32
    %c0_i32_0 = arith.constant 0 : i32
    return %arg0, %c0_i32 : i32, i32
  }
  func.func @transform_7(%arg0: i32) -> (i32, i32, i32) {
    %c0_i32 = arith.constant 0 : i32
    %c0_i32_0 = arith.constant 0 : i32
    %c0_i32_1 = arith.constant 0 : i32
    return %arg0, %c0_i32, %c0_i32_0 : i32, i32, i32
  }
  func.func @transform_8(%arg0: i32) -> (i32, i32) {
    %c0_i32 = arith.constant 0 : i32
    %c0_i32_0 = arith.constant 0 : i32
    return %arg0, %c0_i32 : i32, i32
  }
}

module attributes {stable_mosaic.version = 14 : i64} {
  func.func @_dist_kernel(%arg0: i32, %arg1: memref<256x64xf32, #tpu.memory_space<vmem>>, %arg2: memref<4096x64xf32, #tpu.memory_space<vmem>>, %arg3: memref<256x4096xf32, #tpu.memory_space<vmem>>) attributes {dimension_semantics = [#tpu.dimension_semantics<arbitrary>], iteration_bounds = array<i64: 16>, scalar_prefetch = 0 : i64, scratch_operands = 0 : i64, tpu.core_type = #tpu.core_type<tc>, window_params = [{transform_indices = @transform_0, window_bounds = array<i64: 256, 64>}, {pipeline_mode = #tpu.pipeline_mode<synchronous>, transform_indices = @transform_1, window_bounds = array<i64: 4096, 64>}, {transform_indices = @transform_2, window_bounds = array<i64: 256, 4096>}]} {
    %get3A = arith.constant 0 : index
    %get3A_0 = arith.constant 0 : index
    %get3A_1 = vector.load %arg2[%get3A, %get3A_0] : memref<4096x64xf32, #tpu.memory_space<vmem>>, vector<4096x64xf32>
    %get3A_2 = arith.constant 0 : index
    %get3A_3 = arith.constant 0 : index
    %get3A_4 = vector.load %arg1[%get3A_2, %get3A_3] : memref<256x64xf32, #tpu.memory_space<vmem>>, vector<256x64xf32>
    %mul3A = arith.mulf %get3A_1, %get3A_1 : vector<4096x64xf32>
    %reduce_sum3A = arith.constant dense<0.000000e+00> : vector<4096xf32>
    %reduce_sum3A_5 = vector.multi_reduction <add>, %mul3A, %reduce_sum3A [1] : vector<4096x64xf32> to vector<4096xf32>
    %mul3A_6 = arith.mulf %get3A_4, %get3A_4 : vector<256x64xf32>
    %reduce_sum3A_7 = arith.constant dense<0.000000e+00> : vector<256xf32>
    %reduce_sum3A_8 = vector.multi_reduction <add>, %mul3A_6, %reduce_sum3A_7 [1] : vector<256x64xf32> to vector<256xf32>
    %dot_general3A = arith.constant dense<0.000000e+00> : vector<256x4096xf32>
    %dot_general3A_9 = tpu.matmul %get3A_4, %get3A_1, %dot_general3A {dimension_numbers = #tpu.dot_dimension_numbers<[1], [1], [0], [0], [0, 0, 1, 0], [], []>, transpose_lhs_hint = false} : vector<256x64xf32>, vector<4096x64xf32>, vector<256x4096xf32> -> vector<256x4096xf32>
    %broadcast_in_dim3A = vector.shape_cast %reduce_sum3A_8 : vector<256xf32> to vector<256x1xf32>
    %broadcast_in_dim3A_10 = vector.shape_cast %reduce_sum3A_5 : vector<4096xf32> to vector<1x4096xf32>
    %add3A = vector.broadcast %broadcast_in_dim3A : vector<256x1xf32> to vector<256x4096xf32>
    %add3A_11 = vector.broadcast %broadcast_in_dim3A_10 : vector<1x4096xf32> to vector<256x4096xf32>
    %add3A_12 = arith.addf %add3A, %add3A_11 : vector<256x4096xf32>
    %mul3A_13 = arith.constant 2.000000e+00 : f32
    %mul3A_14 = vector.broadcast %mul3A_13 : f32 to vector<256x4096xf32>
    %mul3A_15 = arith.mulf %mul3A_14, %dot_general3A_9 : vector<256x4096xf32>
    %sub3A = arith.subf %add3A_12, %mul3A_15 : vector<256x4096xf32>
    %max3A = arith.constant 0.000000e+00 : f32
    %max3A_16 = vector.broadcast %max3A : f32 to vector<256x4096xf32>
    %max3A_17 = arith.maximumf %sub3A, %max3A_16 : vector<256x4096xf32>
    %swap3A = arith.constant 0 : index
    %swap3A_18 = arith.constant 0 : index
    %swap3A_19 = vector.load %arg3[%swap3A, %swap3A_18] : memref<256x4096xf32, #tpu.memory_space<vmem>>, vector<256x4096xf32>
    tpu.vector_store %arg3[%swap3A, %swap3A_18], %max3A_17 {strides = array<i32>} : memref<256x4096xf32, #tpu.memory_space<vmem>>, vector<256x4096xf32>,
    return
  }
  func.func @transform_0(%arg0: i32) -> (i32, i32) {
    %c0_i32 = arith.constant 0 : i32
    %c0_i32_0 = arith.constant 0 : i32
    return %arg0, %c0_i32 : i32, i32
  }
  func.func @transform_1(%arg0: i32) -> (i32, i32) {
    %c0_i32 = arith.constant 0 : i32
    %c0_i32_0 = arith.constant 0 : i32
    %c0_i32_1 = arith.constant 0 : i32
    return %c0_i32, %c0_i32_0 : i32, i32
  }
  func.func @transform_2(%arg0: i32) -> (i32, i32) {
    %c0_i32 = arith.constant 0 : i32
    %c0_i32_0 = arith.constant 0 : i32
    return %arg0, %c0_i32 : i32, i32
  }
}

module attributes {stable_mosaic.version = 14 : i64} {
  func.func @_prop_kernel(%arg0: i32, %arg1: memref<256x4096xf32, #tpu.memory_space<vmem>>, %arg2: memref<256x64xf32, #tpu.memory_space<vmem>>, %arg3: memref<4096x64xf32, #tpu.memory_space<vmem>>, %arg4: memref<1x4096xf32, #tpu.memory_space<vmem>>, %arg5: memref<256x64xf32, #tpu.memory_space<vmem>>, %arg6: memref<1x1xf32, #tpu.memory_space<vmem>>, %arg7: memref<256x64xf32, #tpu.memory_space<vmem>>, %arg8: memref<256x64xf32, #tpu.memory_space<vmem>>) attributes {dimension_semantics = [#tpu.dimension_semantics<arbitrary>], iteration_bounds = array<i64: 16>, scalar_prefetch = 0 : i64, scratch_operands = 0 : i64, tpu.core_type = #tpu.core_type<tc>, window_params = [{transform_indices = @transform_0, window_bounds = array<i64: 256, 4096>}, {transform_indices = @transform_1, window_bounds = array<i64: 256, 64>}, {pipeline_mode = #tpu.pipeline_mode<synchronous>, transform_indices = @transform_2, window_bounds = array<i64: 4096, 64>}, {pipeline_mode = #tpu.pipeline_mode<synchronous>, transform_indices = @transform_3, window_bounds = array<i64: 1, 4096>}, {transform_indices = @transform_4, window_bounds = array<i64: 256, 64>}, {pipeline_mode = #tpu.pipeline_mode<synchronous>, transform_indices = @transform_5, window_bounds = array<i64: 1, 1>}, {transform_indices = @transform_6, window_bounds = array<i64: 256, 64>}, {transform_indices = @transform_7, window_bounds = array<i64: 256, 64>}]} {
    %get3A = arith.constant 0 : index
    %get3A_0 = arith.constant 0 : index
    %get3A_1 = vector.load %arg6[%get3A, %get3A_0] : memref<1x1xf32, #tpu.memory_space<vmem>>, vector<1x1xf32>
    %get3A_2 = vector.extract %get3A_1[0, 0] : f32 from vector<1x1xf32>
    %get3A_3 = arith.constant 0 : index
    %get3A_4 = arith.constant 0 : index
    %get3A_5 = vector.load %arg3[%get3A_3, %get3A_4] : memref<4096x64xf32, #tpu.memory_space<vmem>>, vector<4096x64xf32>
    %get3A_6 = arith.constant 0 : index
    %get3A_7 = arith.constant 0 : index
    %get3A_8 = vector.load %arg2[%get3A_6, %get3A_7] : memref<256x64xf32, #tpu.memory_space<vmem>>, vector<256x64xf32>
    %mul3A = arith.mulf %get3A_5, %get3A_5 : vector<4096x64xf32>
    %reduce_sum3A = arith.constant dense<0.000000e+00> : vector<4096xf32>
    %reduce_sum3A_9 = vector.multi_reduction <add>, %mul3A, %reduce_sum3A [1] : vector<4096x64xf32> to vector<4096xf32>
    %mul3A_10 = arith.mulf %get3A_8, %get3A_8 : vector<256x64xf32>
    %reduce_sum3A_11 = arith.constant dense<0.000000e+00> : vector<256xf32>
    %reduce_sum3A_12 = vector.multi_reduction <add>, %mul3A_10, %reduce_sum3A_11 [1] : vector<256x64xf32> to vector<256xf32>
    %dot_general3A = arith.constant dense<0.000000e+00> : vector<256x4096xf32>
    %dot_general3A_13 = tpu.matmul %get3A_8, %get3A_5, %dot_general3A {dimension_numbers = #tpu.dot_dimension_numbers<[1], [1], [0], [0], [0, 0, 1, 0], [], []>, transpose_lhs_hint = false} : vector<256x64xf32>, vector<4096x64xf32>, vector<256x4096xf32> -> vector<256x4096xf32>
    %broadcast_in_dim3A = vector.shape_cast %reduce_sum3A_12 : vector<256xf32> to vector<256x1xf32>
    %broadcast_in_dim3A_14 = vector.shape_cast %reduce_sum3A_9 : vector<4096xf32> to vector<1x4096xf32>
    %add3A = vector.broadcast %broadcast_in_dim3A : vector<256x1xf32> to vector<256x4096xf32>
    %add3A_15 = vector.broadcast %broadcast_in_dim3A_14 : vector<1x4096xf32> to vector<256x4096xf32>
    %add3A_16 = arith.addf %add3A, %add3A_15 : vector<256x4096xf32>
    %mul3A_17 = arith.constant 2.000000e+00 : f32
    %mul3A_18 = vector.broadcast %mul3A_17 : f32 to vector<256x4096xf32>
    %mul3A_19 = arith.mulf %mul3A_18, %dot_general3A_13 : vector<256x4096xf32>
    %sub3A = arith.subf %add3A_16, %mul3A_19 : vector<256x4096xf32>
    %max3A = arith.constant 0.000000e+00 : f32
    %max3A_20 = vector.broadcast %max3A : f32 to vector<256x4096xf32>
    %max3A_21 = arith.maximumf %sub3A, %max3A_20 : vector<256x4096xf32>
    %sqrt3A = math.sqrt %max3A_21 : vector<256x4096xf32>
    %mul3A_22 = arith.constant 3.700000e+00 : f32
    %mul3A_23 = arith.mulf %mul3A_22, %get3A_2 : f32
    %sub3A_24 = vector.broadcast %mul3A_23 : f32 to vector<256x4096xf32>
    %sub3A_25 = arith.subf %sub3A_24, %sqrt3A : vector<256x4096xf32>
    %mul3A_26 = arith.constant 2.700000e+00 : f32
    %mul3A_27 = vector.broadcast %mul3A_26 : f32 to vector<256x4096xf32>
    %mul3A_28 = arith.mulf %mul3A_27, %sqrt3A : vector<256x4096xf32>
    %add3A_29 = arith.constant 9.99999996E-13 : f32
    %add3A_30 = vector.broadcast %add3A_29 : f32 to vector<256x4096xf32>
    %add3A_31 = arith.addf %mul3A_28, %add3A_30 : vector<256x4096xf32>
    %div3A = arith.divf %sub3A_25, %add3A_31 : vector<256x4096xf32>
    %le3A = vector.broadcast %get3A_2 : f32 to vector<256x4096xf32>
    %le3A_32 = arith.cmpf ole, %sqrt3A, %le3A : vector<256x4096xf32>
    %le3A_33 = vector.broadcast %mul3A_23 : f32 to vector<256x4096xf32>
    %le3A_34 = arith.cmpf ole, %sqrt3A, %le3A_33 : vector<256x4096xf32>
    %jit3A = arith.constant 0.000000e+00 : f32
    %broadcast_in_dim3A_35 = vector.broadcast %jit3A : f32 to vector<256x4096xf32>
    %select_n3A = arith.select %le3A_34, %div3A, %broadcast_in_dim3A_35 : vector<256x4096xi1>, vector<256x4096xf32>
    %jit3A_36 = arith.constant 1.000000e+00 : f32
    %broadcast_in_dim3A_37 = vector.broadcast %jit3A_36 : f32 to vector<256x4096xf32>
    %select_n3A_38 = arith.select %le3A_32, %broadcast_in_dim3A_37, %select_n3A : vector<256x4096xi1>, vector<256x4096xf32>
    %get3A_39 = arith.constant 0 : index
    %get3A_40 = arith.constant 0 : index
    %get3A_41 = vector.load %arg1[%get3A_39, %get3A_40] : memref<256x4096xf32, #tpu.memory_space<vmem>>, vector<256x4096xf32>
    %mul3A_42 = arith.mulf %select_n3A_38, %get3A_41 : vector<256x4096xf32>
    %mul3A_43 = arith.constant 256 : i32
    %mul3A_44 = arith.muli %arg0, %mul3A_43 : i32
    %get3A_45 = arith.constant 0 : index
    %get3A_46 = arith.index_cast %mul3A_44 : i32 to index
    %get3A_47 = vector.load %arg4[%get3A_45, %get3A_46] : memref<1x4096xf32, #tpu.memory_space<vmem>>, vector<1x256xf32>
    %get3A_48 = vector.shape_cast %get3A_47 : vector<1x256xf32> to vector<256xf32>
    %reduce_sum3A_49 = arith.constant dense<0.000000e+00> : vector<256xf32>
    %reduce_sum3A_50 = vector.multi_reduction <add>, %mul3A_42, %reduce_sum3A_49 [1] : vector<256x4096xf32> to vector<256xf32>
    %div3A_51 = arith.divf %reduce_sum3A_50, %get3A_48 : vector<256xf32>
    %add3A_52 = arith.constant 0.111111112 : f32
    %add3A_53 = vector.broadcast %add3A_52 : f32 to vector<256xf32>
    %add3A_54 = arith.addf %div3A_51, %add3A_53 : vector<256xf32>
    %get3A_55 = arith.constant 0 : index
    %get3A_56 = arith.constant 0 : index
    %get3A_57 = vector.load %arg3[%get3A_55, %get3A_56] : memref<4096x64xf32, #tpu.memory_space<vmem>>, vector<4096x64xf32>
    %dot_general3A_58 = arith.constant dense<0.000000e+00> : vector<256x64xf32>
    %dot_general3A_59 = tpu.matmul %mul3A_42, %get3A_57, %dot_general3A_58 {dimension_numbers = #tpu.dot_dimension_numbers<[1], [0], [0], [1], [0, 0, 1, 1], [], []>, transpose_lhs_hint = false} : vector<256x4096xf32>, vector<4096x64xf32>, vector<256x64xf32> -> vector<256x64xf32>
    %sqrt3A_60 = math.sqrt %get3A_48 : vector<256xf32>
    %broadcast_in_dim3A_61 = vector.shape_cast %sqrt3A_60 : vector<256xf32> to vector<256x1xf32>
    %div3A_62 = vector.broadcast %broadcast_in_dim3A_61 : vector<256x1xf32> to vector<256x64xf32>
    %div3A_63 = arith.divf %dot_general3A_59, %div3A_62 : vector<256x64xf32>
    %get3A_64 = arith.constant 0 : index
    %get3A_65 = arith.constant 0 : index
    %get3A_66 = vector.load %arg5[%get3A_64, %get3A_65] : memref<256x64xf32, #tpu.memory_space<vmem>>, vector<256x64xf32>
    %mul3A_67 = arith.constant 0.111111112 : f32
    %mul3A_68 = vector.broadcast %mul3A_67 : f32 to vector<256x64xf32>
    %mul3A_69 = arith.mulf %mul3A_68, %get3A_66 : vector<256x64xf32>
    %add3A_70 = arith.addf %div3A_63, %mul3A_69 : vector<256x64xf32>
    %broadcast_in_dim3A_71 = vector.shape_cast %add3A_54 : vector<256xf32> to vector<256x1xf32>
    %div3A_72 = vector.broadcast %broadcast_in_dim3A_71 : vector<256x1xf32> to vector<256x64xf32>
    %div3A_73 = arith.divf %add3A_70, %div3A_72 : vector<256x64xf32>
    %swap3A = arith.constant 0 : index
    %swap3A_74 = arith.constant 0 : index
    %swap3A_75 = vector.load %arg7[%swap3A, %swap3A_74] : memref<256x64xf32, #tpu.memory_space<vmem>>, vector<256x64xf32>
    tpu.vector_store %arg7[%swap3A, %swap3A_74], %div3A_73 {strides = array<i32>} : memref<256x64xf32, #tpu.memory_space<vmem>>, vector<256x64xf32>,
    %broadcast_in_dim3A_76 = vector.shape_cast %sqrt3A_60 : vector<256xf32> to vector<256x1xf32>
    %div3A_77 = vector.broadcast %broadcast_in_dim3A_76 : vector<256x1xf32> to vector<256x64xf32>
    %div3A_78 = arith.divf %div3A_73, %div3A_77 : vector<256x64xf32>
    %swap3A_79 = arith.constant 0 : index
    %swap3A_80 = arith.constant 0 : index
    %swap3A_81 = vector.load %arg8[%swap3A_79, %swap3A_80] : memref<256x64xf32, #tpu.memory_space<vmem>>, vector<256x64xf32>
    tpu.vector_store %arg8[%swap3A_79, %swap3A_80], %div3A_78 {strides = array<i32>} : memref<256x64xf32, #tpu.memory_space<vmem>>, vector<256x64xf32>,
    return
  }
  func.func @transform_0(%arg0: i32) -> (i32, i32) {
    %c0_i32 = arith.constant 0 : i32
    %c0_i32_0 = arith.constant 0 : i32
    return %arg0, %c0_i32 : i32, i32
  }
  func.func @transform_1(%arg0: i32) -> (i32, i32) {
    %c0_i32 = arith.constant 0 : i32
    %c0_i32_0 = arith.constant 0 : i32
    return %arg0, %c0_i32 : i32, i32
  }
  func.func @transform_2(%arg0: i32) -> (i32, i32) {
    %c0_i32 = arith.constant 0 : i32
    %c0_i32_0 = arith.constant 0 : i32
    %c0_i32_1 = arith.constant 0 : i32
    return %c0_i32, %c0_i32_0 : i32, i32
  }
  func.func @transform_3(%arg0: i32) -> (i32, i32) {
    %c0_i32 = arith.constant 0 : i32
    %c0_i32_0 = arith.constant 0 : i32
    %c0_i32_1 = arith.constant 0 : i32
    return %c0_i32, %c0_i32_0 : i32, i32
  }
  func.func @transform_4(%arg0: i32) -> (i32, i32) {
    %c0_i32 = arith.constant 0 : i32
    %c0_i32_0 = arith.constant 0 : i32
    return %arg0, %c0_i32 : i32, i32
  }
  func.func @transform_5(%arg0: i32) -> (i32, i32) {
    %c0_i32 = arith.constant 0 : i32
    %c0_i32_0 = arith.constant 0 : i32
    %c0_i32_1 = arith.constant 0 : i32
    return %c0_i32, %c0_i32_0 : i32, i32
  }
  func.func @transform_6(%arg0: i32) -> (i32, i32) {
    %c0_i32 = arith.constant 0 : i32
    %c0_i32_0 = arith.constant 0 : i32
    return %arg0, %c0_i32 : i32, i32
  }
  func.func @transform_7(%arg0: i32) -> (i32, i32) {
    %c0_i32 = arith.constant 0 : i32
    %c0_i32_0 = arith.constant 0 : i32
    return %arg0, %c0_i32 : i32, i32
  }
}

module attributes {stable_mosaic.version = 14 : i64} {
  func.func @_prop_kernel(%arg0: i32, %arg1: memref<256x4096xf32, #tpu.memory_space<vmem>>, %arg2: memref<256x64xf32, #tpu.memory_space<vmem>>, %arg3: memref<4096x64xf32, #tpu.memory_space<vmem>>, %arg4: memref<1x4096xf32, #tpu.memory_space<vmem>>, %arg5: memref<256x64xf32, #tpu.memory_space<vmem>>, %arg6: memref<1x1xf32, #tpu.memory_space<vmem>>, %arg7: memref<256x64xf32, #tpu.memory_space<vmem>>, %arg8: memref<256x64xf32, #tpu.memory_space<vmem>>) attributes {dimension_semantics = [#tpu.dimension_semantics<arbitrary>], iteration_bounds = array<i64: 16>, scalar_prefetch = 0 : i64, scratch_operands = 0 : i64, tpu.core_type = #tpu.core_type<tc>, window_params = [{transform_indices = @transform_0, window_bounds = array<i64: 256, 4096>}, {transform_indices = @transform_1, window_bounds = array<i64: 256, 64>}, {pipeline_mode = #tpu.pipeline_mode<synchronous>, transform_indices = @transform_2, window_bounds = array<i64: 4096, 64>}, {pipeline_mode = #tpu.pipeline_mode<synchronous>, transform_indices = @transform_3, window_bounds = array<i64: 1, 4096>}, {transform_indices = @transform_4, window_bounds = array<i64: 256, 64>}, {pipeline_mode = #tpu.pipeline_mode<synchronous>, transform_indices = @transform_5, window_bounds = array<i64: 1, 1>}, {transform_indices = @transform_6, window_bounds = array<i64: 256, 64>}, {transform_indices = @transform_7, window_bounds = array<i64: 256, 64>}]} {
    %get3A = arith.constant 0 : index
    %get3A_0 = arith.constant 0 : index
    %get3A_1 = vector.load %arg6[%get3A, %get3A_0] : memref<1x1xf32, #tpu.memory_space<vmem>>, vector<1x1xf32>
    %get3A_2 = vector.extract %get3A_1[0, 0] : f32 from vector<1x1xf32>
    %get3A_3 = arith.constant 0 : index
    %get3A_4 = arith.constant 0 : index
    %get3A_5 = vector.load %arg3[%get3A_3, %get3A_4] : memref<4096x64xf32, #tpu.memory_space<vmem>>, vector<4096x64xf32>
    %get3A_6 = arith.constant 0 : index
    %get3A_7 = arith.constant 0 : index
    %get3A_8 = vector.load %arg2[%get3A_6, %get3A_7] : memref<256x64xf32, #tpu.memory_space<vmem>>, vector<256x64xf32>
    %mul3A = arith.mulf %get3A_5, %get3A_5 : vector<4096x64xf32>
    %reduce_sum3A = arith.constant dense<0.000000e+00> : vector<4096xf32>
    %reduce_sum3A_9 = vector.multi_reduction <add>, %mul3A, %reduce_sum3A [1] : vector<4096x64xf32> to vector<4096xf32>
    %mul3A_10 = arith.mulf %get3A_8, %get3A_8 : vector<256x64xf32>
    %reduce_sum3A_11 = arith.constant dense<0.000000e+00> : vector<256xf32>
    %reduce_sum3A_12 = vector.multi_reduction <add>, %mul3A_10, %reduce_sum3A_11 [1] : vector<256x64xf32> to vector<256xf32>
    %dot_general3A = arith.constant dense<0.000000e+00> : vector<256x4096xf32>
    %dot_general3A_13 = tpu.matmul %get3A_8, %get3A_5, %dot_general3A {dimension_numbers = #tpu.dot_dimension_numbers<[1], [1], [0], [0], [0, 0, 1, 0], [], []>, transpose_lhs_hint = false} : vector<256x64xf32>, vector<4096x64xf32>, vector<256x4096xf32> -> vector<256x4096xf32>
    %broadcast_in_dim3A = vector.shape_cast %reduce_sum3A_12 : vector<256xf32> to vector<256x1xf32>
    %broadcast_in_dim3A_14 = vector.shape_cast %reduce_sum3A_9 : vector<4096xf32> to vector<1x4096xf32>
    %add3A = vector.broadcast %broadcast_in_dim3A : vector<256x1xf32> to vector<256x4096xf32>
    %add3A_15 = vector.broadcast %broadcast_in_dim3A_14 : vector<1x4096xf32> to vector<256x4096xf32>
    %add3A_16 = arith.addf %add3A, %add3A_15 : vector<256x4096xf32>
    %mul3A_17 = arith.constant 2.000000e+00 : f32
    %mul3A_18 = vector.broadcast %mul3A_17 : f32 to vector<256x4096xf32>
    %mul3A_19 = arith.mulf %mul3A_18, %dot_general3A_13 : vector<256x4096xf32>
    %sub3A = arith.subf %add3A_16, %mul3A_19 : vector<256x4096xf32>
    %max3A = arith.constant 0.000000e+00 : f32
    %max3A_20 = vector.broadcast %max3A : f32 to vector<256x4096xf32>
    %max3A_21 = arith.maximumf %sub3A, %max3A_20 : vector<256x4096xf32>
    %sqrt3A = math.sqrt %max3A_21 : vector<256x4096xf32>
    %mul3A_22 = arith.constant 3.700000e+00 : f32
    %mul3A_23 = arith.mulf %mul3A_22, %get3A_2 : f32
    %sub3A_24 = vector.broadcast %mul3A_23 : f32 to vector<256x4096xf32>
    %sub3A_25 = arith.subf %sub3A_24, %sqrt3A : vector<256x4096xf32>
    %mul3A_26 = arith.constant 2.700000e+00 : f32
    %mul3A_27 = vector.broadcast %mul3A_26 : f32 to vector<256x4096xf32>
    %mul3A_28 = arith.mulf %mul3A_27, %sqrt3A : vector<256x4096xf32>
    %add3A_29 = arith.constant 9.99999996E-13 : f32
    %add3A_30 = vector.broadcast %add3A_29 : f32 to vector<256x4096xf32>
    %add3A_31 = arith.addf %mul3A_28, %add3A_30 : vector<256x4096xf32>
    %div3A = arith.divf %sub3A_25, %add3A_31 : vector<256x4096xf32>
    %le3A = vector.broadcast %get3A_2 : f32 to vector<256x4096xf32>
    %le3A_32 = arith.cmpf ole, %sqrt3A, %le3A : vector<256x4096xf32>
    %le3A_33 = vector.broadcast %mul3A_23 : f32 to vector<256x4096xf32>
    %le3A_34 = arith.cmpf ole, %sqrt3A, %le3A_33 : vector<256x4096xf32>
    %jit3A = arith.constant 0.000000e+00 : f32
    %broadcast_in_dim3A_35 = vector.broadcast %jit3A : f32 to vector<256x4096xf32>
    %select_n3A = arith.select %le3A_34, %div3A, %broadcast_in_dim3A_35 : vector<256x4096xi1>, vector<256x4096xf32>
    %jit3A_36 = arith.constant 1.000000e+00 : f32
    %broadcast_in_dim3A_37 = vector.broadcast %jit3A_36 : f32 to vector<256x4096xf32>
    %select_n3A_38 = arith.select %le3A_32, %broadcast_in_dim3A_37, %select_n3A : vector<256x4096xi1>, vector<256x4096xf32>
    %get3A_39 = arith.constant 0 : index
    %get3A_40 = arith.constant 0 : index
    %get3A_41 = vector.load %arg1[%get3A_39, %get3A_40] : memref<256x4096xf32, #tpu.memory_space<vmem>>, vector<256x4096xf32>
    %mul3A_42 = arith.mulf %select_n3A_38, %get3A_41 : vector<256x4096xf32>
    %mul3A_43 = arith.constant 256 : i32
    %mul3A_44 = arith.muli %arg0, %mul3A_43 : i32
    %get3A_45 = arith.constant 0 : index
    %get3A_46 = arith.index_cast %mul3A_44 : i32 to index
    %get3A_47 = vector.load %arg4[%get3A_45, %get3A_46] : memref<1x4096xf32, #tpu.memory_space<vmem>>, vector<1x256xf32>
    %get3A_48 = vector.shape_cast %get3A_47 : vector<1x256xf32> to vector<256xf32>
    %reduce_sum3A_49 = arith.constant dense<0.000000e+00> : vector<256xf32>
    %reduce_sum3A_50 = vector.multi_reduction <add>, %mul3A_42, %reduce_sum3A_49 [1] : vector<256x4096xf32> to vector<256xf32>
    %div3A_51 = arith.divf %reduce_sum3A_50, %get3A_48 : vector<256xf32>
    %add3A_52 = arith.constant 0.111111112 : f32
    %add3A_53 = vector.broadcast %add3A_52 : f32 to vector<256xf32>
    %add3A_54 = arith.addf %div3A_51, %add3A_53 : vector<256xf32>
    %get3A_55 = arith.constant 0 : index
    %get3A_56 = arith.constant 0 : index
    %get3A_57 = vector.load %arg3[%get3A_55, %get3A_56] : memref<4096x64xf32, #tpu.memory_space<vmem>>, vector<4096x64xf32>
    %dot_general3A_58 = arith.constant dense<0.000000e+00> : vector<256x64xf32>
    %dot_general3A_59 = tpu.matmul %mul3A_42, %get3A_57, %dot_general3A_58 {dimension_numbers = #tpu.dot_dimension_numbers<[1], [0], [0], [1], [0, 0, 1, 1], [], []>, transpose_lhs_hint = false} : vector<256x4096xf32>, vector<4096x64xf32>, vector<256x64xf32> -> vector<256x64xf32>
    %sqrt3A_60 = math.sqrt %get3A_48 : vector<256xf32>
    %broadcast_in_dim3A_61 = vector.shape_cast %sqrt3A_60 : vector<256xf32> to vector<256x1xf32>
    %div3A_62 = vector.broadcast %broadcast_in_dim3A_61 : vector<256x1xf32> to vector<256x64xf32>
    %div3A_63 = arith.divf %dot_general3A_59, %div3A_62 : vector<256x64xf32>
    %get3A_64 = arith.constant 0 : index
    %get3A_65 = arith.constant 0 : index
    %get3A_66 = vector.load %arg5[%get3A_64, %get3A_65] : memref<256x64xf32, #tpu.memory_space<vmem>>, vector<256x64xf32>
    %mul3A_67 = arith.constant 0.111111112 : f32
    %mul3A_68 = vector.broadcast %mul3A_67 : f32 to vector<256x64xf32>
    %mul3A_69 = arith.mulf %mul3A_68, %get3A_66 : vector<256x64xf32>
    %add3A_70 = arith.addf %div3A_63, %mul3A_69 : vector<256x64xf32>
    %broadcast_in_dim3A_71 = vector.shape_cast %add3A_54 : vector<256xf32> to vector<256x1xf32>
    %div3A_72 = vector.broadcast %broadcast_in_dim3A_71 : vector<256x1xf32> to vector<256x64xf32>
    %div3A_73 = arith.divf %add3A_70, %div3A_72 : vector<256x64xf32>
    %swap3A = arith.constant 0 : index
    %swap3A_74 = arith.constant 0 : index
    %swap3A_75 = vector.load %arg7[%swap3A, %swap3A_74] : memref<256x64xf32, #tpu.memory_space<vmem>>, vector<256x64xf32>
    tpu.vector_store %arg7[%swap3A, %swap3A_74], %div3A_73 {strides = array<i32>} : memref<256x64xf32, #tpu.memory_space<vmem>>, vector<256x64xf32>,
    %broadcast_in_dim3A_76 = vector.shape_cast %sqrt3A_60 : vector<256xf32> to vector<256x1xf32>
    %div3A_77 = vector.broadcast %broadcast_in_dim3A_76 : vector<256x1xf32> to vector<256x64xf32>
    %div3A_78 = arith.divf %div3A_73, %div3A_77 : vector<256x64xf32>
    %swap3A_79 = arith.constant 0 : index
    %swap3A_80 = arith.constant 0 : index
    %swap3A_81 = vector.load %arg8[%swap3A_79, %swap3A_80] : memref<256x64xf32, #tpu.memory_space<vmem>>, vector<256x64xf32>
    tpu.vector_store %arg8[%swap3A_79, %swap3A_80], %div3A_78 {strides = array<i32>} : memref<256x64xf32, #tpu.memory_space<vmem>>, vector<256x64xf32>,
    return
  }
  func.func @transform_0(%arg0: i32) -> (i32, i32) {
    %c0_i32 = arith.constant 0 : i32
    %c0_i32_0 = arith.constant 0 : i32
    return %arg0, %c0_i32 : i32, i32
  }
  func.func @transform_1(%arg0: i32) -> (i32, i32) {
    %c0_i32 = arith.constant 0 : i32
    %c0_i32_0 = arith.constant 0 : i32
    return %arg0, %c0_i32 : i32, i32
  }
  func.func @transform_2(%arg0: i32) -> (i32, i32) {
    %c0_i32 = arith.constant 0 : i32
    %c0_i32_0 = arith.constant 0 : i32
    %c0_i32_1 = arith.constant 0 : i32
    return %c0_i32, %c0_i32_0 : i32, i32
  }
  func.func @transform_3(%arg0: i32) -> (i32, i32) {
    %c0_i32 = arith.constant 0 : i32
    %c0_i32_0 = arith.constant 0 : i32
    %c0_i32_1 = arith.constant 0 : i32
    return %c0_i32, %c0_i32_0 : i32, i32
  }
  func.func @transform_4(%arg0: i32) -> (i32, i32) {
    %c0_i32 = arith.constant 0 : i32
    %c0_i32_0 = arith.constant 0 : i32
    return %arg0, %c0_i32 : i32, i32
  }
  func.func @transform_5(%arg0: i32) -> (i32, i32) {
    %c0_i32 = arith.constant 0 : i32
    %c0_i32_0 = arith.constant 0 : i32
    %c0_i32_1 = arith.constant 0 : i32
    return %c0_i32, %c0_i32_0 : i32, i32
  }
  func.func @transform_6(%arg0: i32) -> (i32, i32) {
    %c0_i32 = arith.constant 0 : i32
    %c0_i32_0 = arith.constant 0 : i32
    return %arg0, %c0_i32 : i32, i32
  }
  func.func @transform_7(%arg0: i32) -> (i32, i32) {
    %c0_i32 = arith.constant 0 : i32
    %c0_i32_0 = arith.constant 0 : i32
    return %arg0, %c0_i32 : i32, i32
  }
}

</mosaic_0001>

<sc_bundles>
// kernel: kernel.20.cloned.1.call-start
scs
__scs_entry_jumppad:
0x0: {  	(pc) =	sbr.rel $0x88, $3  }
0x1: {  	(tag) =	ssettag $0x0;
	lr =	simm.s32 $0x1  }
0x2: {  	[smem:$0x3F9B] =	sst lr;
	_ =	strace $0xD0000000  }
0x3: {  	_ = 	snop  }
0x4: {  	_ = 	snop  }
0x5: {  	_ = 	snop  }
0x6: {  	_ = 	snop  }
0x7: {  	_ = 	snop  }
__scs_overlays_trampoline_lowered:
0x8: {  	[smem:$0x3FAA] =	sst s0  }
0x9: {  	[smem:$0x3FAB] =	sst s1  }
0xa: {  	[smem:$0x3FAC] =	sst s2  }
0xb: {  	[smem:$0x3FAD] =	sst s3  }
0xc: {  	[smem:$0x3FAE] =	sst s4  }
0xd: {  	[smem:$0x3FAF] =	sst s5  }
0xe: {  	[smem:$0x3FB0] =	sst s6  }
0xf: {  	[smem:$0x3FB1] =	sst s7  }
0x10: {  	[smem:$0x3FB2] =	sst s8  }
0x11: {  	[smem:$0x3FB3] =	sst s9;
	s0 =	simm.s32 @!p0 $0x0  }
0x12: {  	s1 =	sld [smem:$0x3F99];
	s0 =	simm.s32 @p0 $0x1  }
0x13: {  	[smem:$0x3FB4] =	sst s0;
	s0 =	simm.s32 @!p1 $0x0  }
0x14: {  	s2 =	sld [smem:$0x3F98];
	s0 =	simm.s32 @p1 $0x1  }
0x15: {  	[smem:$0x3FB5] =	sst s0;
	s0 =	simm.s32 @!p2 $0x0  }
0x16: {  	s3 =	sld [smem:$0x3FDB];
	s0 =	simm.s32 @p2 $0x1  }
0x17: {  	s4 =	simm.s32 $0x1BF5;
	[smem:$0x3FB7] =	sst s0  }
0x18: {  	s0 =	sld [smem:$0x3F9A];
	_ =	swait.ge [sflag:s4], $0x0  }
0x19: {  	s7 =	sld [smem:$0x3F9B]  }
0x1a: {  	s8 =	sadd.s32 $0xFFFFE003, lr  }
0x1b: {  	s9 =	sadd.s32 $0xFFFFFEF7, lr;
	s5 =	simm.s32 $0xFFFFFFFF;
	p2 =	slt.u32 s8, $0xFFFFF086  }
0x1c: {  	p1 =	slt.u32 s9, $0xF7A;
	s5 =	simm.s32 @!p2 $0x0  }
0x1d: {  	s5 =	simm.s32 @p1 $0x1;
	p0 =	seq.s32 s7, s2  }
0x1e: {  	s7 =	smul.u32 @!p0 $0xF7A, s2;
	p2 =	seq.s32 @!p0 s5, $0x0  }
0x1f: {  	s9 =	smul.u32 $0xF7A, s1;
	s8 =	simm.s32 @!p0 $0x1BF5;
	p2 =	por !p2, p0  }
0x20: {  	[sflag:s8] =	ssyncset.s32 @!p0 $0xFFFFF086;
	s6 =	sadd.s32 @!p0 s3, s7;
	s7 =	simm.s32 @!p0 $0x108  }
0x21: {  	s3 =	sadd.s32 s3, s9;
	s6 =	sadd.s32 @!p0 $0x88, s6;
	s7 =	simm.s32 @p2 $0x1082  }
0x22: {  	[simem:s7], [sflag:s8] =	dma.local @!p0 [hbm:s6], $0xF7A  }
0x23: {  	s9 =	sor.u32 $0xD0000000, s2;
	s6 =	simm.s32 $0x108;
	_ =	swait.ge @!p0 [sflag:s8], $0x0  }
0x24: {  	s3 =	sadd.s32 $0x88, s3;
	s6 =	simm.s32 @!p1 $0x1082;
	[sflag:s4] =	ssyncset.s32 $0xFFFFF086  }
0x25: {  	[simem:s6], [sflag:s4] =	dma.local [hbm:s3], $0xF7A  }
0x26: {  	[smem:$0x3F9B] =	sst s1;
	(tag) =	ssettag s2;
	_ =	strace s9  }
0x27: {  	s1 =	sld [smem:$0x3FAB]  }
0x28: {  	s2 =	sld [smem:$0x3FAC]  }
0x29: {  	s4 =	sld [smem:$0x3FAE]  }
0x2a: {  	p0 =	seq.s32 s5, $0x0;
	s5 =	sld [smem:$0x3FAF]  }
0x2b: {  	s6 =	sld [smem:$0x3FB0]  }
0x2c: {  	s7 =	sld [smem:$0x3FB1]  }
0x2d: {  	s3 =	simm.s32 $0x108;
	s8 =	sld [smem:$0x3FB2]  }
0x2e: {  	s3 =	simm.s32 @!p0 $0x1082;
	s9 =	sld [smem:$0x3FB3]  }
0x2f: {  	lr =	sadd.s32 s0, s3;
	s0 =	sld [smem:$0x3FAA]  }
0x30: {  	s3 =	sld [smem:$0x3FAD]  }
0x31: {  	[smem:$0x3FB6] =	sst s10  }
0x32: {  	s10 =	sld [smem:$0x3FB4];
	_ =	sdelay $0x3  }
0x33: {  	p0 =	seq.s32 s10, $0x1;
	s10 =	sld [smem:$0x3FB6];
	_ =	sdelay $0x3  }
0x34: {  	[smem:$0x3FB6] =	sst s10  }
0x35: {  	s10 =	sld [smem:$0x3FB5];
	_ =	sdelay $0x3  }
0x36: {  	p1 =	seq.s32 s10, $0x1;
	s10 =	sld [smem:$0x3FB6];
	_ =	sdelay $0x3  }
0x37: {  	[smem:$0x3FB6] =	sst s10  }
0x38: {  	s10 =	sld [smem:$0x3FB7]  }
0x39: {  	_ = 	snop;
	(pc) =	sbr.ind lr, $3  }
0x3a: {  	_ = 	snop  }
0x3b: {  	_ = 	snop  }
0x3c: {  	p2 =	seq.s32 s10, $0x1;
	s10 =	sld [smem:$0x3FB6]  }
0x3d: {  	_ =	shalt  }
0x3e: {  	_ =	shalt  }
0x3f: {  	_ =	shalt  }
0x40: {  	_ =	shalt  }
0x41: {  	_ =	shalt  }
0x42: {  	_ =	shalt  }
0x43: {  	_ =	shalt  }
0x44: {  	_ =	shalt  }
0x45: {  	_ =	shalt  }
0x46: {  	_ =	shalt  }
0x47: {  	_ =	shalt  }
0x48: {  	_ =	shalt  }
0x49: {  	_ =	shalt  }
0x4a: {  	_ =	shalt  }
0x4b: {  	_ =	shalt  }
0x4c: {  	_ =	shalt  }
0x4d: {  	_ =	shalt  }
0x4e: {  	_ =	shalt  }
0x4f: {  	_ =	shalt  }
0x50: {  	_ =	shalt  }
0x51: {  	_ =	shalt  }
0x52: {  	_ =	shalt  }
0x53: {  	_ =	shalt  }
0x54: {  	_ =	shalt  }
0x55: {  	_ =	shalt  }
0x56: {  	_ =	shalt  }
0x57: {  	_ =	shalt  }
0x58: {  	_ =	shalt  }
0x59: {  	_ =	shalt  }
0x5a: {  	_ =	shalt  }
0x5b: {  	_ =	shalt  }
0x5c: {  	_ =	shalt  }
0x5d: {  	_ =	shalt  }
0x5e: {  	_ =	shalt  }
0x5f: {  	_ =	shalt  }
0x60: {  	_ =	shalt  }
0x61: {  	_ =	shalt  }
0x62: {  	_ =	shalt  }
0x63: {  	_ =	shalt  }
0x64: {  	_ =	shalt  }
0x65: {  	_ =	shalt  }
0x66: {  	_ =	shalt  }
0x67: {  	_ =	shalt  }
0x68: {  	_ =	shalt  }
0x69: {  	_ =	shalt  }
0x6a: {  	_ =	shalt  }
0x6b: {  	_ =	shalt  }
0x6c: {  	_ =	shalt  }
0x6d: {  	_ =	shalt  }
0x6e: {  	_ =	shalt  }
0x6f: {  	_ =	shalt  }
0x70: {  	_ =	shalt  }
0x71: {  	_ =	shalt  }
0x72: {  	_ =	shalt  }
0x73: {  	_ =	shalt  }
0x74: {  	_ =	shalt  }
0x75: {  	_ =	shalt  }
0x76: {  	_ =	shalt  }
0x77: {  	_ =	shalt  }
0x78: {  	_ =	shalt  }
0x79: {  	_ =	shalt  }
0x7a: {  	_ =	shalt  }
0x7b: {  	_ =	shalt  }
0x7c: {  	_ =	shalt  }
0x7d: {  	_ =	shalt  }
0x7e: {  	_ =	shalt  }
0x7f: {  	_ =	shalt  }
0x80: {  	_ =	shalt  }
0x81: {  	_ =	shalt  }
0x82: {  	_ =	shalt  }
0x83: {  	_ =	shalt  }
0x84: {  	_ =	shalt  }
0x85: {  	_ =	shalt  }
0x86: {  	_ =	shalt  }
0x87: {  	_ =	shalt  }
.Lfunc_end0:
.L_simem_size_0:
called_computation_lowered:
.L_overlay_start_0:
0x88: {  	s2 =	sld [smem:$0x3FD9]  }
0x89: {  	s3 =	sld [smem:$0x3FFE];
	_ =	sdelay $0x1  }
0x8a: {  	s1 =	srdreg.scid  }
0x8b: {  	s0 =	sand.u32 $0x1, s1  }
0x8c: {  	s17 =	sshll.u32 s0, $0xA;
	s2 =	sadd.s32 s3, s2  }
0x8d: {  	s2 =	sadd.s32 s2, s17  }
0x8e: {  	[smem:$0x3FC2] =	sst s2  }
0x8f: {  	_ = 	snop  }
0x90: {  	s2 =	sld [smem:$0x3FC9];
	(tm) =	ssettm $0x1  }
0x91: {  	s18 =	sld [smem:$0x3FFB];
	_ =	sdelay $0x3  }
0x92: {  	_ =	strace s18  }
0x93: {  	s3 =	sld [smem:$0x3FFC];
	_ =	sdelay $0x3  }
0x94: {  	_ =	strace s3  }
0x95: {  	s3 =	sld [smem:$0x3FFD];
	_ =	sdelay $0x3  }
0x96: {  	_ =	strace s3  }
0x97: {  	_ =	strace $0x8FFFFFFF  }
0x98: {  	s19 =	sld [smem:$0x3FDB];
	_ =	sdelay $0x1  }
0x99: {  	s4 =	simm.s32 $_scs_section_size  }
0x9a: {  	s5 =	simm.s32 $_size__tile_overlayer_lowered;
	s6 =	simm.s32 $_tile_overlayer_lowered  }
0x9b: {  	s22 =	simm.s32 $0x1BFF;
	s21 =	sshll.u32 s6, $0x1;
	s3 =	sadd.s32 s4, s19  }
0x9c: {  	s7 =	simm.s32 $0x0;
	s20 =	sshll.u32 s5, $0x1;
	s5 =	sadd.s32 s21, s3  }
0x9d: {  	[timem:s7], [sflag:s22] =	dma.local [hbm:s5], s20  }
0x9e: {  	_ =	swait.ge [sflag:s22], s20  }
0x9f: {  	s4 =	ssub.s32 $0x0, s20;
	[sflag:s22] =	ssyncset.done $0x0  }
0xa0: {  	[sflag:s22] =	ssyncadd.s32 s4;
	_ =	sdelay $0x1  }
0xa1: {  	s23 =	simm.s32 $0x1B8B  }
0xa2: {  	_ =	swait.ge [sflag:s23], $0x1  }
0xa3: {  	[sflag:s23] =	ssyncset.done $0x0  }
0xa4: {  	s25 =	simm.s32 $0x1B8E;
	s24 =	sld [smem:$0x3FFE];
	[sflag:s23] =	ssyncadd.s32 $0xFFFFFFFF  }
0xa5: {  	s26 =	simm.s32 $execute0_lowered;
	[smem:$0x3FD2] =	sst s25  }
0xa6: {  	s5 =	sshll.u32 s26, $0x1;
	_ =	strace $0x80000046;
	[dreg:$0x1] =	wrdreg $0xFFFFFFFF  }
0xa7: {  	s28 =	simm.s32 $_size_execute0_lowered;
	s3 =	sadd.s32 s3, s5;
	[dreg:$0x0] =	wrdreg $0x0  }
0xa8: {  	s5 =	sshll.u32 s28, $0x1;
	[dreg:$0x2] =	wrdreg s3  }
0xa9: {  	[dreg:$0x3] =	wrdreg s5  }
0xaa: {  	[dreg:$0x4] =	wrdreg $0xC0  }
0xab: {  	_ =	task [dreg:s7], $0x5FFFF  }
0xac: {  	[dreg:$0x1] =	wrdreg $0xFFFFFFFF  }
0xad: {  	[dreg:$0x0] =	wrdreg $0x60  }
0xae: {  	[dreg:$0x2] =	wrdreg s2  }
0xaf: {  	[dreg:$0x3] =	wrdreg s24  }
0xb0: {  	[dreg:$0x4] =	wrdreg $0x9  }
0xb1: {  	_ =	task.clear_ibuf [dreg:s7], $0x5FFFF;
	_ =	strace $0x90000046  }
0xb2: {  	s29 =	simm.s32 $0x9;
	_ =	strace $0x80000048  }
0xb3: {  	_ =	swait.ge [sflag:s29], $0x1  }
0xb4: {  	[sflag:s29] =	ssyncadd.s32 $0xFFFFFFFF  }
0xb5: {  	_ =	strace $0x90000048  }
0xb6: {  	_ =	sfence  }
0xb7: {  	s30 =	sld [smem:$0x0];
	_ =	sdelay $0x2  }
0xb8: {  	s31 =	sshll.u32 s1, $0xD;
	s1 =	sshrl.u32 s1, $0x2  }
0xb9: {  	s3 =	sand.u32 $0x4000, s31;
	s1 =	sadd.s32 s1, s30  }
0xba: {  	s0 =	sor.u32 s3, s0;
	s1 =	sshll.u32 s1, $0x11  }
0xbb: {  	s0 =	sor.u32 s1, s0  }
0xbc: {  	s0 =	sadd.s32 $0x8F2B, s0  }
0xbd: {  	[sflag:s0] =	ssyncadd.remote.s32 $0x1  }
0xbe: {  	_ =	sfence.sel $0xFFFF  }
0xbf: {  	[dreg:$0x0] =	wrdreg $0xFFFFFFFF;
	(pc) =	sbr.abs _section_cstart, $3  }
0xc0: {  	[dreg:$0x1] =	wrdreg $0xFFFFFFFF  }
0xc1: {  	_ =	task.clear_ibuf [dreg:s7], $0x2FFFF;
	_ =	strace $0x9FFFFFFF  }
0xc2: {  	(tm) =	ssettm $0x7FFFFFFF  }
0xc3: {  	_ =	shalt  }
tec
execute0_lowered:
.L_overlay_start_1:
0x0: {  	(tag) =	ssettag $0x1  }
0x1: {  	s4 =	rddreg [dreg:$0x0]  }
0x2: {  	s3 =	rddreg [dreg:$0x1]  }
0x3: {  	s0 =	rddreg [dreg:$0x2];
	s5 =	srdreg.scid  }
0x4: {  	s2 =	simm.s32 $0x0;
	s1 =	stileid.u32;
	s9 =	simm.s32 $0x0  }
0x5: {  	s5 =	sand.u32 $0x1, s5;
	[smem:$0x7FF] =	sst s2;
	s7 =	sshll.u32 s1, $0x1  }
0x6: {  	s3 =	sadd.s32 $0x3600, s3;
	s6 =	ssub.s32 $0x2, s5;
	s5 =	sor.u32 s5, s7  }
0x7: {  	_ =	strace $0x80000047;
	s8 =	sshrl.u32 s6, $0x1;
	s7 =	sshll.u32 s5, $0x10  }
0x8: {  	s5 =	smul.u32 $0x2800, s5;
	s6 =	ssub.s32 s6, s8;
	s4 =	sadd.s32 s4, s7  }
0x9: {  	v0 =	vimm.s32 $0xFFFFFFFF;
	v1 =	vlaneseq.u32;
	s7 =	simm.s32 $0x1;
	s8 =	simm.s32 $0x8000;
	s6 =	smax.u32 s6, $0x1  }
.LBB2_1:
0xa: {  	s10 =	simm.s32 $0x0  }
.LBB2_2:
0xb: {  	s11 =	sshll.u32 s10, $0xC  }
0xc: {  	s12 =	sadd.s32 s11, s4;
	s11 =	simm.s32 $0x0  }
0xd: {  	[tilespmem:s11], [sflag:$0x1] =	stream.linear.gather [hbm4b:s12+s11], $0x8000, $0x38;
	[tilespmem:$0x8300] =	vst v63  }
0xe: {  	_ =	swait.ge [sflag:s7], $0x8000  }
0xf: {  	[sflag:s7] =	ssyncset.done $0x0  }
0x10: {  	[sflag:s7] =	ssyncadd.s32 $0xFFFF8000  }
0x11: {  	[tilespmem:$0x8000] =	vst v0  }
0x12: {  	[tilespmem:$0x8010] =	vst v0  }
0x13: {  	[tilespmem:$0x8020] =	vst v0  }
0x14: {  	[tilespmem:$0x8030] =	vst v0  }
0x15: {  	[tilespmem:$0x8040] =	vst v0  }
0x16: {  	[tilespmem:$0x8050] =	vst v0  }
0x17: {  	[tilespmem:$0x8060] =	vst v0  }
0x18: {  	[tilespmem:$0x8070] =	vst v0  }
0x19: {  	[tilespmem:$0x8080] =	vst v0  }
0x1a: {  	[tilespmem:$0x8090] =	vst v0  }
0x1b: {  	[tilespmem:$0x80A0] =	vst v0  }
0x1c: {  	[tilespmem:$0x80B0] =	vst v0  }
0x1d: {  	[tilespmem:$0x80C0] =	vst v0  }
0x1e: {  	[tilespmem:$0x80D0] =	vst v0  }
0x1f: {  	[tilespmem:$0x80E0] =	vst v0  }
0x20: {  	[tilespmem:$0x80F0] =	vst v0  }
0x21: {  	[tilespmem:$0x8100] =	vst v0  }
0x22: {  	[tilespmem:$0x8110] =	vst v0  }
0x23: {  	[tilespmem:$0x8120] =	vst v0  }
0x24: {  	[tilespmem:$0x8130] =	vst v0  }
0x25: {  	[tilespmem:$0x8140] =	vst v0  }
0x26: {  	[tilespmem:$0x8150] =	vst v0  }
0x27: {  	[tilespmem:$0x8160] =	vst v0  }
0x28: {  	[tilespmem:$0x8170] =	vst v0  }
0x29: {  	[tilespmem:$0x8180] =	vst v0  }
0x2a: {  	[tilespmem:$0x8190] =	vst v0  }
0x2b: {  	[tilespmem:$0x81A0] =	vst v0  }
0x2c: {  	[tilespmem:$0x81B0] =	vst v0  }
0x2d: {  	[tilespmem:$0x81C0] =	vst v0  }
0x2e: {  	[tilespmem:$0x81D0] =	vst v0  }
0x2f: {  	[tilespmem:$0x81E0] =	vst v0  }
0x30: {  	[tilespmem:$0x81F0] =	vst v0  }
0x31: {  	[tilespmem:$0x8200] =	vst v0  }
0x32: {  	[tilespmem:$0x8210] =	vst v0  }
0x33: {  	[tilespmem:$0x8220] =	vst v0  }
0x34: {  	[tilespmem:$0x8230] =	vst v0  }
0x35: {  	[tilespmem:$0x8240] =	vst v0  }
0x36: {  	[tilespmem:$0x8250] =	vst v0  }
0x37: {  	s31 =	simm.s32 $0x0;
	[tilespmem:$0x8260] =	vst v0  }
0x38: {  	s13 =	sand.u32 $0x70, s31;
	s14 =	sand.u32 $0x7C00, s11;
	[tilespmem:$0x8270] =	vst v0  }
0x39: {  	s13 =	sor.u32 s13, s14;
	[tilespmem:$0x8280] =	vst v0  }
0x3a: {  	v2 =	vld [tilespmem:s13+$0x0];
	_ =	sdelay $0x4  }
0x3b: {  	v3 =	vor.u32 s31, v1;
	vm0 =	vgt.f32 v2, $5.000000000e-01  }
0x3c: {  	[tilespmem:s11+$0x8000] =	vst.msk vm0, v3;
	v2 =	vmpcnt.ones.xlane vm0  }
0x3d: {  	v3 =	vld [tilespmem:s13+$0x80]  }
0x3e: {  	(v2sf) =	vpush v2, $0x0;
	_ =	sdelay $0x3  }
0x3f: {  	vm9 =	vgt.f32 v3, $5.000000000e-01  }
0x40: {  	v2 =	vmpcnt.ones.xlane vm9;
	_ =	sdelay $0x1  }
0x41: {  	(v2sf) =	vpush v2, $0x0;
	_ =	sdelay $0x7  }
0x42: {  	s15 =	spop (v2sf)  }
0x43: {  	s12 =	sadd.s32 $0x0, s15  }
0x44: {  	s16 =	simm.s32 $0x1000;
	p0 =	slt.s32 s12, $0x280  }
0x45: {  	v2 =	vor.u32 s16, v1;
	s12 =	simm.s32 @!p0 $0x280  }
0x46: {  	[tilespmem:s12+$0x8000] =	vst.msk vm9, v2  }
0x47: {  	v2 =	vld [tilespmem:s13+$0x100];
	_ =	sdelay $0x1  }
0x48: {  	s17 =	spop (v2sf)  }
0x49: {  	s12 =	sadd.s32 s12, s17  }
0x4a: {  	s18 =	simm.s32 $0x2000;
	p0 =	slt.s32 s12, $0x280  }
0x4b: {  	s12 =	simm.s32 @!p0 $0x280;
	vm10 =	vgt.f32 v2, $5.000000000e-01;
	v2 =	vor.u32 s18, v1  }
0x4c: {  	[tilespmem:s12+$0x8000] =	vst.msk vm10, v2;
	v2 =	vmpcnt.ones.xlane vm10  }
0x4d: {  	v3 =	vld [tilespmem:s13+$0x180]  }
0x4e: {  	(v2sf) =	vpush v2, $0x0;
	_ =	sdelay $0x3  }
0x4f: {  	vm11 =	vgt.f32 v3, $5.000000000e-01  }
0x50: {  	v2 =	vmpcnt.ones.xlane vm11;
	_ =	sdelay $0x1  }
0x51: {  	(v2sf) =	vpush v2, $0x0;
	_ =	sdelay $0x7  }
0x52: {  	s19 =	spop (v2sf)  }
0x53: {  	s12 =	sadd.s32 s12, s19  }
0x54: {  	s20 =	simm.s32 $0x3000;
	p0 =	slt.s32 s12, $0x280  }
0x55: {  	v2 =	vor.u32 s20, v1;
	s12 =	simm.s32 @!p0 $0x280  }
0x56: {  	[tilespmem:s12+$0x8000] =	vst.msk vm11, v2  }
0x57: {  	v2 =	vld [tilespmem:s13+$0x200];
	_ =	sdelay $0x1  }
0x58: {  	s21 =	spop (v2sf)  }
0x59: {  	s12 =	sadd.s32 s12, s21  }
0x5a: {  	s22 =	simm.s32 $0x4000;
	p0 =	slt.s32 s12, $0x280  }
0x5b: {  	s12 =	simm.s32 @!p0 $0x280;
	vm12 =	vgt.f32 v2, $5.000000000e-01;
	v2 =	vor.u32 s22, v1  }
0x5c: {  	[tilespmem:s12+$0x8000] =	vst.msk vm12, v2;
	v2 =	vmpcnt.ones.xlane vm12  }
0x5d: {  	v3 =	vld [tilespmem:s13+$0x280]  }
0x5e: {  	(v2sf) =	vpush v2, $0x0;
	_ =	sdelay $0x3  }
0x5f: {  	vm13 =	vgt.f32 v3, $5.000000000e-01  }
0x60: {  	v2 =	vmpcnt.ones.xlane vm13;
	_ =	sdelay $0x1  }
0x61: {  	(v2sf) =	vpush v2, $0x0;
	_ =	sdelay $0x7  }
0x62: {  	s23 =	spop (v2sf)  }
0x63: {  	s12 =	sadd.s32 s12, s23  }
0x64: {  	s24 =	simm.s32 $0x5000;
	p0 =	slt.s32 s12, $0x280  }
0x65: {  	v2 =	vor.u32 s24, v1;
	s12 =	simm.s32 @!p0 $0x280  }
0x66: {  	[tilespmem:s12+$0x8000] =	vst.msk vm13, v2  }
0x67: {  	v2 =	vld [tilespmem:s13+$0x300];
	_ =	sdelay $0x1  }
0x68: {  	s25 =	spop (v2sf)  }
0x69: {  	s26 =	sand.u32 $0x7, s11;
	s12 =	sadd.s32 s12, s25  }
0x6a: {  	s29 =	simm.s32 $0x6000;
	s28 =	sshll.u32 s26, $0x4;
	p0 =	slt.s32 s12, $0x280  }
0x6b: {  	s13 =	sadd.s32 $0x0, s28;
	s12 =	simm.s32 @!p0 $0x280;
	vm14 =	vgt.f32 v2, $5.000000000e-01;
	v2 =	vor.u32 s29, v1  }
0x6c: {  	s13 =	sor.u32 $0x380, s13;
	[tilespmem:s12+$0x8000] =	vst.msk vm14, v2  }
0x6d: {  	v3 =	vmpcnt.ones.xlane vm14;
	v2 =	vld [tilespmem:s13+$0x0];
	_ =	sdelay $0x1  }
0x6e: {  	(v2sf) =	vpush v3, $0x0;
	_ =	sdelay $0x2  }
0x6f: {  	vm15 =	vgt.f32 v2, $5.000000000e-01  }
0x70: {  	v2 =	vmpcnt.ones.xlane vm15;
	_ =	sdelay $0x1  }
0x71: {  	(v2sf) =	vpush v2, $0x0;
	_ =	sdelay $0x8  }
0x72: {  	s30 =	spop (v2sf)  }
0x73: {  	s31 =	simm.s32 $0x7000;
	s12 =	sadd.s32 s12, s30  }
0x74: {  	s15 =	simm.s32 $0x10;
	s13 =	simm.s32 $0x80;
	p0 =	slt.s32 s12, $0x280  }
0x75: {  	s16 =	sand.u32 $0x70, s15;
	s17 =	sand.u32 $0x7C00, s13;
	v2 =	vor.u32 s31, v1;
	s12 =	simm.s32 @!p0 $0x280  }
0x76: {  	s14 =	sor.u32 s16, s17;
	[tilespmem:s12+$0x8000] =	vst.msk vm15, v2  }
0x77: {  	v3 =	vld [tilespmem:s14+$0x0]  }
0x78: {  	s18 =	spop (v2sf)  }
0x79: {  	s17 =	sadd.s32 s12, s18  }
0x7a: {  	v2 =	vor.u32 s15, v1;
	s12 =	simm.s32 $0x7010;
	s18 =	simm.s32 $0x7020;
	p1 =	slt.s32 s17, $0x280  }
.LBB2_3:
0x7b: {  	s17 =	simm.s32 @!p1 $0x280  }
0x7c: {  	vm0 =	vgt.f32 v3, $5.000000000e-01;
	s11 =	sadd.s32 $0x1, s11;
	s16 =	smov.u32 s18;
	s15 =	sadd.s32 $0x10, s18  }
0x7d: {  	p0 =	sne.s32 s18, $0x7FF0;
	[tilespmem:s17+$0x8000] =	vst.msk vm0, v2;
	v2 =	vmpcnt.ones.xlane vm0  }
0x7e: {  	v3 =	vld [tilespmem:s14+$0x80]  }
0x7f: {  	(v2sf) =	vpush v2, $0x0;
	_ =	sdelay $0x3  }
0x80: {  	vm0 =	vgt.f32 v3, $5.000000000e-01  }
0x81: {  	v2 =	vmpcnt.ones.xlane vm0;
	_ =	sdelay $0x1  }
0x82: {  	(v2sf) =	vpush v2, $0x0;
	_ =	sdelay $0x7  }
0x83: {  	s18 =	spop (v2sf)  }
0x84: {  	s17 =	sadd.s32 s17, s18  }
0x85: {  	s18 =	sadd.s32 $0xFFFFA000, s12;
	p1 =	slt.s32 s17, $0x280  }
0x86: {  	v2 =	vor.u32 s18, v1;
	s17 =	simm.s32 @!p1 $0x280  }
0x87: {  	[tilespmem:s17+$0x8000] =	vst.msk vm0, v2  }
0x88: {  	v2 =	vld [tilespmem:s14+$0x100];
	_ =	sdelay $0x1  }
0x89: {  	s18 =	spop (v2sf)  }
0x8a: {  	s17 =	sadd.s32 s17, s18  }
0x8b: {  	s18 =	sadd.s32 $0xFFFFB000, s12;
	p1 =	slt.s32 s17, $0x280  }
0x8c: {  	s17 =	simm.s32 @!p1 $0x280;
	vm0 =	vgt.f32 v2, $5.000000000e-01;
	v2 =	vor.u32 s18, v1  }
0x8d: {  	[tilespmem:s17+$0x8000] =	vst.msk vm0, v2;
	v2 =	vmpcnt.ones.xlane vm0  }
0x8e: {  	v3 =	vld [tilespmem:s14+$0x180]  }
0x8f: {  	(v2sf) =	vpush v2, $0x0;
	_ =	sdelay $0x3  }
0x90: {  	vm0 =	vgt.f32 v3, $5.000000000e-01  }
0x91: {  	v2 =	vmpcnt.ones.xlane vm0;
	_ =	sdelay $0x1  }
0x92: {  	(v2sf) =	vpush v2, $0x0;
	_ =	sdelay $0x7  }
0x93: {  	s18 =	spop (v2sf)  }
0x94: {  	s17 =	sadd.s32 s17, s18  }
0x95: {  	s18 =	sadd.s32 $0xFFFFC000, s12;
	p1 =	slt.s32 s17, $0x280  }
0x96: {  	v2 =	vor.u32 s18, v1;
	s17 =	simm.s32 @!p1 $0x280  }
0x97: {  	[tilespmem:s17+$0x8000] =	vst.msk vm0, v2  }
0x98: {  	v2 =	vld [tilespmem:s14+$0x200];
	_ =	sdelay $0x1  }
0x99: {  	s18 =	spop (v2sf)  }
0x9a: {  	s17 =	sadd.s32 s17, s18  }
0x9b: {  	s18 =	sadd.s32 $0xFFFFD000, s12;
	p1 =	slt.s32 s17, $0x280  }
0x9c: {  	s17 =	simm.s32 @!p1 $0x280;
	vm0 =	vgt.f32 v2, $5.000000000e-01;
	v2 =	vor.u32 s18, v1  }
0x9d: {  	[tilespmem:s17+$0x8000] =	vst.msk vm0, v2;
	v2 =	vmpcnt.ones.xlane vm0  }
0x9e: {  	v3 =	vld [tilespmem:s14+$0x280]  }
0x9f: {  	(v2sf) =	vpush v2, $0x0;
	_ =	sdelay $0x3  }
0xa0: {  	vm0 =	vgt.f32 v3, $5.000000000e-01  }
0xa1: {  	v2 =	vmpcnt.ones.xlane vm0;
	_ =	sdelay $0x1  }
0xa2: {  	(v2sf) =	vpush v2, $0x0;
	_ =	sdelay $0x7  }
0xa3: {  	s18 =	spop (v2sf)  }
0xa4: {  	s17 =	sadd.s32 s17, s18  }
0xa5: {  	s18 =	sadd.s32 $0xFFFFE000, s12;
	p1 =	slt.s32 s17, $0x280  }
0xa6: {  	v2 =	vor.u32 s18, v1;
	s17 =	simm.s32 @!p1 $0x280  }
0xa7: {  	[tilespmem:s17+$0x8000] =	vst.msk vm0, v2  }
0xa8: {  	v2 =	vld [tilespmem:s14+$0x300];
	_ =	sdelay $0x1  }
0xa9: {  	s14 =	spop (v2sf)  }
0xaa: {  	s18 =	sand.u32 $0x7, s11;
	s14 =	sadd.s32 s17, s14  }
0xab: {  	s17 =	sshll.u32 s18, $0x4;
	s18 =	sadd.s32 $0xFFFFF000, s12;
	p1 =	slt.s32 s14, $0x280  }
0xac: {  	s17 =	sadd.s32 s17, s13;
	s14 =	simm.s32 @!p1 $0x280;
	vm0 =	vgt.f32 v2, $5.000000000e-01;
	v2 =	vor.u32 s18, v1  }
0xad: {  	s17 =	sor.u32 $0x380, s17;
	[tilespmem:s14+$0x8000] =	vst.msk vm0, v2;
	v2 =	vmpcnt.ones.xlane vm0  }
0xae: {  	v3 =	vld [tilespmem:s17+$0x0]  }
0xaf: {  	(v2sf) =	vpush v2, $0x0;
	_ =	sdelay $0x3  }
0xb0: {  	vm0 =	vgt.f32 v3, $5.000000000e-01  }
0xb1: {  	v2 =	vmpcnt.ones.xlane vm0;
	_ =	sdelay $0x1  }
0xb2: {  	(v2sf) =	vpush v2, $0x0;
	_ =	sdelay $0x7  }
0xb3: {  	s17 =	spop (v2sf)  }
0xb4: {  	s17 =	sadd.s32 s14, s17  }
0xb5: {  	s13 =	sadd.s32 $0x80, s13;
	s14 =	sadd.s32 $0xFFFF9000, s16;
	p1 =	slt.s32 s17, $0x280  }
0xb6: {  	s19 =	sand.u32 $0x7C00, s13;
	v3 =	vor.u32 s12, v1;
	s18 =	sand.u32 $0x70, s14;
	v2 =	vor.u32 s14, v1;
	s17 =	simm.s32 @!p1 $0x280  }
0xb7: {  	s12 =	smov.u32 s16;
	s14 =	sor.u32 s18, s19;
	[tilespmem:s17+$0x8000] =	vst.msk vm0, v3  }
.Ltmp0:
0xb8: {  	v3 =	vld [tilespmem:s14+$0x0];
	(pc) =	sbr.rel @p0 .LBB2_3-.Ltmp0, $4  }
0xb9: {  	_ = 	snop  }
0xba: {  	s16 =	spop (v2sf)  }
0xbb: {  	s17 =	sadd.s32 s17, s16  }
0xbc: {  	s18 =	smov.u32 s15;
	p1 =	slt.s32 s17, $0x280  }
0xbd: {  	vm0 =	vgt.f32 v3, $5.000000000e-01;
	s17 =	simm.s32 @!p1 $0x280  }
0xbe: {  	[tilespmem:s17+$0x8000] =	vst.msk vm0, v2;
	v2 =	vmpcnt.ones.xlane vm0  }
0xbf: {  	v3 =	vld [tilespmem:s14+$0x80]  }
0xc0: {  	(v2sf) =	vpush v2, $0x0;
	_ =	sdelay $0x3  }
0xc1: {  	vm9 =	vgt.f32 v3, $5.000000000e-01  }
0xc2: {  	v2 =	vmpcnt.ones.xlane vm9;
	_ =	sdelay $0x1  }
0xc3: {  	(v2sf) =	vpush v2, $0x0;
	_ =	sdelay $0x7  }
0xc4: {  	s15 =	spop (v2sf)  }
0xc5: {  	s15 =	sadd.s32 s17, s15  }
0xc6: {  	s16 =	sadd.s32 $0xFFFFA000, s12;
	p0 =	slt.s32 s15, $0x280  }
0xc7: {  	v2 =	vor.u32 s16, v1;
	s15 =	simm.s32 @!p0 $0x280  }
0xc8: {  	[tilespmem:s15+$0x8000] =	vst.msk vm9, v2  }
0xc9: {  	v2 =	vld [tilespmem:s14+$0x100];
	_ =	sdelay $0x1  }
0xca: {  	s17 =	spop (v2sf)  }
0xcb: {  	s15 =	sadd.s32 s15, s17  }
0xcc: {  	s18 =	sadd.s32 $0xFFFFB000, s12;
	p0 =	slt.s32 s15, $0x280  }
0xcd: {  	s15 =	simm.s32 @!p0 $0x280;
	vm10 =	vgt.f32 v2, $5.000000000e-01;
	v2 =	vor.u32 s18, v1  }
0xce: {  	[tilespmem:s15+$0x8000] =	vst.msk vm10, v2;
	v2 =	vmpcnt.ones.xlane vm10  }
0xcf: {  	v3 =	vld [tilespmem:s14+$0x180]  }
0xd0: {  	(v2sf) =	vpush v2, $0x0;
	_ =	sdelay $0x3  }
0xd1: {  	vm11 =	vgt.f32 v3, $5.000000000e-01  }
0xd2: {  	v2 =	vmpcnt.ones.xlane vm11;
	_ =	sdelay $0x1  }
0xd3: {  	(v2sf) =	vpush v2, $0x0;
	_ =	sdelay $0x7  }
0xd4: {  	s19 =	spop (v2sf)  }
0xd5: {  	s15 =	sadd.s32 s15, s19  }
0xd6: {  	s20 =	sadd.s32 $0xFFFFC000, s12;
	p0 =	slt.s32 s15, $0x280  }
0xd7: {  	v2 =	vor.u32 s20, v1;
	s15 =	simm.s32 @!p0 $0x280  }
0xd8: {  	[tilespmem:s15+$0x8000] =	vst.msk vm11, v2  }
0xd9: {  	v2 =	vld [tilespmem:s14+$0x200];
	_ =	sdelay $0x1  }
0xda: {  	s21 =	spop (v2sf)  }
0xdb: {  	s15 =	sadd.s32 s15, s21  }
0xdc: {  	s22 =	sadd.s32 $0xFFFFD000, s12;
	p0 =	slt.s32 s15, $0x280  }
0xdd: {  	s15 =	simm.s32 @!p0 $0x280;
	vm12 =	vgt.f32 v2, $5.000000000e-01;
	v2 =	vor.u32 s22, v1  }
0xde: {  	[tilespmem:s15+$0x8000] =	vst.msk vm12, v2;
	v2 =	vmpcnt.ones.xlane vm12  }
0xdf: {  	v3 =	vld [tilespmem:s14+$0x280]  }
0xe0: {  	(v2sf) =	vpush v2, $0x0;
	_ =	sdelay $0x3  }
0xe1: {  	vm13 =	vgt.f32 v3, $5.000000000e-01  }
0xe2: {  	v2 =	vmpcnt.ones.xlane vm13;
	_ =	sdelay $0x1  }
0xe3: {  	(v2sf) =	vpush v2, $0x0;
	_ =	sdelay $0x7  }
0xe4: {  	s23 =	spop (v2sf)  }
0xe5: {  	s15 =	sadd.s32 s15, s23  }
0xe6: {  	s24 =	sadd.s32 $0xFFFFE000, s12;
	p0 =	slt.s32 s15, $0x280  }
0xe7: {  	v2 =	vor.u32 s24, v1;
	s15 =	simm.s32 @!p0 $0x280  }
0xe8: {  	[tilespmem:s15+$0x8000] =	vst.msk vm13, v2  }
0xe9: {  	v2 =	vld [tilespmem:s14+$0x300];
	_ =	sdelay $0x1  }
0xea: {  	s11 =	sadd.s32 $0x1, s11;
	s25 =	spop (v2sf)  }
0xeb: {  	s11 =	sand.u32 $0x7, s11;
	s14 =	sadd.s32 s15, s25  }
0xec: {  	s26 =	sadd.s32 $0xFFFFF000, s12;
	s11 =	sshll.u32 s11, $0x4;
	p0 =	slt.s32 s14, $0x280  }
0xed: {  	s11 =	sadd.s32 s11, s13;
	s14 =	simm.s32 @!p0 $0x280;
	vm14 =	vgt.f32 v2, $5.000000000e-01;
	v2 =	vor.u32 s26, v1  }
0xee: {  	s11 =	sor.u32 $0x380, s11;
	[tilespmem:s14+$0x8000] =	vst.msk vm14, v2;
	v3 =	vmpcnt.ones.xlane vm14  }
0xef: {  	v2 =	vld [tilespmem:s11+$0x0]  }
0xf0: {  	(v2sf) =	vpush v3, $0x0;
	_ =	sdelay $0x3  }
0xf1: {  	vm15 =	vgt.f32 v2, $5.000000000e-01  }
0xf2: {  	v2 =	vmpcnt.ones.xlane vm15;
	_ =	sdelay $0x1  }
0xf3: {  	(v2sf) =	vpush v2, $0x0;
	_ =	sdelay $0x7  }
0xf4: {  	s29 =	smul.u32 $0x280, s10;
	s28 =	spop (v2sf)  }
0xf5: {  	s11 =	sadd.s32 s14, s28  }
0xf6: {  	s13 =	sadd.s32 s5, s29;
	p0 =	slt.s32 s11, $0x280  }
0xf7: {  	s10 =	sadd.s32 $0x1, s10;
	s30 =	sshrl.u32 s13, $0x3;
	v2 =	vor.u32 s12, v1;
	s11 =	simm.s32 @!p0 $0x280  }
0xf8: {  	p0 =	sne.s32 s10, $0x10;
	[tilespmem:s11+$0x8000] =	vst.msk vm15, v2;
	s11 =	sadd.s32 s3, s30  }
0xf9: {  	[hbm4b:s11+s2] =	stream.linear.scatter [tilespmem:s8], [sflag:$0x1], $0x280, $0x38;
	[tilespmem:$0x8300] =	vst v63  }
.Ltmp1:
0xfa: {  	_ = 	snop;
	(pc) =	sbr.rel @p0 .LBB2_2-.Ltmp1, $4  }
0xfb: {  	s31 =	spop (v2sf)  }
0xfc: {  	_ =	swait.ge [sflag:s7], $0x280  }
0xfd: {  	[sflag:s7] =	ssyncset.done $0x0  }
0xfe: {  	[sflag:s7] =	ssyncadd.s32 $0xFFFFFD80  }
0xff: {  	s9 =	sadd.s32 $0x1, s9  }
0x100: {  	p0 =	sne.s32 s9, s6  }
.Ltmp2:
0x101: {  	_ = 	snop;
	(pc) =	sbr.rel @p0 .LBB2_1-.Ltmp2, $1  }
0x102: {  	_ =	sdelay $0x3  }
0x103: {  	_ =	sfence.sel $0x180000  }
0x104: {  	[bflag:$0x0] =	sbarrier.arrive $0xFFFF  }
0x105: {  	p0 =	sne.s32 s1, $0x0;
	_ =	strace $0x90000047  }
0x106: {  	s0 =	sadd.s32 @!p0 $0x100000, s0;
	[bflag:$0x2] =	sbarrier.arrive $0xFFFF  }
0x107: {  	[sflag:s0] =	ssyncadd.tile.s32 @!p0 $0x1;
	_ =	shalt  }
.Lfunc_end2:
_tile_overlayer_lowered:
.L_overlay_start_2:
0x108: {  	(tag) =	ssettag $0x2  }
0x109: {  	s0 =	rddreg [dreg:$0x0];
	s2 =	stileid.u32  }
0x10a: {  	s1 =	rddreg [dreg:$0x1];
	p0 =	sne.s32 s2, $0x0  }
0x10b: {  	s3 =	rddreg [dreg:$0x2];
	[bflag:$0x3] =	sbarrier.arrive $0xFFFF;
	s2 =	simm.s32 @!p0 $0x1C01  }
0x10c: {  	[timem:s3], [sflag:s2] =	dma.local @!p0 [hbm:s0], s1  }
0x10d: {  	s0 =	simm.s32 @!p0 $0x1  }
0x10e: {  	_ =	swait.ge @!p0 [sflag:s0], s1  }
0x10f: {  	s1 =	ssub.s32 @!p0 $0x0, s1;
	[sflag:s0] =	ssyncset.done @!p0 $0x0  }
0x110: {  	[sflag:s0] =	ssyncadd.s32 @!p0 s1  }
0x111: {  	[bflag:$0x3] =	sbarrier.arrive $0xFFFF  }
0x112: {  	_ =	shalt  }

// kernel: kernel.23.cloned.1.call-start
scs
__scs_entry_jumppad:
0x0: {  	(pc) =	sbr.rel $0x88, $3  }
0x1: {  	(tag) =	ssettag $0x0;
	lr =	simm.s32 $0x1  }
0x2: {  	[smem:$0x3F9B] =	sst lr;
	_ =	strace $0xD0000000  }
0x3: {  	_ = 	snop  }
0x4: {  	_ = 	snop  }
0x5: {  	_ = 	snop  }
0x6: {  	_ = 	snop  }
0x7: {  	_ = 	snop  }
__scs_overlays_trampoline_lowered:
0x8: {  	[smem:$0x3FAA] =	sst s0  }
0x9: {  	[smem:$0x3FAB] =	sst s1  }
0xa: {  	[smem:$0x3FAC] =	sst s2  }
0xb: {  	[smem:$0x3FAD] =	sst s3  }
0xc: {  	[smem:$0x3FAE] =	sst s4  }
0xd: {  	[smem:$0x3FAF] =	sst s5  }
0xe: {  	[smem:$0x3FB0] =	sst s6  }
0xf: {  	[smem:$0x3FB1] =	sst s7  }
0x10: {  	[smem:$0x3FB2] =	sst s8  }
0x11: {  	[smem:$0x3FB3] =	sst s9;
	s0 =	simm.s32 @!p0 $0x0  }
0x12: {  	s1 =	sld [smem:$0x3F99];
	s0 =	simm.s32 @p0 $0x1  }
0x13: {  	[smem:$0x3FB4] =	sst s0;
	s0 =	simm.s32 @!p1 $0x0  }
0x14: {  	s2 =	sld [smem:$0x3F98];
	s0 =	simm.s32 @p1 $0x1  }
0x15: {  	[smem:$0x3FB5] =	sst s0;
	s0 =	simm.s32 @!p2 $0x0  }
0x16: {  	s3 =	sld [smem:$0x3FDB];
	s0 =	simm.s32 @p2 $0x1  }
0x17: {  	s4 =	simm.s32 $0x1BF5;
	[smem:$0x3FB7] =	sst s0  }
0x18: {  	s0 =	sld [smem:$0x3F9A];
	_ =	swait.ge [sflag:s4], $0x0  }
0x19: {  	s7 =	sld [smem:$0x3F9B]  }
0x1a: {  	s8 =	sadd.s32 $0xFFFFE003, lr  }
0x1b: {  	s9 =	sadd.s32 $0xFFFFFEF7, lr;
	s5 =	simm.s32 $0xFFFFFFFF;
	p2 =	slt.u32 s8, $0xFFFFF086  }
0x1c: {  	p1 =	slt.u32 s9, $0xF7A;
	s5 =	simm.s32 @!p2 $0x0  }
0x1d: {  	s5 =	simm.s32 @p1 $0x1;
	p0 =	seq.s32 s7, s2  }
0x1e: {  	s7 =	smul.u32 @!p0 $0xF7A, s2;
	p2 =	seq.s32 @!p0 s5, $0x0  }
0x1f: {  	s9 =	smul.u32 $0xF7A, s1;
	s8 =	simm.s32 @!p0 $0x1BF5;
	p2 =	por !p2, p0  }
0x20: {  	[sflag:s8] =	ssyncset.s32 @!p0 $0xFFFFF086;
	s6 =	sadd.s32 @!p0 s3, s7;
	s7 =	simm.s32 @!p0 $0x108  }
0x21: {  	s3 =	sadd.s32 s3, s9;
	s6 =	sadd.s32 @!p0 $0x88, s6;
	s7 =	simm.s32 @p2 $0x1082  }
0x22: {  	[simem:s7], [sflag:s8] =	dma.local @!p0 [hbm:s6], $0xF7A  }
0x23: {  	s9 =	sor.u32 $0xD0000000, s2;
	s6 =	simm.s32 $0x108;
	_ =	swait.ge @!p0 [sflag:s8], $0x0  }
0x24: {  	s3 =	sadd.s32 $0x88, s3;
	s6 =	simm.s32 @!p1 $0x1082;
	[sflag:s4] =	ssyncset.s32 $0xFFFFF086  }
0x25: {  	[simem:s6], [sflag:s4] =	dma.local [hbm:s3], $0xF7A  }
0x26: {  	[smem:$0x3F9B] =	sst s1;
	(tag) =	ssettag s2;
	_ =	strace s9  }
0x27: {  	s1 =	sld [smem:$0x3FAB]  }
0x28: {  	s2 =	sld [smem:$0x3FAC]  }
0x29: {  	s4 =	sld [smem:$0x3FAE]  }
0x2a: {  	p0 =	seq.s32 s5, $0x0;
	s5 =	sld [smem:$0x3FAF]  }
0x2b: {  	s6 =	sld [smem:$0x3FB0]  }
0x2c: {  	s7 =	sld [smem:$0x3FB1]  }
0x2d: {  	s3 =	simm.s32 $0x108;
	s8 =	sld [smem:$0x3FB2]  }
0x2e: {  	s3 =	simm.s32 @!p0 $0x1082;
	s9 =	sld [smem:$0x3FB3]  }
0x2f: {  	lr =	sadd.s32 s0, s3;
	s0 =	sld [smem:$0x3FAA]  }
0x30: {  	s3 =	sld [smem:$0x3FAD]  }
0x31: {  	[smem:$0x3FB6] =	sst s10  }
0x32: {  	s10 =	sld [smem:$0x3FB4];
	_ =	sdelay $0x3  }
0x33: {  	p0 =	seq.s32 s10, $0x1;
	s10 =	sld [smem:$0x3FB6];
	_ =	sdelay $0x3  }
0x34: {  	[smem:$0x3FB6] =	sst s10  }
0x35: {  	s10 =	sld [smem:$0x3FB5];
	_ =	sdelay $0x3  }
0x36: {  	p1 =	seq.s32 s10, $0x1;
	s10 =	sld [smem:$0x3FB6];
	_ =	sdelay $0x3  }
0x37: {  	[smem:$0x3FB6] =	sst s10  }
0x38: {  	s10 =	sld [smem:$0x3FB7]  }
0x39: {  	_ = 	snop;
	(pc) =	sbr.ind lr, $3  }
0x3a: {  	_ = 	snop  }
0x3b: {  	_ = 	snop  }
0x3c: {  	p2 =	seq.s32 s10, $0x1;
	s10 =	sld [smem:$0x3FB6]  }
0x3d: {  	_ =	shalt  }
0x3e: {  	_ =	shalt  }
0x3f: {  	_ =	shalt  }
0x40: {  	_ =	shalt  }
0x41: {  	_ =	shalt  }
0x42: {  	_ =	shalt  }
0x43: {  	_ =	shalt  }
0x44: {  	_ =	shalt  }
0x45: {  	_ =	shalt  }
0x46: {  	_ =	shalt  }
0x47: {  	_ =	shalt  }
0x48: {  	_ =	shalt  }
0x49: {  	_ =	shalt  }
0x4a: {  	_ =	shalt  }
0x4b: {  	_ =	shalt  }
0x4c: {  	_ =	shalt  }
0x4d: {  	_ =	shalt  }
0x4e: {  	_ =	shalt  }
0x4f: {  	_ =	shalt  }
0x50: {  	_ =	shalt  }
0x51: {  	_ =	shalt  }
0x52: {  	_ =	shalt  }
0x53: {  	_ =	shalt  }
0x54: {  	_ =	shalt  }
0x55: {  	_ =	shalt  }
0x56: {  	_ =	shalt  }
0x57: {  	_ =	shalt  }
0x58: {  	_ =	shalt  }
0x59: {  	_ =	shalt  }
0x5a: {  	_ =	shalt  }
0x5b: {  	_ =	shalt  }
0x5c: {  	_ =	shalt  }
0x5d: {  	_ =	shalt  }
0x5e: {  	_ =	shalt  }
0x5f: {  	_ =	shalt  }
0x60: {  	_ =	shalt  }
0x61: {  	_ =	shalt  }
0x62: {  	_ =	shalt  }
0x63: {  	_ =	shalt  }
0x64: {  	_ =	shalt  }
0x65: {  	_ =	shalt  }
0x66: {  	_ =	shalt  }
0x67: {  	_ =	shalt  }
0x68: {  	_ =	shalt  }
0x69: {  	_ =	shalt  }
0x6a: {  	_ =	shalt  }
0x6b: {  	_ =	shalt  }
0x6c: {  	_ =	shalt  }
0x6d: {  	_ =	shalt  }
0x6e: {  	_ =	shalt  }
0x6f: {  	_ =	shalt  }
0x70: {  	_ =	shalt  }
0x71: {  	_ =	shalt  }
0x72: {  	_ =	shalt  }
0x73: {  	_ =	shalt  }
0x74: {  	_ =	shalt  }
0x75: {  	_ =	shalt  }
0x76: {  	_ =	shalt  }
0x77: {  	_ =	shalt  }
0x78: {  	_ =	shalt  }
0x79: {  	_ =	shalt  }
0x7a: {  	_ =	shalt  }
0x7b: {  	_ =	shalt  }
0x7c: {  	_ =	shalt  }
0x7d: {  	_ =	shalt  }
0x7e: {  	_ =	shalt  }
0x7f: {  	_ =	shalt  }
0x80: {  	_ =	shalt  }
0x81: {  	_ =	shalt  }
0x82: {  	_ =	shalt  }
0x83: {  	_ =	shalt  }
0x84: {  	_ =	shalt  }
0x85: {  	_ =	shalt  }
0x86: {  	_ =	shalt  }
0x87: {  	_ =	shalt  }
.Lfunc_end0:
.L_simem_size_0:
called_computation.1_lowered:
.L_overlay_start_0:
0x88: {  	s2 =	sld [smem:$0x3FD9]  }
0x89: {  	s3 =	sld [smem:$0x3FFE];
	_ =	sdelay $0x1  }
0x8a: {  	s1 =	srdreg.scid  }
0x8b: {  	s0 =	sand.u32 $0x1, s1  }
0x8c: {  	s16 =	sshll.u32 s0, $0xA;
	s2 =	sadd.s32 s3, s2  }
0x8d: {  	s2 =	sadd.s32 s2, s16  }
0x8e: {  	[smem:$0x3FC2] =	sst s2  }
0x8f: {  	_ = 	snop  }
0x90: {  	(tm) =	ssettm $0x1  }
0x91: {  	s17 =	sld [smem:$0x3FFB];
	_ =	sdelay $0x3  }
0x92: {  	_ =	strace s17  }
0x93: {  	s2 =	sld [smem:$0x3FFC];
	_ =	sdelay $0x3  }
0x94: {  	_ =	strace s2  }
0x95: {  	s2 =	sld [smem:$0x3FFD];
	_ =	sdelay $0x3  }
0x96: {  	_ =	strace s2  }
0x97: {  	_ =	strace $0x8FFFFFFF  }
0x98: {  	s18 =	sld [smem:$0x3FDB];
	_ =	sdelay $0x1  }
0x99: {  	s19 =	simm.s32 $_scs_section_size  }
0x9a: {  	s4 =	simm.s32 $_size__tile_overlayer_lowered;
	s5 =	simm.s32 $_tile_overlayer_lowered  }
0x9b: {  	s22 =	simm.s32 $0x1BFF;
	s21 =	sshll.u32 s5, $0x1;
	s2 =	sadd.s32 s19, s18  }
0x9c: {  	s6 =	simm.s32 $0x0;
	s20 =	sshll.u32 s4, $0x1;
	s4 =	sadd.s32 s21, s2  }
0x9d: {  	[timem:s6], [sflag:s22] =	dma.local [hbm:s4], s20  }
0x9e: {  	_ =	swait.ge [sflag:s22], s20  }
0x9f: {  	s3 =	ssub.s32 $0x0, s20;
	[sflag:s22] =	ssyncset.done $0x0  }
0xa0: {  	[sflag:s22] =	ssyncadd.s32 s3;
	_ =	sdelay $0x1  }
0xa1: {  	s23 =	simm.s32 $0x1B8B  }
0xa2: {  	_ =	swait.ge [sflag:s23], $0x1  }
0xa3: {  	[sflag:s23] =	ssyncset.done $0x0  }
0xa4: {  	s25 =	simm.s32 $0x1B8E;
	s24 =	sld [smem:$0x3FFE];
	[sflag:s23] =	ssyncadd.s32 $0xFFFFFFFF  }
0xa5: {  	s26 =	simm.s32 $execute0_lowered;
	[smem:$0x3FD2] =	sst s25  }
0xa6: {  	s4 =	sshll.u32 s26, $0x1;
	_ =	strace $0x80000049;
	[dreg:$0x1] =	wrdreg $0xFFFFFFFF  }
0xa7: {  	s28 =	simm.s32 $_size_execute0_lowered;
	s2 =	sadd.s32 s2, s4;
	[dreg:$0x0] =	wrdreg $0x0  }
0xa8: {  	s4 =	sshll.u32 s28, $0x1;
	[dreg:$0x2] =	wrdreg s2  }
0xa9: {  	[dreg:$0x3] =	wrdreg s4  }
0xaa: {  	[dreg:$0x4] =	wrdreg $0xC0  }
0xab: {  	_ =	task [dreg:s6], $0x5FFFF  }
0xac: {  	[dreg:$0x1] =	wrdreg $0xFFFFFFFF  }
0xad: {  	[dreg:$0x0] =	wrdreg $0x60  }
0xae: {  	[dreg:$0x2] =	wrdreg s24  }
0xaf: {  	[dreg:$0x3] =	wrdreg $0x9  }
0xb0: {  	_ =	task.clear_ibuf [dreg:s6], $0x4FFFF;
	_ =	strace $0x90000049  }
0xb1: {  	s29 =	simm.s32 $0x9;
	_ =	strace $0x8000004B  }
0xb2: {  	_ =	swait.ge [sflag:s29], $0x1  }
0xb3: {  	[sflag:s29] =	ssyncadd.s32 $0xFFFFFFFF  }
0xb4: {  	_ =	strace $0x9000004B  }
0xb5: {  	_ =	sfence  }
0xb6: {  	s30 =	sld [smem:$0x0];
	_ =	sdelay $0x2  }
0xb7: {  	s31 =	sshll.u32 s1, $0xD;
	s1 =	sshrl.u32 s1, $0x2  }
0xb8: {  	s3 =	sand.u32 $0x4000, s31;
	s1 =	sadd.s32 s1, s30  }
0xb9: {  	s0 =	sor.u32 s3, s0;
	s1 =	sshll.u32 s1, $0x11  }
0xba: {  	s0 =	sor.u32 s1, s0  }
0xbb: {  	s0 =	sadd.s32 $0x8F2B, s0  }
0xbc: {  	[sflag:s0] =	ssyncadd.remote.s32 $0x1  }
0xbd: {  	_ =	sfence.sel $0xFFFF  }
0xbe: {  	[dreg:$0x0] =	wrdreg $0xFFFFFFFF;
	(pc) =	sbr.abs _section_cstart, $3  }
0xbf: {  	[dreg:$0x1] =	wrdreg $0xFFFFFFFF  }
0xc0: {  	_ =	task.clear_ibuf [dreg:s6], $0x2FFFF;
	_ =	strace $0x9FFFFFFF  }
0xc1: {  	(tm) =	ssettm $0x7FFFFFFF  }
tec
execute0_lowered:
.L_overlay_start_1:
0x0: {  	(tag) =	ssettag $0x1  }
0x1: {  	s1 =	srdreg.scid  }
0x2: {  	s0 =	stileid.u32;
	s3 =	rddreg [dreg:$0x0];
	s2 =	simm.s32 $0x0  }
0x3: {  	s8 =	simm.s32 $0x1;
	s4 =	sand.u32 $0x1, s1;
	s5 =	sshll.u32 s0, $0x1  }
0x4: {  	s9 =	simm.s32 $0xA800;
	s1 =	rddreg [dreg:$0x1];
	s5 =	sor.u32 s4, s5  }
0x5: {  	s10 =	simm.s32 $0x0;
	[smem:$0x7FF] =	sst s2;
	s6 =	smul.u32 $0x500, s5  }
0x6: {  	_ =	strace $0x8000004A;
	s4 =	ssub.s32 $0x2, s4;
	s5 =	sshll.u32 s5, $0x10  }
0x7: {  	s31 =	sshrl.u32 s4, $0x1;
	s5 =	sadd.s32 s5, s3;
	s6 =	sadd.s32 s6, s3  }
0x8: {  	s7 =	ssub.s32 s4, s31;
	s4 =	sadd.s32 $0xD600, s5;
	s3 =	sadd.s32 $0x3600, s6  }
0x9: {  	s5 =	sadd.s32 $0x20D600, s6;
	s6 =	smax.u32 s7, $0x1;
	s7 =	simm.s32 $0x8000  }
.LBB2_1:
0xa: {  	[tilespmem:s7], [sflag:$0x1] =	stream.linear.gather [hbm4b:s3+s2], $0x2800, $0x38;
	[tilespmem:$0xD000] =	vst v63  }
0xb: {  	_ =	swait.ge [sflag:s8], $0x2800  }
0xc: {  	[sflag:s8] =	ssyncset.done $0x0  }
0xd: {  	s11 =	simm.s32 $0x0;
	s12 =	simm.s32 $0x0;
	[sflag:s8] =	ssyncadd.s32 $0xFFFFD800  }
.LBB2_2:
0xe: {  	s13 =	sshll.u32 s12, $0xC  }
0xf: {  	s14 =	simm.s32 $0x0;
	s13 =	sadd.s32 s13, s4  }
0x10: {  	[tilespmem:s14], [sflag:$0x1] =	stream.linear.gather [hbm4b:s13+s14], $0x8000, $0x38;
	[tilespmem:$0xD000] =	vst v63  }
0x11: {  	s28 =	sadd.s32 $0x0, s11;
	_ =	swait.ge [sflag:s8], $0x8000  }
0x12: {  	s13 =	sand.u32 $0x7F80, s28;
	s14 =	sand.u32 $0x70, s14;
	[sflag:s8] =	ssyncset.done $0x0  }
0x13: {  	s15 =	sor.u32 s14, s13;
	[sflag:s8] =	ssyncadd.s32 $0xFFFF8000  }
0x14: {  	v2 =	vld [tilespmem:s15+$0x8000];
	_ =	sdelay $0x4  }
0x15: {  	vm0 =	vgt.s32 v2, $0x0  }
0x16: {  	s29 =	simm.s32 $0x10;
	s30 =	sadd.s32 $0x10, s11;
	v0 =	vnsel vm0, $0x0, v2  }
0x17: {  	s14 =	sand.u32 $0x7F80, s30;
	s13 =	sand.u32 $0x70, s29;
	v1 =	vshll.u32 v0, $0x3  }
0x18: {  	s14 =	sor.u32 s13, s14;
	v3 =	vshrl.u32 v0, $0x5;
	v0 =	vand.u32 $0x7FFF807F, v0;
	v1 =	vand.u32 $0x7C00, v1  }
0x19: {  	v0 =	vor.u32 v1, v0;
	v1 =	vld [tilespmem:s14+$0x8000]  }
0x1a: {  	v3 =	vand.u32 $0x380, v3  }
0x1b: {  	v0 =	vor.u32 v3, v0;
	_ =	sdelay $0x2  }
0x1c: {  	s31 =	simm.s32 $0x20;
	s16 =	sadd.s32 $0x20, s11;
	vm0 =	vgt.s32 v1, $0x0  }
0x1d: {  	s16 =	sand.u32 $0x7F80, s16;
	s13 =	sand.u32 $0x70, s31;
	v4 =	vnsel vm0, $0x0, v1  }
0x1e: {  	s13 =	sor.u32 s13, s16;
	v3 =	vld.idx.msk [tilespmem:v0+s2+$0x0], $0xffff;
	v5 =	vshll.u32 v4, $0x3  }
0x1f: {  	v0 =	vld [tilespmem:s13+$0x8000];
	v6 =	vshrl.u32 v4, $0x5;
	v4 =	vand.u32 $0x7FFF807F, v4;
	v5 =	vand.u32 $0x7C00, v5  }
0x20: {  	v6 =	vand.u32 $0x380, v6;
	v4 =	vor.u32 v5, v4  }
0x21: {  	vm1 =	vgt.s32 v2, $0xFFFFFFFF;
	v2 =	vor.u32 v6, v4;
	_ =	sdelay $0x2  }
0x22: {  	s17 =	simm.s32 $0x30;
	s18 =	sadd.s32 $0x30, s11;
	s16 =	simm.s32 $0x40;
	vm0 =	vgt.s32 v0, $0x0;
	v3 =	vnsel vm1, $0x7F800000, v3  }
.LBB2_3:
0x23: {  	p0 =	sne.s32 s16, $0x270;
	s18 =	sand.u32 $0x7F80, s18;
	s17 =	sand.u32 $0x70, s17;
	v4 =	vnsel vm0, $0x0, v0;
	[tilespmem:s15+$0xA800] =	vst v3  }
0x24: {  	s15 =	smov.u32 s14;
	s14 =	smov.u32 s13;
	v3 =	vshll.u32 v4, $0x3;
	v5 =	vld.idx.msk [tilespmem:v2+s2+$0x0], $0xffff;
	s13 =	sor.u32 s17, s18  }
0x25: {  	s17 =	smov.u32 s16;
	v6 =	vld [tilespmem:s13+$0x8000];
	v2 =	vand.u32 $0x7C00, v3;
	v3 =	vshrl.u32 v4, $0x5;
	v4 =	vand.u32 $0x7FFF807F, v4  }
.Ltmp0:
0x26: {  	v3 =	vand.u32 $0x380, v3;
	v2 =	vor.u32 v2, v4;
	(pc) =	sbr.rel @p0 .LBB2_3-.Ltmp0, $3  }
0x27: {  	v2 =	vor.u32 v3, v2;
	_ =	sdelay $0x1  }
0x28: {  	vm1 =	vgt.s32 v1, $0xFFFFFFFF;
	v1 =	vmov v0  }
0x29: {  	s16 =	sadd.s32 $0x10, s16;
	s18 =	sadd.s32 s17, s11;
	v3 =	vnsel vm1, $0x7F800000, v5;
	vm0 =	vgt.s32 v6, $0x0;
	v0 =	vmov v6  }
0x2a: {  	_ = 	snop  }
0x2b: {  	s16 =	sand.u32 $0x7F80, s18;
	s17 =	sand.u32 $0x70, s17  }
0x2c: {  	v4 =	vnsel vm0, $0x0, v0;
	[tilespmem:s15+$0xA800] =	vst v3;
	s31 =	sor.u32 s17, s16  }
0x2d: {  	v60 =	vshll.u32 v4, $0x3;
	v5 =	vld [tilespmem:s31+$0x8000]  }
0x2e: {  	v2 =	vld.idx.msk [tilespmem:v2+s2+$0x0], $0xffff;
	v6 =	vshrl.u32 v4, $0x5;
	v4 =	vand.u32 $0x7FFF807F, v4;
	v3 =	vand.u32 $0x7C00, v60  }
0x2f: {  	v6 =	vand.u32 $0x380, v6;
	v3 =	vor.u32 v3, v4  }
0x30: {  	v3 =	vor.u32 v6, v3;
	_ =	sdelay $0x1  }
0x31: {  	vm13 =	vgt.s32 v1, $0xFFFFFFFF;
	vm1 =	vgt.s32 v5, $0x0  }
0x32: {  	v1 =	vnsel vm13, $0x7F800000, v2;
	v61 =	vnsel vm1, $0x0, v5  }
0x33: {  	[tilespmem:s14+$0xA800] =	vst v1;
	v62 =	vshll.u32 v61, $0x3  }
0x34: {  	v3 =	vld.idx.msk [tilespmem:v3+s2+$0x0], $0xffff;
	v63 =	vshrl.u32 v61, $0x5;
	v2 =	vand.u32 $0x7FFF807F, v61;
	v1 =	vand.u32 $0x7C00, v62  }
0x35: {  	v4 =	vand.u32 $0x380, v63;
	v1 =	vor.u32 v1, v2  }
0x36: {  	v1 =	vor.u32 v4, v1;
	_ =	sdelay $0x1  }
0x37: {  	vm14 =	vgt.s32 v0, $0xFFFFFFFF  }
0x38: {  	v0 =	vnsel vm14, $0x7F800000, v3  }
0x39: {  	[tilespmem:s13+$0xA800] =	vst v0  }
0x3a: {  	s12 =	sadd.s32 $0x1, s12;
	v0 =	vld.idx.msk [tilespmem:v1+s2+$0x0], $0xffff  }
0x3b: {  	p0 =	sne.s32 s12, $0x10  }
.Ltmp1:
0x3c: {  	_ = 	snop;
	(pc) =	sbr.rel @p0 .LBB2_2-.Ltmp1, $4  }
0x3d: {  	_ = 	snop  }
0x3e: {  	vm15 =	vgt.s32 v5, $0xFFFFFFFF  }
0x3f: {  	v0 =	vnsel vm15, $0x7F800000, v0  }
0x40: {  	s11 =	sadd.s32 $0x280, s11;
	[tilespmem:s31+$0xA800] =	vst v0  }
0x41: {  	s10 =	sadd.s32 $0x1, s10  }
0x42: {  	p0 =	sne.s32 s10, s6  }
.Ltmp2:
0x43: {  	_ = 	snop;
	(pc) =	sbr.rel @p0 .LBB2_1-.Ltmp2, $4  }
0x44: {  	[hbm4b:s5+s2] =	stream.linear.scatter [tilespmem:s9], [sflag:$0x1], $0x2800, $0x38;
	[tilespmem:$0xD000] =	vst v63  }
0x45: {  	_ =	swait.ge [sflag:s8], $0x2800  }
0x46: {  	[sflag:s8] =	ssyncset.done $0x0  }
0x47: {  	[sflag:s8] =	ssyncadd.s32 $0xFFFFD800  }
0x48: {  	_ =	sfence.sel $0x180000  }
0x49: {  	[bflag:$0x0] =	sbarrier.arrive $0xFFFF  }
0x4a: {  	p0 =	sne.s32 s0, $0x0;
	_ =	strace $0x9000004A  }
0x4b: {  	s0 =	sadd.s32 @!p0 $0x100000, s1;
	[bflag:$0x2] =	sbarrier.arrive $0xFFFF  }
0x4c: {  	[sflag:s0] =	ssyncadd.tile.s32 @!p0 $0x1;
	_ =	shalt  }
.Lfunc_end2:
_tile_overlayer_lowered:
.L_overlay_start_2:
0x4d: {  	(tag) =	ssettag $0x2  }
0x4e: {  	s0 =	rddreg [dreg:$0x0];
	s2 =	stileid.u32  }
0x4f: {  	s1 =	rddreg [dreg:$0x1];
	p0 =	sne.s32 s2, $0x0  }
0x50: {  	s3 =	rddreg [dreg:$0x2];
	[bflag:$0x3] =	sbarrier.arrive $0xFFFF;
	s2 =	simm.s32 @!p0 $0x1C01  }
0x51: {  	[timem:s3], [sflag:s2] =	dma.local @!p0 [hbm:s0], s1  }
0x52: {  	s0 =	simm.s32 @!p0 $0x1  }
0x53: {  	_ =	swait.ge @!p0 [sflag:s0], s1  }
0x54: {  	s1 =	ssub.s32 @!p0 $0x0, s1;
	[sflag:s0] =	ssyncset.done @!p0 $0x0  }
0x55: {  	[sflag:s0] =	ssyncadd.s32 @!p0 s1  }
0x56: {  	[bflag:$0x3] =	sbarrier.arrive $0xFFFF  }
0x57: {  	_ =	shalt  }

// kernel: kernel.26.cloned.1.call-start
scs
__scs_entry_jumppad:
0x0: {  	(pc) =	sbr.rel $0x88, $3  }
0x1: {  	(tag) =	ssettag $0x0;
	lr =	simm.s32 $0x1  }
0x2: {  	[smem:$0x3F9B] =	sst lr;
	_ =	strace $0xD0000000  }
0x3: {  	_ = 	snop  }
0x4: {  	_ = 	snop  }
0x5: {  	_ = 	snop  }
0x6: {  	_ = 	snop  }
0x7: {  	_ = 	snop  }
__scs_overlays_trampoline_lowered:
0x8: {  	[smem:$0x3FAA] =	sst s0  }
0x9: {  	[smem:$0x3FAB] =	sst s1  }
0xa: {  	[smem:$0x3FAC] =	sst s2  }
0xb: {  	[smem:$0x3FAD] =	sst s3  }
0xc: {  	[smem:$0x3FAE] =	sst s4  }
0xd: {  	[smem:$0x3FAF] =	sst s5  }
0xe: {  	[smem:$0x3FB0] =	sst s6  }
0xf: {  	[smem:$0x3FB1] =	sst s7  }
0x10: {  	[smem:$0x3FB2] =	sst s8  }
0x11: {  	[smem:$0x3FB3] =	sst s9;
	s0 =	simm.s32 @!p0 $0x0  }
0x12: {  	s1 =	sld [smem:$0x3F99];
	s0 =	simm.s32 @p0 $0x1  }
0x13: {  	[smem:$0x3FB4] =	sst s0;
	s0 =	simm.s32 @!p1 $0x0  }
0x14: {  	s2 =	sld [smem:$0x3F98];
	s0 =	simm.s32 @p1 $0x1  }
0x15: {  	[smem:$0x3FB5] =	sst s0;
	s0 =	simm.s32 @!p2 $0x0  }
0x16: {  	s3 =	sld [smem:$0x3FDB];
	s0 =	simm.s32 @p2 $0x1  }
0x17: {  	s4 =	simm.s32 $0x1BF5;
	[smem:$0x3FB7] =	sst s0  }
0x18: {  	s0 =	sld [smem:$0x3F9A];
	_ =	swait.ge [sflag:s4], $0x0  }
0x19: {  	s7 =	sld [smem:$0x3F9B]  }
0x1a: {  	s8 =	sadd.s32 $0xFFFFE003, lr  }
0x1b: {  	s9 =	sadd.s32 $0xFFFFFEF7, lr;
	s5 =	simm.s32 $0xFFFFFFFF;
	p2 =	slt.u32 s8, $0xFFFFF086  }
0x1c: {  	p1 =	slt.u32 s9, $0xF7A;
	s5 =	simm.s32 @!p2 $0x0  }
0x1d: {  	s5 =	simm.s32 @p1 $0x1;
	p0 =	seq.s32 s7, s2  }
0x1e: {  	s7 =	smul.u32 @!p0 $0xF7A, s2;
	p2 =	seq.s32 @!p0 s5, $0x0  }
0x1f: {  	s9 =	smul.u32 $0xF7A, s1;
	s8 =	simm.s32 @!p0 $0x1BF5;
	p2 =	por !p2, p0  }
0x20: {  	[sflag:s8] =	ssyncset.s32 @!p0 $0xFFFFF086;
	s6 =	sadd.s32 @!p0 s3, s7;
	s7 =	simm.s32 @!p0 $0x108  }
0x21: {  	s3 =	sadd.s32 s3, s9;
	s6 =	sadd.s32 @!p0 $0x88, s6;
	s7 =	simm.s32 @p2 $0x1082  }
0x22: {  	[simem:s7], [sflag:s8] =	dma.local @!p0 [hbm:s6], $0xF7A  }
0x23: {  	s9 =	sor.u32 $0xD0000000, s2;
	s6 =	simm.s32 $0x108;
	_ =	swait.ge @!p0 [sflag:s8], $0x0  }
0x24: {  	s3 =	sadd.s32 $0x88, s3;
	s6 =	simm.s32 @!p1 $0x1082;
	[sflag:s4] =	ssyncset.s32 $0xFFFFF086  }
0x25: {  	[simem:s6], [sflag:s4] =	dma.local [hbm:s3], $0xF7A  }
0x26: {  	[smem:$0x3F9B] =	sst s1;
	(tag) =	ssettag s2;
	_ =	strace s9  }
0x27: {  	s1 =	sld [smem:$0x3FAB]  }
0x28: {  	s2 =	sld [smem:$0x3FAC]  }
0x29: {  	s4 =	sld [smem:$0x3FAE]  }
0x2a: {  	p0 =	seq.s32 s5, $0x0;
	s5 =	sld [smem:$0x3FAF]  }
0x2b: {  	s6 =	sld [smem:$0x3FB0]  }
0x2c: {  	s7 =	sld [smem:$0x3FB1]  }
0x2d: {  	s3 =	simm.s32 $0x108;
	s8 =	sld [smem:$0x3FB2]  }
0x2e: {  	s3 =	simm.s32 @!p0 $0x1082;
	s9 =	sld [smem:$0x3FB3]  }
0x2f: {  	lr =	sadd.s32 s0, s3;
	s0 =	sld [smem:$0x3FAA]  }
0x30: {  	s3 =	sld [smem:$0x3FAD]  }
0x31: {  	[smem:$0x3FB6] =	sst s10  }
0x32: {  	s10 =	sld [smem:$0x3FB4];
	_ =	sdelay $0x3  }
0x33: {  	p0 =	seq.s32 s10, $0x1;
	s10 =	sld [smem:$0x3FB6];
	_ =	sdelay $0x3  }
0x34: {  	[smem:$0x3FB6] =	sst s10  }
0x35: {  	s10 =	sld [smem:$0x3FB5];
	_ =	sdelay $0x3  }
0x36: {  	p1 =	seq.s32 s10, $0x1;
	s10 =	sld [smem:$0x3FB6];
	_ =	sdelay $0x3  }
0x37: {  	[smem:$0x3FB6] =	sst s10  }
0x38: {  	s10 =	sld [smem:$0x3FB7]  }
0x39: {  	_ = 	snop;
	(pc) =	sbr.ind lr, $3  }
0x3a: {  	_ = 	snop  }
0x3b: {  	_ = 	snop  }
0x3c: {  	p2 =	seq.s32 s10, $0x1;
	s10 =	sld [smem:$0x3FB6]  }
0x3d: {  	_ =	shalt  }
0x3e: {  	_ =	shalt  }
0x3f: {  	_ =	shalt  }
0x40: {  	_ =	shalt  }
0x41: {  	_ =	shalt  }
0x42: {  	_ =	shalt  }
0x43: {  	_ =	shalt  }
0x44: {  	_ =	shalt  }
0x45: {  	_ =	shalt  }
0x46: {  	_ =	shalt  }
0x47: {  	_ =	shalt  }
0x48: {  	_ =	shalt  }
0x49: {  	_ =	shalt  }
0x4a: {  	_ =	shalt  }
0x4b: {  	_ =	shalt  }
0x4c: {  	_ =	shalt  }
0x4d: {  	_ =	shalt  }
0x4e: {  	_ =	shalt  }
0x4f: {  	_ =	shalt  }
0x50: {  	_ =	shalt  }
0x51: {  	_ =	shalt  }
0x52: {  	_ =	shalt  }
0x53: {  	_ =	shalt  }
0x54: {  	_ =	shalt  }
0x55: {  	_ =	shalt  }
0x56: {  	_ =	shalt  }
0x57: {  	_ =	shalt  }
0x58: {  	_ =	shalt  }
0x59: {  	_ =	shalt  }
0x5a: {  	_ =	shalt  }
0x5b: {  	_ =	shalt  }
0x5c: {  	_ =	shalt  }
0x5d: {  	_ =	shalt  }
0x5e: {  	_ =	shalt  }
0x5f: {  	_ =	shalt  }
0x60: {  	_ =	shalt  }
0x61: {  	_ =	shalt  }
0x62: {  	_ =	shalt  }
0x63: {  	_ =	shalt  }
0x64: {  	_ =	shalt  }
0x65: {  	_ =	shalt  }
0x66: {  	_ =	shalt  }
0x67: {  	_ =	shalt  }
0x68: {  	_ =	shalt  }
0x69: {  	_ =	shalt  }
0x6a: {  	_ =	shalt  }
0x6b: {  	_ =	shalt  }
0x6c: {  	_ =	shalt  }
0x6d: {  	_ =	shalt  }
0x6e: {  	_ =	shalt  }
0x6f: {  	_ =	shalt  }
0x70: {  	_ =	shalt  }
0x71: {  	_ =	shalt  }
0x72: {  	_ =	shalt  }
0x73: {  	_ =	shalt  }
0x74: {  	_ =	shalt  }
0x75: {  	_ =	shalt  }
0x76: {  	_ =	shalt  }
0x77: {  	_ =	shalt  }
0x78: {  	_ =	shalt  }
0x79: {  	_ =	shalt  }
0x7a: {  	_ =	shalt  }
0x7b: {  	_ =	shalt  }
0x7c: {  	_ =	shalt  }
0x7d: {  	_ =	shalt  }
0x7e: {  	_ =	shalt  }
0x7f: {  	_ =	shalt  }
0x80: {  	_ =	shalt  }
0x81: {  	_ =	shalt  }
0x82: {  	_ =	shalt  }
0x83: {  	_ =	shalt  }
0x84: {  	_ =	shalt  }
0x85: {  	_ =	shalt  }
0x86: {  	_ =	shalt  }
0x87: {  	_ =	shalt  }
.Lfunc_end0:
.L_simem_size_0:
called_computation.2_lowered:
.L_overlay_start_0:
0x88: {  	s2 =	sld [smem:$0x3FD9]  }
0x89: {  	s3 =	sld [smem:$0x3FFE];
	_ =	sdelay $0x1  }
0x8a: {  	s1 =	srdreg.scid  }
0x8b: {  	s0 =	sand.u32 $0x1, s1  }
0x8c: {  	s16 =	sshll.u32 s0, $0xA;
	s2 =	sadd.s32 s3, s2  }
0x8d: {  	s2 =	sadd.s32 s2, s16  }
0x8e: {  	[smem:$0x3FC2] =	sst s2  }
0x8f: {  	_ = 	snop  }
0x90: {  	(tm) =	ssettm $0x1  }
0x91: {  	s17 =	sld [smem:$0x3FFB];
	_ =	sdelay $0x3  }
0x92: {  	_ =	strace s17  }
0x93: {  	s2 =	sld [smem:$0x3FFC];
	_ =	sdelay $0x3  }
0x94: {  	_ =	strace s2  }
0x95: {  	s2 =	sld [smem:$0x3FFD];
	_ =	sdelay $0x3  }
0x96: {  	_ =	strace s2  }
0x97: {  	_ =	strace $0x8FFFFFFF  }
0x98: {  	s18 =	sld [smem:$0x3FDB];
	_ =	sdelay $0x1  }
0x99: {  	s19 =	simm.s32 $_scs_section_size  }
0x9a: {  	s4 =	simm.s32 $_size__tile_overlayer_lowered;
	s5 =	simm.s32 $_tile_overlayer_lowered  }
0x9b: {  	s22 =	simm.s32 $0x1BFF;
	s21 =	sshll.u32 s5, $0x1;
	s2 =	sadd.s32 s19, s18  }
0x9c: {  	s6 =	simm.s32 $0x0;
	s20 =	sshll.u32 s4, $0x1;
	s4 =	sadd.s32 s21, s2  }
0x9d: {  	[timem:s6], [sflag:s22] =	dma.local [hbm:s4], s20  }
0x9e: {  	_ =	swait.ge [sflag:s22], s20  }
0x9f: {  	s3 =	ssub.s32 $0x0, s20;
	[sflag:s22] =	ssyncset.done $0x0  }
0xa0: {  	[sflag:s22] =	ssyncadd.s32 s3;
	_ =	sdelay $0x1  }
0xa1: {  	s23 =	simm.s32 $0x1B8B  }
0xa2: {  	_ =	swait.ge [sflag:s23], $0x1  }
0xa3: {  	[sflag:s23] =	ssyncset.done $0x0  }
0xa4: {  	s25 =	simm.s32 $0x1B8E;
	s24 =	sld [smem:$0x3FFE];
	[sflag:s23] =	ssyncadd.s32 $0xFFFFFFFF  }
0xa5: {  	s26 =	simm.s32 $execute0_lowered;
	[smem:$0x3FD2] =	sst s25  }
0xa6: {  	s4 =	sshll.u32 s26, $0x1;
	_ =	strace $0x8000004C;
	[dreg:$0x1] =	wrdreg $0xFFFFFFFF  }
0xa7: {  	s28 =	simm.s32 $_size_execute0_lowered;
	s2 =	sadd.s32 s2, s4;
	[dreg:$0x0] =	wrdreg $0x0  }
0xa8: {  	s4 =	sshll.u32 s28, $0x1;
	[dreg:$0x2] =	wrdreg s2  }
0xa9: {  	[dreg:$0x3] =	wrdreg s4  }
0xaa: {  	[dreg:$0x4] =	wrdreg $0xC0  }
0xab: {  	_ =	task [dreg:s6], $0x5FFFF  }
0xac: {  	[dreg:$0x1] =	wrdreg $0xFFFFFFFF  }
0xad: {  	[dreg:$0x0] =	wrdreg $0x60  }
0xae: {  	[dreg:$0x2] =	wrdreg s24  }
0xaf: {  	[dreg:$0x3] =	wrdreg $0x9  }
0xb0: {  	_ =	task.clear_ibuf [dreg:s6], $0x4FFFF;
	_ =	strace $0x9000004C  }
0xb1: {  	s29 =	simm.s32 $0x9;
	_ =	strace $0x8000004E  }
0xb2: {  	_ =	swait.ge [sflag:s29], $0x1  }
0xb3: {  	[sflag:s29] =	ssyncadd.s32 $0xFFFFFFFF  }
0xb4: {  	_ =	strace $0x9000004E  }
0xb5: {  	_ =	sfence  }
0xb6: {  	s30 =	sld [smem:$0x0];
	_ =	sdelay $0x2  }
0xb7: {  	s31 =	sshll.u32 s1, $0xD;
	s1 =	sshrl.u32 s1, $0x2  }
0xb8: {  	s3 =	sand.u32 $0x4000, s31;
	s1 =	sadd.s32 s1, s30  }
0xb9: {  	s0 =	sor.u32 s3, s0;
	s1 =	sshll.u32 s1, $0x11  }
0xba: {  	s0 =	sor.u32 s1, s0  }
0xbb: {  	s0 =	sadd.s32 $0x8F2B, s0  }
0xbc: {  	[sflag:s0] =	ssyncadd.remote.s32 $0x1  }
0xbd: {  	_ =	sfence.sel $0xFFFF  }
0xbe: {  	[dreg:$0x0] =	wrdreg $0xFFFFFFFF;
	(pc) =	sbr.abs _section_cstart, $3  }
0xbf: {  	[dreg:$0x1] =	wrdreg $0xFFFFFFFF  }
0xc0: {  	_ =	task.clear_ibuf [dreg:s6], $0x2FFFF;
	_ =	strace $0x9FFFFFFF  }
0xc1: {  	(tm) =	ssettm $0x7FFFFFFF  }
tec
execute0_lowered:
.L_overlay_start_1:
0x0: {  	(tag) =	ssettag $0x1  }
0x1: {  	s1 =	srdreg.scid  }
0x2: {  	s0 =	stileid.u32;
	s3 =	rddreg [dreg:$0x0];
	s2 =	simm.s32 $0x0  }
0x3: {  	s8 =	simm.s32 $0x1;
	s4 =	sand.u32 $0x1, s1;
	s5 =	sshll.u32 s0, $0x1  }
0x4: {  	s9 =	simm.s32 $0xA800;
	s1 =	rddreg [dreg:$0x1];
	s5 =	sor.u32 s4, s5  }
0x5: {  	s10 =	simm.s32 $0x0;
	[smem:$0x7FF] =	sst s2;
	s6 =	smul.u32 $0x500, s5  }
0x6: {  	_ =	strace $0x8000004D;
	s4 =	ssub.s32 $0x2, s4;
	s5 =	sshll.u32 s5, $0x10  }
0x7: {  	s31 =	sshrl.u32 s4, $0x1;
	s5 =	sadd.s32 s5, s3;
	s6 =	sadd.s32 s6, s3  }
0x8: {  	s7 =	ssub.s32 s4, s31;
	s4 =	sadd.s32 $0xD600, s5;
	s3 =	sadd.s32 $0x3600, s6  }
0x9: {  	s5 =	sadd.s32 $0x20D600, s6;
	s6 =	smax.u32 s7, $0x1;
	s7 =	simm.s32 $0x8000  }
.LBB2_1:
0xa: {  	[tilespmem:s7], [sflag:$0x1] =	stream.linear.gather [hbm4b:s3+s2], $0x2800, $0x38;
	[tilespmem:$0xD000] =	vst v63  }
0xb: {  	_ =	swait.ge [sflag:s8], $0x2800  }
0xc: {  	[sflag:s8] =	ssyncset.done $0x0  }
0xd: {  	s11 =	simm.s32 $0x0;
	s12 =	simm.s32 $0x0;
	[sflag:s8] =	ssyncadd.s32 $0xFFFFD800  }
.LBB2_2:
0xe: {  	s13 =	sshll.u32 s12, $0xC  }
0xf: {  	s14 =	simm.s32 $0x0;
	s13 =	sadd.s32 s13, s4  }
0x10: {  	[tilespmem:s14], [sflag:$0x1] =	stream.linear.gather [hbm4b:s13+s14], $0x8000, $0x38;
	[tilespmem:$0xD000] =	vst v63  }
0x11: {  	s28 =	sadd.s32 $0x0, s11;
	_ =	swait.ge [sflag:s8], $0x8000  }
0x12: {  	s13 =	sand.u32 $0x7F80, s28;
	s14 =	sand.u32 $0x70, s14;
	[sflag:s8] =	ssyncset.done $0x0  }
0x13: {  	s15 =	sor.u32 s14, s13;
	[sflag:s8] =	ssyncadd.s32 $0xFFFF8000  }
0x14: {  	v2 =	vld [tilespmem:s15+$0x8000];
	_ =	sdelay $0x4  }
0x15: {  	vm0 =	vgt.s32 v2, $0x0  }
0x16: {  	s29 =	simm.s32 $0x10;
	s30 =	sadd.s32 $0x10, s11;
	v0 =	vnsel vm0, $0x0, v2  }
0x17: {  	s14 =	sand.u32 $0x7F80, s30;
	s13 =	sand.u32 $0x70, s29;
	v1 =	vshll.u32 v0, $0x3  }
0x18: {  	s14 =	sor.u32 s13, s14;
	v3 =	vshrl.u32 v0, $0x5;
	v0 =	vand.u32 $0x7FFF807F, v0;
	v1 =	vand.u32 $0x7C00, v1  }
0x19: {  	v0 =	vor.u32 v1, v0;
	v1 =	vld [tilespmem:s14+$0x8000]  }
0x1a: {  	v3 =	vand.u32 $0x380, v3  }
0x1b: {  	v0 =	vor.u32 v3, v0;
	_ =	sdelay $0x2  }
0x1c: {  	s31 =	simm.s32 $0x20;
	s16 =	sadd.s32 $0x20, s11;
	vm0 =	vgt.s32 v1, $0x0  }
0x1d: {  	s16 =	sand.u32 $0x7F80, s16;
	s13 =	sand.u32 $0x70, s31;
	v4 =	vnsel vm0, $0x0, v1  }
0x1e: {  	s13 =	sor.u32 s13, s16;
	v3 =	vld.idx.msk [tilespmem:v0+s2+$0x0], $0xffff;
	v5 =	vshll.u32 v4, $0x3  }
0x1f: {  	v0 =	vld [tilespmem:s13+$0x8000];
	v6 =	vshrl.u32 v4, $0x5;
	v4 =	vand.u32 $0x7FFF807F, v4;
	v5 =	vand.u32 $0x7C00, v5  }
0x20: {  	v6 =	vand.u32 $0x380, v6;
	v4 =	vor.u32 v5, v4  }
0x21: {  	vm1 =	vgt.s32 v2, $0xFFFFFFFF;
	v2 =	vor.u32 v6, v4;
	_ =	sdelay $0x2  }
0x22: {  	s17 =	simm.s32 $0x30;
	s18 =	sadd.s32 $0x30, s11;
	s16 =	simm.s32 $0x40;
	vm0 =	vgt.s32 v0, $0x0;
	v3 =	vnsel vm1, $0x7F800000, v3  }
.LBB2_3:
0x23: {  	p0 =	sne.s32 s16, $0x270;
	s18 =	sand.u32 $0x7F80, s18;
	s17 =	sand.u32 $0x70, s17;
	v4 =	vnsel vm0, $0x0, v0;
	[tilespmem:s15+$0xA800] =	vst v3  }
0x24: {  	s15 =	smov.u32 s14;
	s14 =	smov.u32 s13;
	v3 =	vshll.u32 v4, $0x3;
	v5 =	vld.idx.msk [tilespmem:v2+s2+$0x0], $0xffff;
	s13 =	sor.u32 s17, s18  }
0x25: {  	s17 =	smov.u32 s16;
	v6 =	vld [tilespmem:s13+$0x8000];
	v2 =	vand.u32 $0x7C00, v3;
	v3 =	vshrl.u32 v4, $0x5;
	v4 =	vand.u32 $0x7FFF807F, v4  }
.Ltmp0:
0x26: {  	v3 =	vand.u32 $0x380, v3;
	v2 =	vor.u32 v2, v4;
	(pc) =	sbr.rel @p0 .LBB2_3-.Ltmp0, $3  }
0x27: {  	v2 =	vor.u32 v3, v2;
	_ =	sdelay $0x1  }
0x28: {  	vm1 =	vgt.s32 v1, $0xFFFFFFFF;
	v1 =	vmov v0  }
0x29: {  	s16 =	sadd.s32 $0x10, s16;
	s18 =	sadd.s32 s17, s11;
	v3 =	vnsel vm1, $0x7F800000, v5;
	vm0 =	vgt.s32 v6, $0x0;
	v0 =	vmov v6  }
0x2a: {  	_ = 	snop  }
0x2b: {  	s16 =	sand.u32 $0x7F80, s18;
	s17 =	sand.u32 $0x70, s17  }
0x2c: {  	v4 =	vnsel vm0, $0x0, v0;
	[tilespmem:s15+$0xA800] =	vst v3;
	s31 =	sor.u32 s17, s16  }
0x2d: {  	v60 =	vshll.u32 v4, $0x3;
	v5 =	vld [tilespmem:s31+$0x8000]  }
0x2e: {  	v2 =	vld.idx.msk [tilespmem:v2+s2+$0x0], $0xffff;
	v6 =	vshrl.u32 v4, $0x5;
	v4 =	vand.u32 $0x7FFF807F, v4;
	v3 =	vand.u32 $0x7C00, v60  }
0x2f: {  	v6 =	vand.u32 $0x380, v6;
	v3 =	vor.u32 v3, v4  }
0x30: {  	v3 =	vor.u32 v6, v3;
	_ =	sdelay $0x1  }
0x31: {  	vm13 =	vgt.s32 v1, $0xFFFFFFFF;
	vm1 =	vgt.s32 v5, $0x0  }
0x32: {  	v1 =	vnsel vm13, $0x7F800000, v2;
	v61 =	vnsel vm1, $0x0, v5  }
0x33: {  	[tilespmem:s14+$0xA800] =	vst v1;
	v62 =	vshll.u32 v61, $0x3  }
0x34: {  	v3 =	vld.idx.msk [tilespmem:v3+s2+$0x0], $0xffff;
	v63 =	vshrl.u32 v61, $0x5;
	v2 =	vand.u32 $0x7FFF807F, v61;
	v1 =	vand.u32 $0x7C00, v62  }
0x35: {  	v4 =	vand.u32 $0x380, v63;
	v1 =	vor.u32 v1, v2  }
0x36: {  	v1 =	vor.u32 v4, v1;
	_ =	sdelay $0x1  }
0x37: {  	vm14 =	vgt.s32 v0, $0xFFFFFFFF  }
0x38: {  	v0 =	vnsel vm14, $0x7F800000, v3  }
0x39: {  	[tilespmem:s13+$0xA800] =	vst v0  }
0x3a: {  	s12 =	sadd.s32 $0x1, s12;
	v0 =	vld.idx.msk [tilespmem:v1+s2+$0x0], $0xffff  }
0x3b: {  	p0 =	sne.s32 s12, $0x10  }
.Ltmp1:
0x3c: {  	_ = 	snop;
	(pc) =	sbr.rel @p0 .LBB2_2-.Ltmp1, $4  }
0x3d: {  	_ = 	snop  }
0x3e: {  	vm15 =	vgt.s32 v5, $0xFFFFFFFF  }
0x3f: {  	v0 =	vnsel vm15, $0x7F800000, v0  }
0x40: {  	s11 =	sadd.s32 $0x280, s11;
	[tilespmem:s31+$0xA800] =	vst v0  }
0x41: {  	s10 =	sadd.s32 $0x1, s10  }
0x42: {  	p0 =	sne.s32 s10, s6  }
.Ltmp2:
0x43: {  	_ = 	snop;
	(pc) =	sbr.rel @p0 .LBB2_1-.Ltmp2, $4  }
0x44: {  	[hbm4b:s5+s2] =	stream.linear.scatter [tilespmem:s9], [sflag:$0x1], $0x2800, $0x38;
	[tilespmem:$0xD000] =	vst v63  }
0x45: {  	_ =	swait.ge [sflag:s8], $0x2800  }
0x46: {  	[sflag:s8] =	ssyncset.done $0x0  }
0x47: {  	[sflag:s8] =	ssyncadd.s32 $0xFFFFD800  }
0x48: {  	_ =	sfence.sel $0x180000  }
0x49: {  	[bflag:$0x0] =	sbarrier.arrive $0xFFFF  }
0x4a: {  	p0 =	sne.s32 s0, $0x0;
	_ =	strace $0x9000004D  }
0x4b: {  	s0 =	sadd.s32 @!p0 $0x100000, s1;
	[bflag:$0x2] =	sbarrier.arrive $0xFFFF  }
0x4c: {  	[sflag:s0] =	ssyncadd.tile.s32 @!p0 $0x1;
	_ =	shalt  }
.Lfunc_end2:
_tile_overlayer_lowered:
.L_overlay_start_2:
0x4d: {  	(tag) =	ssettag $0x2  }
0x4e: {  	s0 =	rddreg [dreg:$0x0];
	s2 =	stileid.u32  }
0x4f: {  	s1 =	rddreg [dreg:$0x1];
	p0 =	sne.s32 s2, $0x0  }
0x50: {  	s3 =	rddreg [dreg:$0x2];
	[bflag:$0x3] =	sbarrier.arrive $0xFFFF;
	s2 =	simm.s32 @!p0 $0x1C01  }
0x51: {  	[timem:s3], [sflag:s2] =	dma.local @!p0 [hbm:s0], s1  }
0x52: {  	s0 =	simm.s32 @!p0 $0x1  }
0x53: {  	_ =	swait.ge @!p0 [sflag:s0], s1  }
0x54: {  	s1 =	ssub.s32 @!p0 $0x0, s1;
	[sflag:s0] =	ssyncset.done @!p0 $0x0  }
0x55: {  	[sflag:s0] =	ssyncadd.s32 @!p0 s1  }
0x56: {  	[bflag:$0x3] =	sbarrier.arrive $0xFFFF  }
0x57: {  	_ =	shalt  }

// kernel: kernel.29.cloned.1.call-start
scs
__scs_entry_jumppad:
0x0: {  	(pc) =	sbr.rel $0x88, $3  }
0x1: {  	(tag) =	ssettag $0x0;
	lr =	simm.s32 $0x1  }
0x2: {  	[smem:$0x3F9B] =	sst lr;
	_ =	strace $0xD0000000  }
0x3: {  	_ = 	snop  }
0x4: {  	_ = 	snop  }
0x5: {  	_ = 	snop  }
0x6: {  	_ = 	snop  }
0x7: {  	_ = 	snop  }
__scs_overlays_trampoline_lowered:
0x8: {  	[smem:$0x3FAA] =	sst s0  }
0x9: {  	[smem:$0x3FAB] =	sst s1  }
0xa: {  	[smem:$0x3FAC] =	sst s2  }
0xb: {  	[smem:$0x3FAD] =	sst s3  }
0xc: {  	[smem:$0x3FAE] =	sst s4  }
0xd: {  	[smem:$0x3FAF] =	sst s5  }
0xe: {  	[smem:$0x3FB0] =	sst s6  }
0xf: {  	[smem:$0x3FB1] =	sst s7  }
0x10: {  	[smem:$0x3FB2] =	sst s8  }
0x11: {  	[smem:$0x3FB3] =	sst s9;
	s0 =	simm.s32 @!p0 $0x0  }
0x12: {  	s1 =	sld [smem:$0x3F99];
	s0 =	simm.s32 @p0 $0x1  }
0x13: {  	[smem:$0x3FB4] =	sst s0;
	s0 =	simm.s32 @!p1 $0x0  }
0x14: {  	s2 =	sld [smem:$0x3F98];
	s0 =	simm.s32 @p1 $0x1  }
0x15: {  	[smem:$0x3FB5] =	sst s0;
	s0 =	simm.s32 @!p2 $0x0  }
0x16: {  	s3 =	sld [smem:$0x3FDB];
	s0 =	simm.s32 @p2 $0x1  }
0x17: {  	s4 =	simm.s32 $0x1BF5;
	[smem:$0x3FB7] =	sst s0  }
0x18: {  	s0 =	sld [smem:$0x3F9A];
	_ =	swait.ge [sflag:s4], $0x0  }
0x19: {  	s7 =	sld [smem:$0x3F9B]  }
0x1a: {  	s8 =	sadd.s32 $0xFFFFE003, lr  }
0x1b: {  	s9 =	sadd.s32 $0xFFFFFEF7, lr;
	s5 =	simm.s32 $0xFFFFFFFF;
	p2 =	slt.u32 s8, $0xFFFFF086  }
0x1c: {  	p1 =	slt.u32 s9, $0xF7A;
	s5 =	simm.s32 @!p2 $0x0  }
0x1d: {  	s5 =	simm.s32 @p1 $0x1;
	p0 =	seq.s32 s7, s2  }
0x1e: {  	s7 =	smul.u32 @!p0 $0xF7A, s2;
	p2 =	seq.s32 @!p0 s5, $0x0  }
0x1f: {  	s9 =	smul.u32 $0xF7A, s1;
	s8 =	simm.s32 @!p0 $0x1BF5;
	p2 =	por !p2, p0  }
0x20: {  	[sflag:s8] =	ssyncset.s32 @!p0 $0xFFFFF086;
	s6 =	sadd.s32 @!p0 s3, s7;
	s7 =	simm.s32 @!p0 $0x108  }
0x21: {  	s3 =	sadd.s32 s3, s9;
	s6 =	sadd.s32 @!p0 $0x88, s6;
	s7 =	simm.s32 @p2 $0x1082  }
0x22: {  	[simem:s7], [sflag:s8] =	dma.local @!p0 [hbm:s6], $0xF7A  }
0x23: {  	s9 =	sor.u32 $0xD0000000, s2;
	s6 =	simm.s32 $0x108;
	_ =	swait.ge @!p0 [sflag:s8], $0x0  }
0x24: {  	s3 =	sadd.s32 $0x88, s3;
	s6 =	simm.s32 @!p1 $0x1082;
	[sflag:s4] =	ssyncset.s32 $0xFFFFF086  }
0x25: {  	[simem:s6], [sflag:s4] =	dma.local [hbm:s3], $0xF7A  }
0x26: {  	[smem:$0x3F9B] =	sst s1;
	(tag) =	ssettag s2;
	_ =	strace s9  }
0x27: {  	s1 =	sld [smem:$0x3FAB]  }
0x28: {  	s2 =	sld [smem:$0x3FAC]  }
0x29: {  	s4 =	sld [smem:$0x3FAE]  }
0x2a: {  	p0 =	seq.s32 s5, $0x0;
	s5 =	sld [smem:$0x3FAF]  }
0x2b: {  	s6 =	sld [smem:$0x3FB0]  }
0x2c: {  	s7 =	sld [smem:$0x3FB1]  }
0x2d: {  	s3 =	simm.s32 $0x108;
	s8 =	sld [smem:$0x3FB2]  }
0x2e: {  	s3 =	simm.s32 @!p0 $0x1082;
	s9 =	sld [smem:$0x3FB3]  }
0x2f: {  	lr =	sadd.s32 s0, s3;
	s0 =	sld [smem:$0x3FAA]  }
0x30: {  	s3 =	sld [smem:$0x3FAD]  }
0x31: {  	[smem:$0x3FB6] =	sst s10  }
0x32: {  	s10 =	sld [smem:$0x3FB4];
	_ =	sdelay $0x3  }
0x33: {  	p0 =	seq.s32 s10, $0x1;
	s10 =	sld [smem:$0x3FB6];
	_ =	sdelay $0x3  }
0x34: {  	[smem:$0x3FB6] =	sst s10  }
0x35: {  	s10 =	sld [smem:$0x3FB5];
	_ =	sdelay $0x3  }
0x36: {  	p1 =	seq.s32 s10, $0x1;
	s10 =	sld [smem:$0x3FB6];
	_ =	sdelay $0x3  }
0x37: {  	[smem:$0x3FB6] =	sst s10  }
0x38: {  	s10 =	sld [smem:$0x3FB7]  }
0x39: {  	_ = 	snop;
	(pc) =	sbr.ind lr, $3  }
0x3a: {  	_ = 	snop  }
0x3b: {  	_ = 	snop  }
0x3c: {  	p2 =	seq.s32 s10, $0x1;
	s10 =	sld [smem:$0x3FB6]  }
0x3d: {  	_ =	shalt  }
0x3e: {  	_ =	shalt  }
0x3f: {  	_ =	shalt  }
0x40: {  	_ =	shalt  }
0x41: {  	_ =	shalt  }
0x42: {  	_ =	shalt  }
0x43: {  	_ =	shalt  }
0x44: {  	_ =	shalt  }
0x45: {  	_ =	shalt  }
0x46: {  	_ =	shalt  }
0x47: {  	_ =	shalt  }
0x48: {  	_ =	shalt  }
0x49: {  	_ =	shalt  }
0x4a: {  	_ =	shalt  }
0x4b: {  	_ =	shalt  }
0x4c: {  	_ =	shalt  }
0x4d: {  	_ =	shalt  }
0x4e: {  	_ =	shalt  }
0x4f: {  	_ =	shalt  }
0x50: {  	_ =	shalt  }
0x51: {  	_ =	shalt  }
0x52: {  	_ =	shalt  }
0x53: {  	_ =	shalt  }
0x54: {  	_ =	shalt  }
0x55: {  	_ =	shalt  }
0x56: {  	_ =	shalt  }
0x57: {  	_ =	shalt  }
0x58: {  	_ =	shalt  }
0x59: {  	_ =	shalt  }
0x5a: {  	_ =	shalt  }
0x5b: {  	_ =	shalt  }
0x5c: {  	_ =	shalt  }
0x5d: {  	_ =	shalt  }
0x5e: {  	_ =	shalt  }
0x5f: {  	_ =	shalt  }
0x60: {  	_ =	shalt  }
0x61: {  	_ =	shalt  }
0x62: {  	_ =	shalt  }
0x63: {  	_ =	shalt  }
0x64: {  	_ =	shalt  }
0x65: {  	_ =	shalt  }
0x66: {  	_ =	shalt  }
0x67: {  	_ =	shalt  }
0x68: {  	_ =	shalt  }
0x69: {  	_ =	shalt  }
0x6a: {  	_ =	shalt  }
0x6b: {  	_ =	shalt  }
0x6c: {  	_ =	shalt  }
0x6d: {  	_ =	shalt  }
0x6e: {  	_ =	shalt  }
0x6f: {  	_ =	shalt  }
0x70: {  	_ =	shalt  }
0x71: {  	_ =	shalt  }
0x72: {  	_ =	shalt  }
0x73: {  	_ =	shalt  }
0x74: {  	_ =	shalt  }
0x75: {  	_ =	shalt  }
0x76: {  	_ =	shalt  }
0x77: {  	_ =	shalt  }
0x78: {  	_ =	shalt  }
0x79: {  	_ =	shalt  }
0x7a: {  	_ =	shalt  }
0x7b: {  	_ =	shalt  }
0x7c: {  	_ =	shalt  }
0x7d: {  	_ =	shalt  }
0x7e: {  	_ =	shalt  }
0x7f: {  	_ =	shalt  }
0x80: {  	_ =	shalt  }
0x81: {  	_ =	shalt  }
0x82: {  	_ =	shalt  }
0x83: {  	_ =	shalt  }
0x84: {  	_ =	shalt  }
0x85: {  	_ =	shalt  }
0x86: {  	_ =	shalt  }
0x87: {  	_ =	shalt  }
.Lfunc_end0:
.L_simem_size_0:
called_computation.3_lowered:
.L_overlay_start_0:
0x88: {  	s2 =	sld [smem:$0x3FD9]  }
0x89: {  	s3 =	sld [smem:$0x3FFE];
	_ =	sdelay $0x1  }
0x8a: {  	s1 =	srdreg.scid  }
0x8b: {  	s0 =	sand.u32 $0x1, s1  }
0x8c: {  	s16 =	sshll.u32 s0, $0xA;
	s2 =	sadd.s32 s3, s2  }
0x8d: {  	s2 =	sadd.s32 s2, s16  }
0x8e: {  	[smem:$0x3FC2] =	sst s2  }
0x8f: {  	_ = 	snop  }
0x90: {  	(tm) =	ssettm $0x1  }
0x91: {  	s17 =	sld [smem:$0x3FFB];
	_ =	sdelay $0x3  }
0x92: {  	_ =	strace s17  }
0x93: {  	s2 =	sld [smem:$0x3FFC];
	_ =	sdelay $0x3  }
0x94: {  	_ =	strace s2  }
0x95: {  	s2 =	sld [smem:$0x3FFD];
	_ =	sdelay $0x3  }
0x96: {  	_ =	strace s2  }
0x97: {  	_ =	strace $0x8FFFFFFF  }
0x98: {  	s18 =	sld [smem:$0x3FDB];
	_ =	sdelay $0x1  }
0x99: {  	s19 =	simm.s32 $_scs_section_size  }
0x9a: {  	s4 =	simm.s32 $_size__tile_overlayer_lowered;
	s5 =	simm.s32 $_tile_overlayer_lowered  }
0x9b: {  	s22 =	simm.s32 $0x1BFF;
	s21 =	sshll.u32 s5, $0x1;
	s2 =	sadd.s32 s19, s18  }
0x9c: {  	s6 =	simm.s32 $0x0;
	s20 =	sshll.u32 s4, $0x1;
	s4 =	sadd.s32 s21, s2  }
0x9d: {  	[timem:s6], [sflag:s22] =	dma.local [hbm:s4], s20  }
0x9e: {  	_ =	swait.ge [sflag:s22], s20  }
0x9f: {  	s3 =	ssub.s32 $0x0, s20;
	[sflag:s22] =	ssyncset.done $0x0  }
0xa0: {  	[sflag:s22] =	ssyncadd.s32 s3;
	_ =	sdelay $0x1  }
0xa1: {  	s23 =	simm.s32 $0x1B8B  }
0xa2: {  	_ =	swait.ge [sflag:s23], $0x1  }
0xa3: {  	[sflag:s23] =	ssyncset.done $0x0  }
0xa4: {  	s25 =	simm.s32 $0x1B8E;
	s24 =	sld [smem:$0x3FFE];
	[sflag:s23] =	ssyncadd.s32 $0xFFFFFFFF  }
0xa5: {  	s26 =	simm.s32 $execute0_lowered;
	[smem:$0x3FD2] =	sst s25  }
0xa6: {  	s4 =	sshll.u32 s26, $0x1;
	_ =	strace $0x8000004F;
	[dreg:$0x1] =	wrdreg $0xFFFFFFFF  }
0xa7: {  	s28 =	simm.s32 $_size_execute0_lowered;
	s2 =	sadd.s32 s2, s4;
	[dreg:$0x0] =	wrdreg $0x0  }
0xa8: {  	s4 =	sshll.u32 s28, $0x1;
	[dreg:$0x2] =	wrdreg s2  }
0xa9: {  	[dreg:$0x3] =	wrdreg s4  }
0xaa: {  	[dreg:$0x4] =	wrdreg $0xC0  }
0xab: {  	_ =	task [dreg:s6], $0x5FFFF  }
0xac: {  	[dreg:$0x1] =	wrdreg $0xFFFFFFFF  }
0xad: {  	[dreg:$0x0] =	wrdreg $0x60  }
0xae: {  	[dreg:$0x2] =	wrdreg s24  }
0xaf: {  	[dreg:$0x3] =	wrdreg $0x9  }
0xb0: {  	_ =	task.clear_ibuf [dreg:s6], $0x4FFFF;
	_ =	strace $0x9000004F  }
0xb1: {  	s29 =	simm.s32 $0x9;
	_ =	strace $0x80000051  }
0xb2: {  	_ =	swait.ge [sflag:s29], $0x1  }
0xb3: {  	[sflag:s29] =	ssyncadd.s32 $0xFFFFFFFF  }
0xb4: {  	_ =	strace $0x90000051  }
0xb5: {  	_ =	sfence  }
0xb6: {  	s30 =	sld [smem:$0x0];
	_ =	sdelay $0x2  }
0xb7: {  	s31 =	sshll.u32 s1, $0xD;
	s1 =	sshrl.u32 s1, $0x2  }
0xb8: {  	s3 =	sand.u32 $0x4000, s31;
	s1 =	sadd.s32 s1, s30  }
0xb9: {  	s0 =	sor.u32 s3, s0;
	s1 =	sshll.u32 s1, $0x11  }
0xba: {  	s0 =	sor.u32 s1, s0  }
0xbb: {  	s0 =	sadd.s32 $0x8F2B, s0  }
0xbc: {  	[sflag:s0] =	ssyncadd.remote.s32 $0x1  }
0xbd: {  	_ =	sfence.sel $0xFFFF  }
0xbe: {  	[dreg:$0x0] =	wrdreg $0xFFFFFFFF;
	(pc) =	sbr.abs _section_cstart, $3  }
0xbf: {  	[dreg:$0x1] =	wrdreg $0xFFFFFFFF  }
0xc0: {  	_ =	task.clear_ibuf [dreg:s6], $0x2FFFF;
	_ =	strace $0x9FFFFFFF  }
0xc1: {  	(tm) =	ssettm $0x7FFFFFFF  }
tec
execute0_lowered:
.L_overlay_start_1:
0x0: {  	(tag) =	ssettag $0x1  }
0x1: {  	s1 =	srdreg.scid  }
0x2: {  	s0 =	stileid.u32;
	s3 =	rddreg [dreg:$0x0];
	s2 =	simm.s32 $0x0  }
0x3: {  	s8 =	simm.s32 $0x1;
	s4 =	sand.u32 $0x1, s1;
	s5 =	sshll.u32 s0, $0x1  }
0x4: {  	s9 =	simm.s32 $0xA800;
	s1 =	rddreg [dreg:$0x1];
	s5 =	sor.u32 s4, s5  }
0x5: {  	s10 =	simm.s32 $0x0;
	[smem:$0x7FF] =	sst s2;
	s6 =	smul.u32 $0x500, s5  }
0x6: {  	_ =	strace $0x80000050;
	s4 =	ssub.s32 $0x2, s4;
	s5 =	sshll.u32 s5, $0x10  }
0x7: {  	s31 =	sshrl.u32 s4, $0x1;
	s5 =	sadd.s32 s5, s3;
	s6 =	sadd.s32 s6, s3  }
0x8: {  	s7 =	ssub.s32 s4, s31;
	s4 =	sadd.s32 $0xD600, s5;
	s3 =	sadd.s32 $0x3600, s6  }
0x9: {  	s5 =	sadd.s32 $0x20D600, s6;
	s6 =	smax.u32 s7, $0x1;
	s7 =	simm.s32 $0x8000  }
.LBB2_1:
0xa: {  	[tilespmem:s7], [sflag:$0x1] =	stream.linear.gather [hbm4b:s3+s2], $0x2800, $0x38;
	[tilespmem:$0xD000] =	vst v63  }
0xb: {  	_ =	swait.ge [sflag:s8], $0x2800  }
0xc: {  	[sflag:s8] =	ssyncset.done $0x0  }
0xd: {  	s11 =	simm.s32 $0x0;
	s12 =	simm.s32 $0x0;
	[sflag:s8] =	ssyncadd.s32 $0xFFFFD800  }
.LBB2_2:
0xe: {  	s13 =	sshll.u32 s12, $0xC  }
0xf: {  	s14 =	simm.s32 $0x0;
	s13 =	sadd.s32 s13, s4  }
0x10: {  	[tilespmem:s14], [sflag:$0x1] =	stream.linear.gather [hbm4b:s13+s14], $0x8000, $0x38;
	[tilespmem:$0xD000] =	vst v63  }
0x11: {  	s28 =	sadd.s32 $0x0, s11;
	_ =	swait.ge [sflag:s8], $0x8000  }
0x12: {  	s13 =	sand.u32 $0x7F80, s28;
	s14 =	sand.u32 $0x70, s14;
	[sflag:s8] =	ssyncset.done $0x0  }
0x13: {  	s15 =	sor.u32 s14, s13;
	[sflag:s8] =	ssyncadd.s32 $0xFFFF8000  }
0x14: {  	v2 =	vld [tilespmem:s15+$0x8000];
	_ =	sdelay $0x4  }
0x15: {  	vm0 =	vgt.s32 v2, $0x0  }
0x16: {  	s29 =	simm.s32 $0x10;
	s30 =	sadd.s32 $0x10, s11;
	v0 =	vnsel vm0, $0x0, v2  }
0x17: {  	s14 =	sand.u32 $0x7F80, s30;
	s13 =	sand.u32 $0x70, s29;
	v1 =	vshll.u32 v0, $0x3  }
0x18: {  	s14 =	sor.u32 s13, s14;
	v3 =	vshrl.u32 v0, $0x5;
	v0 =	vand.u32 $0x7FFF807F, v0;
	v1 =	vand.u32 $0x7C00, v1  }
0x19: {  	v0 =	vor.u32 v1, v0;
	v1 =	vld [tilespmem:s14+$0x8000]  }
0x1a: {  	v3 =	vand.u32 $0x380, v3  }
0x1b: {  	v0 =	vor.u32 v3, v0;
	_ =	sdelay $0x2  }
0x1c: {  	s31 =	simm.s32 $0x20;
	s16 =	sadd.s32 $0x20, s11;
	vm0 =	vgt.s32 v1, $0x0  }
0x1d: {  	s16 =	sand.u32 $0x7F80, s16;
	s13 =	sand.u32 $0x70, s31;
	v4 =	vnsel vm0, $0x0, v1  }
0x1e: {  	s13 =	sor.u32 s13, s16;
	v3 =	vld.idx.msk [tilespmem:v0+s2+$0x0], $0xffff;
	v5 =	vshll.u32 v4, $0x3  }
0x1f: {  	v0 =	vld [tilespmem:s13+$0x8000];
	v6 =	vshrl.u32 v4, $0x5;
	v4 =	vand.u32 $0x7FFF807F, v4;
	v5 =	vand.u32 $0x7C00, v5  }
0x20: {  	v6 =	vand.u32 $0x380, v6;
	v4 =	vor.u32 v5, v4  }
0x21: {  	vm1 =	vgt.s32 v2, $0xFFFFFFFF;
	v2 =	vor.u32 v6, v4;
	_ =	sdelay $0x2  }
0x22: {  	s17 =	simm.s32 $0x30;
	s18 =	sadd.s32 $0x30, s11;
	s16 =	simm.s32 $0x40;
	vm0 =	vgt.s32 v0, $0x0;
	v3 =	vnsel vm1, $0x7F800000, v3  }
.LBB2_3:
0x23: {  	p0 =	sne.s32 s16, $0x270;
	s18 =	sand.u32 $0x7F80, s18;
	s17 =	sand.u32 $0x70, s17;
	v4 =	vnsel vm0, $0x0, v0;
	[tilespmem:s15+$0xA800] =	vst v3  }
0x24: {  	s15 =	smov.u32 s14;
	s14 =	smov.u32 s13;
	v3 =	vshll.u32 v4, $0x3;
	v5 =	vld.idx.msk [tilespmem:v2+s2+$0x0], $0xffff;
	s13 =	sor.u32 s17, s18  }
0x25: {  	s17 =	smov.u32 s16;
	v6 =	vld [tilespmem:s13+$0x8000];
	v2 =	vand.u32 $0x7C00, v3;
	v3 =	vshrl.u32 v4, $0x5;
	v4 =	vand.u32 $0x7FFF807F, v4  }
.Ltmp0:
0x26: {  	v3 =	vand.u32 $0x380, v3;
	v2 =	vor.u32 v2, v4;
	(pc) =	sbr.rel @p0 .LBB2_3-.Ltmp0, $3  }
0x27: {  	v2 =	vor.u32 v3, v2;
	_ =	sdelay $0x1  }
0x28: {  	vm1 =	vgt.s32 v1, $0xFFFFFFFF;
	v1 =	vmov v0  }
0x29: {  	s16 =	sadd.s32 $0x10, s16;
	s18 =	sadd.s32 s17, s11;
	v3 =	vnsel vm1, $0x7F800000, v5;
	vm0 =	vgt.s32 v6, $0x0;
	v0 =	vmov v6  }
0x2a: {  	_ = 	snop  }
0x2b: {  	s16 =	sand.u32 $0x7F80, s18;
	s17 =	sand.u32 $0x70, s17  }
0x2c: {  	v4 =	vnsel vm0, $0x0, v0;
	[tilespmem:s15+$0xA800] =	vst v3;
	s31 =	sor.u32 s17, s16  }
0x2d: {  	v60 =	vshll.u32 v4, $0x3;
	v5 =	vld [tilespmem:s31+$0x8000]  }
0x2e: {  	v2 =	vld.idx.msk [tilespmem:v2+s2+$0x0], $0xffff;
	v6 =	vshrl.u32 v4, $0x5;
	v4 =	vand.u32 $0x7FFF807F, v4;
	v3 =	vand.u32 $0x7C00, v60  }
0x2f: {  	v6 =	vand.u32 $0x380, v6;
	v3 =	vor.u32 v3, v4  }
0x30: {  	v3 =	vor.u32 v6, v3;
	_ =	sdelay $0x1  }
0x31: {  	vm13 =	vgt.s32 v1, $0xFFFFFFFF;
	vm1 =	vgt.s32 v5, $0x0  }
0x32: {  	v1 =	vnsel vm13, $0x7F800000, v2;
	v61 =	vnsel vm1, $0x0, v5  }
0x33: {  	[tilespmem:s14+$0xA800] =	vst v1;
	v62 =	vshll.u32 v61, $0x3  }
0x34: {  	v3 =	vld.idx.msk [tilespmem:v3+s2+$0x0], $0xffff;
	v63 =	vshrl.u32 v61, $0x5;
	v2 =	vand.u32 $0x7FFF807F, v61;
	v1 =	vand.u32 $0x7C00, v62  }
0x35: {  	v4 =	vand.u32 $0x380, v63;
	v1 =	vor.u32 v1, v2  }
0x36: {  	v1 =	vor.u32 v4, v1;
	_ =	sdelay $0x1  }
0x37: {  	vm14 =	vgt.s32 v0, $0xFFFFFFFF  }
0x38: {  	v0 =	vnsel vm14, $0x7F800000, v3  }
0x39: {  	[tilespmem:s13+$0xA800] =	vst v0  }
0x3a: {  	s12 =	sadd.s32 $0x1, s12;
	v0 =	vld.idx.msk [tilespmem:v1+s2+$0x0], $0xffff  }
0x3b: {  	p0 =	sne.s32 s12, $0x10  }
.Ltmp1:
0x3c: {  	_ = 	snop;
	(pc) =	sbr.rel @p0 .LBB2_2-.Ltmp1, $4  }
0x3d: {  	_ = 	snop  }
0x3e: {  	vm15 =	vgt.s32 v5, $0xFFFFFFFF  }
0x3f: {  	v0 =	vnsel vm15, $0x7F800000, v0  }
0x40: {  	s11 =	sadd.s32 $0x280, s11;
	[tilespmem:s31+$0xA800] =	vst v0  }
0x41: {  	s10 =	sadd.s32 $0x1, s10  }
0x42: {  	p0 =	sne.s32 s10, s6  }
.Ltmp2:
0x43: {  	_ = 	snop;
	(pc) =	sbr.rel @p0 .LBB2_1-.Ltmp2, $4  }
0x44: {  	[hbm4b:s5+s2] =	stream.linear.scatter [tilespmem:s9], [sflag:$0x1], $0x2800, $0x38;
	[tilespmem:$0xD000] =	vst v63  }
0x45: {  	_ =	swait.ge [sflag:s8], $0x2800  }
0x46: {  	[sflag:s8] =	ssyncset.done $0x0  }
0x47: {  	[sflag:s8] =	ssyncadd.s32 $0xFFFFD800  }
0x48: {  	_ =	sfence.sel $0x180000  }
0x49: {  	[bflag:$0x0] =	sbarrier.arrive $0xFFFF  }
0x4a: {  	p0 =	sne.s32 s0, $0x0;
	_ =	strace $0x90000050  }
0x4b: {  	s0 =	sadd.s32 @!p0 $0x100000, s1;
	[bflag:$0x2] =	sbarrier.arrive $0xFFFF  }
0x4c: {  	[sflag:s0] =	ssyncadd.tile.s32 @!p0 $0x1;
	_ =	shalt  }
.Lfunc_end2:
_tile_overlayer_lowered:
.L_overlay_start_2:
0x4d: {  	(tag) =	ssettag $0x2  }
0x4e: {  	s0 =	rddreg [dreg:$0x0];
	s2 =	stileid.u32  }
0x4f: {  	s1 =	rddreg [dreg:$0x1];
	p0 =	sne.s32 s2, $0x0  }
0x50: {  	s3 =	rddreg [dreg:$0x2];
	[bflag:$0x3] =	sbarrier.arrive $0xFFFF;
	s2 =	simm.s32 @!p0 $0x1C01  }
0x51: {  	[timem:s3], [sflag:s2] =	dma.local @!p0 [hbm:s0], s1  }
0x52: {  	s0 =	simm.s32 @!p0 $0x1  }
0x53: {  	_ =	swait.ge @!p0 [sflag:s0], s1  }
0x54: {  	s1 =	ssub.s32 @!p0 $0x0, s1;
	[sflag:s0] =	ssyncset.done @!p0 $0x0  }
0x55: {  	[sflag:s0] =	ssyncadd.s32 @!p0 s1  }
0x56: {  	[bflag:$0x3] =	sbarrier.arrive $0xFFFF  }
0x57: {  	_ =	shalt  }

// kernel: kernel.32.cloned.1.call-start
scs
__scs_entry_jumppad:
0x0: {  	(pc) =	sbr.rel $0x88, $3  }
0x1: {  	(tag) =	ssettag $0x0;
	lr =	simm.s32 $0x1  }
0x2: {  	[smem:$0x3F9B] =	sst lr;
	_ =	strace $0xD0000000  }
0x3: {  	_ = 	snop  }
0x4: {  	_ = 	snop  }
0x5: {  	_ = 	snop  }
0x6: {  	_ = 	snop  }
0x7: {  	_ = 	snop  }
__scs_overlays_trampoline_lowered:
0x8: {  	[smem:$0x3FAA] =	sst s0  }
0x9: {  	[smem:$0x3FAB] =	sst s1  }
0xa: {  	[smem:$0x3FAC] =	sst s2  }
0xb: {  	[smem:$0x3FAD] =	sst s3  }
0xc: {  	[smem:$0x3FAE] =	sst s4  }
0xd: {  	[smem:$0x3FAF] =	sst s5  }
0xe: {  	[smem:$0x3FB0] =	sst s6  }
0xf: {  	[smem:$0x3FB1] =	sst s7  }
0x10: {  	[smem:$0x3FB2] =	sst s8  }
0x11: {  	[smem:$0x3FB3] =	sst s9;
	s0 =	simm.s32 @!p0 $0x0  }
0x12: {  	s1 =	sld [smem:$0x3F99];
	s0 =	simm.s32 @p0 $0x1  }
0x13: {  	[smem:$0x3FB4] =	sst s0;
	s0 =	simm.s32 @!p1 $0x0  }
0x14: {  	s2 =	sld [smem:$0x3F98];
	s0 =	simm.s32 @p1 $0x1  }
0x15: {  	[smem:$0x3FB5] =	sst s0;
	s0 =	simm.s32 @!p2 $0x0  }
0x16: {  	s3 =	sld [smem:$0x3FDB];
	s0 =	simm.s32 @p2 $0x1  }
0x17: {  	s4 =	simm.s32 $0x1BF5;
	[smem:$0x3FB7] =	sst s0  }
0x18: {  	s0 =	sld [smem:$0x3F9A];
	_ =	swait.ge [sflag:s4], $0x0  }
0x19: {  	s7 =	sld [smem:$0x3F9B]  }
0x1a: {  	s8 =	sadd.s32 $0xFFFFE003, lr  }
0x1b: {  	s9 =	sadd.s32 $0xFFFFFEF7, lr;
	s5 =	simm.s32 $0xFFFFFFFF;
	p2 =	slt.u32 s8, $0xFFFFF086  }
0x1c: {  	p1 =	slt.u32 s9, $0xF7A;
	s5 =	simm.s32 @!p2 $0x0  }
0x1d: {  	s5 =	simm.s32 @p1 $0x1;
	p0 =	seq.s32 s7, s2  }
0x1e: {  	s7 =	smul.u32 @!p0 $0xF7A, s2;
	p2 =	seq.s32 @!p0 s5, $0x0  }
0x1f: {  	s9 =	smul.u32 $0xF7A, s1;
	s8 =	simm.s32 @!p0 $0x1BF5;
	p2 =	por !p2, p0  }
0x20: {  	[sflag:s8] =	ssyncset.s32 @!p0 $0xFFFFF086;
	s6 =	sadd.s32 @!p0 s3, s7;
	s7 =	simm.s32 @!p0 $0x108  }
0x21: {  	s3 =	sadd.s32 s3, s9;
	s6 =	sadd.s32 @!p0 $0x88, s6;
	s7 =	simm.s32 @p2 $0x1082  }
0x22: {  	[simem:s7], [sflag:s8] =	dma.local @!p0 [hbm:s6], $0xF7A  }
0x23: {  	s9 =	sor.u32 $0xD0000000, s2;
	s6 =	simm.s32 $0x108;
	_ =	swait.ge @!p0 [sflag:s8], $0x0  }
0x24: {  	s3 =	sadd.s32 $0x88, s3;
	s6 =	simm.s32 @!p1 $0x1082;
	[sflag:s4] =	ssyncset.s32 $0xFFFFF086  }
0x25: {  	[simem:s6], [sflag:s4] =	dma.local [hbm:s3], $0xF7A  }
0x26: {  	[smem:$0x3F9B] =	sst s1;
	(tag) =	ssettag s2;
	_ =	strace s9  }
0x27: {  	s1 =	sld [smem:$0x3FAB]  }
0x28: {  	s2 =	sld [smem:$0x3FAC]  }
0x29: {  	s4 =	sld [smem:$0x3FAE]  }
0x2a: {  	p0 =	seq.s32 s5, $0x0;
	s5 =	sld [smem:$0x3FAF]  }
0x2b: {  	s6 =	sld [smem:$0x3FB0]  }
0x2c: {  	s7 =	sld [smem:$0x3FB1]  }
0x2d: {  	s3 =	simm.s32 $0x108;
	s8 =	sld [smem:$0x3FB2]  }
0x2e: {  	s3 =	simm.s32 @!p0 $0x1082;
	s9 =	sld [smem:$0x3FB3]  }
0x2f: {  	lr =	sadd.s32 s0, s3;
	s0 =	sld [smem:$0x3FAA]  }
0x30: {  	s3 =	sld [smem:$0x3FAD]  }
0x31: {  	[smem:$0x3FB6] =	sst s10  }
0x32: {  	s10 =	sld [smem:$0x3FB4];
	_ =	sdelay $0x3  }
0x33: {  	p0 =	seq.s32 s10, $0x1;
	s10 =	sld [smem:$0x3FB6];
	_ =	sdelay $0x3  }
0x34: {  	[smem:$0x3FB6] =	sst s10  }
0x35: {  	s10 =	sld [smem:$0x3FB5];
	_ =	sdelay $0x3  }
0x36: {  	p1 =	seq.s32 s10, $0x1;
	s10 =	sld [smem:$0x3FB6];
	_ =	sdelay $0x3  }
0x37: {  	[smem:$0x3FB6] =	sst s10  }
0x38: {  	s10 =	sld [smem:$0x3FB7]  }
0x39: {  	_ = 	snop;
	(pc) =	sbr.ind lr, $3  }
0x3a: {  	_ = 	snop  }
0x3b: {  	_ = 	snop  }
0x3c: {  	p2 =	seq.s32 s10, $0x1;
	s10 =	sld [smem:$0x3FB6]  }
0x3d: {  	_ =	shalt  }
0x3e: {  	_ =	shalt  }
0x3f: {  	_ =	shalt  }
0x40: {  	_ =	shalt  }
0x41: {  	_ =	shalt  }
0x42: {  	_ =	shalt  }
0x43: {  	_ =	shalt  }
0x44: {  	_ =	shalt  }
0x45: {  	_ =	shalt  }
0x46: {  	_ =	shalt  }
0x47: {  	_ =	shalt  }
0x48: {  	_ =	shalt  }
0x49: {  	_ =	shalt  }
0x4a: {  	_ =	shalt  }
0x4b: {  	_ =	shalt  }
0x4c: {  	_ =	shalt  }
0x4d: {  	_ =	shalt  }
0x4e: {  	_ =	shalt  }
0x4f: {  	_ =	shalt  }
0x50: {  	_ =	shalt  }
0x51: {  	_ =	shalt  }
0x52: {  	_ =	shalt  }
0x53: {  	_ =	shalt  }
0x54: {  	_ =	shalt  }
0x55: {  	_ =	shalt  }
0x56: {  	_ =	shalt  }
0x57: {  	_ =	shalt  }
0x58: {  	_ =	shalt  }
0x59: {  	_ =	shalt  }
0x5a: {  	_ =	shalt  }
0x5b: {  	_ =	shalt  }
0x5c: {  	_ =	shalt  }
0x5d: {  	_ =	shalt  }
0x5e: {  	_ =	shalt  }
0x5f: {  	_ =	shalt  }
0x60: {  	_ =	shalt  }
0x61: {  	_ =	shalt  }
0x62: {  	_ =	shalt  }
0x63: {  	_ =	shalt  }
0x64: {  	_ =	shalt  }
0x65: {  	_ =	shalt  }
0x66: {  	_ =	shalt  }
0x67: {  	_ =	shalt  }
0x68: {  	_ =	shalt  }
0x69: {  	_ =	shalt  }
0x6a: {  	_ =	shalt  }
0x6b: {  	_ =	shalt  }
0x6c: {  	_ =	shalt  }
0x6d: {  	_ =	shalt  }
0x6e: {  	_ =	shalt  }
0x6f: {  	_ =	shalt  }
0x70: {  	_ =	shalt  }
0x71: {  	_ =	shalt  }
0x72: {  	_ =	shalt  }
0x73: {  	_ =	shalt  }
0x74: {  	_ =	shalt  }
0x75: {  	_ =	shalt  }
0x76: {  	_ =	shalt  }
0x77: {  	_ =	shalt  }
0x78: {  	_ =	shalt  }
0x79: {  	_ =	shalt  }
0x7a: {  	_ =	shalt  }
0x7b: {  	_ =	shalt  }
0x7c: {  	_ =	shalt  }
0x7d: {  	_ =	shalt  }
0x7e: {  	_ =	shalt  }
0x7f: {  	_ =	shalt  }
0x80: {  	_ =	shalt  }
0x81: {  	_ =	shalt  }
0x82: {  	_ =	shalt  }
0x83: {  	_ =	shalt  }
0x84: {  	_ =	shalt  }
0x85: {  	_ =	shalt  }
0x86: {  	_ =	shalt  }
0x87: {  	_ =	shalt  }
.Lfunc_end0:
.L_simem_size_0:
called_computation.4_lowered:
.L_overlay_start_0:
0x88: {  	s2 =	sld [smem:$0x3FD9]  }
0x89: {  	s3 =	sld [smem:$0x3FFE];
	_ =	sdelay $0x1  }
0x8a: {  	s1 =	srdreg.scid  }
0x8b: {  	s0 =	sand.u32 $0x1, s1  }
0x8c: {  	s16 =	sshll.u32 s0, $0xA;
	s2 =	sadd.s32 s3, s2  }
0x8d: {  	s2 =	sadd.s32 s2, s16  }
0x8e: {  	[smem:$0x3FC2] =	sst s2  }
0x8f: {  	_ = 	snop  }
0x90: {  	(tm) =	ssettm $0x1  }
0x91: {  	s17 =	sld [smem:$0x3FFB];
	_ =	sdelay $0x3  }
0x92: {  	_ =	strace s17  }
0x93: {  	s2 =	sld [smem:$0x3FFC];
	_ =	sdelay $0x3  }
0x94: {  	_ =	strace s2  }
0x95: {  	s2 =	sld [smem:$0x3FFD];
	_ =	sdelay $0x3  }
0x96: {  	_ =	strace s2  }
0x97: {  	_ =	strace $0x8FFFFFFF  }
0x98: {  	s18 =	sld [smem:$0x3FDB];
	_ =	sdelay $0x1  }
0x99: {  	s19 =	simm.s32 $_scs_section_size  }
0x9a: {  	s4 =	simm.s32 $_size__tile_overlayer_lowered;
	s5 =	simm.s32 $_tile_overlayer_lowered  }
0x9b: {  	s22 =	simm.s32 $0x1BFF;
	s21 =	sshll.u32 s5, $0x1;
	s2 =	sadd.s32 s19, s18  }
0x9c: {  	s6 =	simm.s32 $0x0;
	s20 =	sshll.u32 s4, $0x1;
	s4 =	sadd.s32 s21, s2  }
0x9d: {  	[timem:s6], [sflag:s22] =	dma.local [hbm:s4], s20  }
0x9e: {  	_ =	swait.ge [sflag:s22], s20  }
0x9f: {  	s3 =	ssub.s32 $0x0, s20;
	[sflag:s22] =	ssyncset.done $0x0  }
0xa0: {  	[sflag:s22] =	ssyncadd.s32 s3;
	_ =	sdelay $0x1  }
0xa1: {  	s23 =	simm.s32 $0x1B8B  }
0xa2: {  	_ =	swait.ge [sflag:s23], $0x1  }
0xa3: {  	[sflag:s23] =	ssyncset.done $0x0  }
0xa4: {  	s25 =	simm.s32 $0x1B8E;
	s24 =	sld [smem:$0x3FFE];
	[sflag:s23] =	ssyncadd.s32 $0xFFFFFFFF  }
0xa5: {  	s26 =	simm.s32 $execute0_lowered;
	[smem:$0x3FD2] =	sst s25  }
0xa6: {  	s4 =	sshll.u32 s26, $0x1;
	_ =	strace $0x80000052;
	[dreg:$0x1] =	wrdreg $0xFFFFFFFF  }
0xa7: {  	s28 =	simm.s32 $_size_execute0_lowered;
	s2 =	sadd.s32 s2, s4;
	[dreg:$0x0] =	wrdreg $0x0  }
0xa8: {  	s4 =	sshll.u32 s28, $0x1;
	[dreg:$0x2] =	wrdreg s2  }
0xa9: {  	[dreg:$0x3] =	wrdreg s4  }
0xaa: {  	[dreg:$0x4] =	wrdreg $0xC0  }
0xab: {  	_ =	task [dreg:s6], $0x5FFFF  }
0xac: {  	[dreg:$0x1] =	wrdreg $0xFFFFFFFF  }
0xad: {  	[dreg:$0x0] =	wrdreg $0x60  }
0xae: {  	[dreg:$0x2] =	wrdreg s24  }
0xaf: {  	[dreg:$0x3] =	wrdreg $0x9  }
0xb0: {  	_ =	task.clear_ibuf [dreg:s6], $0x4FFFF;
	_ =	strace $0x90000052  }
0xb1: {  	s29 =	simm.s32 $0x9;
	_ =	strace $0x80000054  }
0xb2: {  	_ =	swait.ge [sflag:s29], $0x1  }
0xb3: {  	[sflag:s29] =	ssyncadd.s32 $0xFFFFFFFF  }
0xb4: {  	_ =	strace $0x90000054  }
0xb5: {  	_ =	sfence  }
0xb6: {  	s30 =	sld [smem:$0x0];
	_ =	sdelay $0x2  }
0xb7: {  	s31 =	sshll.u32 s1, $0xD;
	s1 =	sshrl.u32 s1, $0x2  }
0xb8: {  	s3 =	sand.u32 $0x4000, s31;
	s1 =	sadd.s32 s1, s30  }
0xb9: {  	s0 =	sor.u32 s3, s0;
	s1 =	sshll.u32 s1, $0x11  }
0xba: {  	s0 =	sor.u32 s1, s0  }
0xbb: {  	s0 =	sadd.s32 $0x8F2B, s0  }
0xbc: {  	[sflag:s0] =	ssyncadd.remote.s32 $0x1  }
0xbd: {  	_ =	sfence.sel $0xFFFF  }
0xbe: {  	[dreg:$0x0] =	wrdreg $0xFFFFFFFF;
	(pc) =	sbr.abs _section_cstart, $3  }
0xbf: {  	[dreg:$0x1] =	wrdreg $0xFFFFFFFF  }
0xc0: {  	_ =	task.clear_ibuf [dreg:s6], $0x2FFFF;
	_ =	strace $0x9FFFFFFF  }
0xc1: {  	(tm) =	ssettm $0x7FFFFFFF  }
tec
execute0_lowered:
.L_overlay_start_1:
0x0: {  	(tag) =	ssettag $0x1  }
0x1: {  	s1 =	srdreg.scid  }
0x2: {  	s0 =	stileid.u32;
	s3 =	rddreg [dreg:$0x0];
	s2 =	simm.s32 $0x0  }
0x3: {  	s8 =	simm.s32 $0x1;
	s4 =	sand.u32 $0x1, s1;
	s5 =	sshll.u32 s0, $0x1  }
0x4: {  	s9 =	simm.s32 $0xA800;
	s1 =	rddreg [dreg:$0x1];
	s5 =	sor.u32 s4, s5  }
0x5: {  	s10 =	simm.s32 $0x0;
	[smem:$0x7FF] =	sst s2;
	s6 =	smul.u32 $0x500, s5  }
0x6: {  	_ =	strace $0x80000053;
	s4 =	ssub.s32 $0x2, s4;
	s5 =	sshll.u32 s5, $0x10  }
0x7: {  	s31 =	sshrl.u32 s4, $0x1;
	s5 =	sadd.s32 s5, s3;
	s6 =	sadd.s32 s6, s3  }
0x8: {  	s7 =	ssub.s32 s4, s31;
	s4 =	sadd.s32 $0xD600, s5;
	s3 =	sadd.s32 $0x3600, s6  }
0x9: {  	s5 =	sadd.s32 $0x20D600, s6;
	s6 =	smax.u32 s7, $0x1;
	s7 =	simm.s32 $0x8000  }
.LBB2_1:
0xa: {  	[tilespmem:s7], [sflag:$0x1] =	stream.linear.gather [hbm4b:s3+s2], $0x2800, $0x38;
	[tilespmem:$0xD000] =	vst v63  }
0xb: {  	_ =	swait.ge [sflag:s8], $0x2800  }
0xc: {  	[sflag:s8] =	ssyncset.done $0x0  }
0xd: {  	s11 =	simm.s32 $0x0;
	s12 =	simm.s32 $0x0;
	[sflag:s8] =	ssyncadd.s32 $0xFFFFD800  }
.LBB2_2:
0xe: {  	s13 =	sshll.u32 s12, $0xC  }
0xf: {  	s14 =	simm.s32 $0x0;
	s13 =	sadd.s32 s13, s4  }
0x10: {  	[tilespmem:s14], [sflag:$0x1] =	stream.linear.gather [hbm4b:s13+s14], $0x8000, $0x38;
	[tilespmem:$0xD000] =	vst v63  }
0x11: {  	s28 =	sadd.s32 $0x0, s11;
	_ =	swait.ge [sflag:s8], $0x8000  }
0x12: {  	s13 =	sand.u32 $0x7F80, s28;
	s14 =	sand.u32 $0x70, s14;
	[sflag:s8] =	ssyncset.done $0x0  }
0x13: {  	s15 =	sor.u32 s14, s13;
	[sflag:s8] =	ssyncadd.s32 $0xFFFF8000  }
0x14: {  	v2 =	vld [tilespmem:s15+$0x8000];
	_ =	sdelay $0x4  }
0x15: {  	vm0 =	vgt.s32 v2, $0x0  }
0x16: {  	s29 =	simm.s32 $0x10;
	s30 =	sadd.s32 $0x10, s11;
	v0 =	vnsel vm0, $0x0, v2  }
0x17: {  	s14 =	sand.u32 $0x7F80, s30;
	s13 =	sand.u32 $0x70, s29;
	v1 =	vshll.u32 v0, $0x3  }
0x18: {  	s14 =	sor.u32 s13, s14;
	v3 =	vshrl.u32 v0, $0x5;
	v0 =	vand.u32 $0x7FFF807F, v0;
	v1 =	vand.u32 $0x7C00, v1  }
0x19: {  	v0 =	vor.u32 v1, v0;
	v1 =	vld [tilespmem:s14+$0x8000]  }
0x1a: {  	v3 =	vand.u32 $0x380, v3  }
0x1b: {  	v0 =	vor.u32 v3, v0;
	_ =	sdelay $0x2  }
0x1c: {  	s31 =	simm.s32 $0x20;
	s16 =	sadd.s32 $0x20, s11;
	vm0 =	vgt.s32 v1, $0x0  }
0x1d: {  	s16 =	sand.u32 $0x7F80, s16;
	s13 =	sand.u32 $0x70, s31;
	v4 =	vnsel vm0, $0x0, v1  }
0x1e: {  	s13 =	sor.u32 s13, s16;
	v3 =	vld.idx.msk [tilespmem:v0+s2+$0x0], $0xffff;
	v5 =	vshll.u32 v4, $0x3  }
0x1f: {  	v0 =	vld [tilespmem:s13+$0x8000];
	v6 =	vshrl.u32 v4, $0x5;
	v4 =	vand.u32 $0x7FFF807F, v4;
	v5 =	vand.u32 $0x7C00, v5  }
0x20: {  	v6 =	vand.u32 $0x380, v6;
	v4 =	vor.u32 v5, v4  }
0x21: {  	vm1 =	vgt.s32 v2, $0xFFFFFFFF;
	v2 =	vor.u32 v6, v4;
	_ =	sdelay $0x2  }
0x22: {  	s17 =	simm.s32 $0x30;
	s18 =	sadd.s32 $0x30, s11;
	s16 =	simm.s32 $0x40;
	vm0 =	vgt.s32 v0, $0x0;
	v3 =	vnsel vm1, $0x7F800000, v3  }
.LBB2_3:
0x23: {  	p0 =	sne.s32 s16, $0x270;
	s18 =	sand.u32 $0x7F80, s18;
	s17 =	sand.u32 $0x70, s17;
	v4 =	vnsel vm0, $0x0, v0;
	[tilespmem:s15+$0xA800] =	vst v3  }
0x24: {  	s15 =	smov.u32 s14;
	s14 =	smov.u32 s13;
	v3 =	vshll.u32 v4, $0x3;
	v5 =	vld.idx.msk [tilespmem:v2+s2+$0x0], $0xffff;
	s13 =	sor.u32 s17, s18  }
0x25: {  	s17 =	smov.u32 s16;
	v6 =	vld [tilespmem:s13+$0x8000];
	v2 =	vand.u32 $0x7C00, v3;
	v3 =	vshrl.u32 v4, $0x5;
	v4 =	vand.u32 $0x7FFF807F, v4  }
.Ltmp0:
0x26: {  	v3 =	vand.u32 $0x380, v3;
	v2 =	vor.u32 v2, v4;
	(pc) =	sbr.rel @p0 .LBB2_3-.Ltmp0, $3  }
0x27: {  	v2 =	vor.u32 v3, v2;
	_ =	sdelay $0x1  }
0x28: {  	vm1 =	vgt.s32 v1, $0xFFFFFFFF;
	v1 =	vmov v0  }
0x29: {  	s16 =	sadd.s32 $0x10, s16;
	s18 =	sadd.s32 s17, s11;
	v3 =	vnsel vm1, $0x7F800000, v5;
	vm0 =	vgt.s32 v6, $0x0;
	v0 =	vmov v6  }
0x2a: {  	_ = 	snop  }
0x2b: {  	s16 =	sand.u32 $0x7F80, s18;
	s17 =	sand.u32 $0x70, s17  }
0x2c: {  	v4 =	vnsel vm0, $0x0, v0;
	[tilespmem:s15+$0xA800] =	vst v3;
	s31 =	sor.u32 s17, s16  }
0x2d: {  	v60 =	vshll.u32 v4, $0x3;
	v5 =	vld [tilespmem:s31+$0x8000]  }
0x2e: {  	v2 =	vld.idx.msk [tilespmem:v2+s2+$0x0], $0xffff;
	v6 =	vshrl.u32 v4, $0x5;
	v4 =	vand.u32 $0x7FFF807F, v4;
	v3 =	vand.u32 $0x7C00, v60  }
0x2f: {  	v6 =	vand.u32 $0x380, v6;
	v3 =	vor.u32 v3, v4  }
0x30: {  	v3 =	vor.u32 v6, v3;
	_ =	sdelay $0x1  }
0x31: {  	vm13 =	vgt.s32 v1, $0xFFFFFFFF;
	vm1 =	vgt.s32 v5, $0x0  }
0x32: {  	v1 =	vnsel vm13, $0x7F800000, v2;
	v61 =	vnsel vm1, $0x0, v5  }
0x33: {  	[tilespmem:s14+$0xA800] =	vst v1;
	v62 =	vshll.u32 v61, $0x3  }
0x34: {  	v3 =	vld.idx.msk [tilespmem:v3+s2+$0x0], $0xffff;
	v63 =	vshrl.u32 v61, $0x5;
	v2 =	vand.u32 $0x7FFF807F, v61;
	v1 =	vand.u32 $0x7C00, v62  }
0x35: {  	v4 =	vand.u32 $0x380, v63;
	v1 =	vor.u32 v1, v2  }
0x36: {  	v1 =	vor.u32 v4, v1;
	_ =	sdelay $0x1  }
0x37: {  	vm14 =	vgt.s32 v0, $0xFFFFFFFF  }
0x38: {  	v0 =	vnsel vm14, $0x7F800000, v3  }
0x39: {  	[tilespmem:s13+$0xA800] =	vst v0  }
0x3a: {  	s12 =	sadd.s32 $0x1, s12;
	v0 =	vld.idx.msk [tilespmem:v1+s2+$0x0], $0xffff  }
0x3b: {  	p0 =	sne.s32 s12, $0x10  }
.Ltmp1:
0x3c: {  	_ = 	snop;
	(pc) =	sbr.rel @p0 .LBB2_2-.Ltmp1, $4  }
0x3d: {  	_ = 	snop  }
0x3e: {  	vm15 =	vgt.s32 v5, $0xFFFFFFFF  }
0x3f: {  	v0 =	vnsel vm15, $0x7F800000, v0  }
0x40: {  	s11 =	sadd.s32 $0x280, s11;
	[tilespmem:s31+$0xA800] =	vst v0  }
0x41: {  	s10 =	sadd.s32 $0x1, s10  }
0x42: {  	p0 =	sne.s32 s10, s6  }
.Ltmp2:
0x43: {  	_ = 	snop;
	(pc) =	sbr.rel @p0 .LBB2_1-.Ltmp2, $4  }
0x44: {  	[hbm4b:s5+s2] =	stream.linear.scatter [tilespmem:s9], [sflag:$0x1], $0x2800, $0x38;
	[tilespmem:$0xD000] =	vst v63  }
0x45: {  	_ =	swait.ge [sflag:s8], $0x2800  }
0x46: {  	[sflag:s8] =	ssyncset.done $0x0  }
0x47: {  	[sflag:s8] =	ssyncadd.s32 $0xFFFFD800  }
0x48: {  	_ =	sfence.sel $0x180000  }
0x49: {  	[bflag:$0x0] =	sbarrier.arrive $0xFFFF  }
0x4a: {  	p0 =	sne.s32 s0, $0x0;
	_ =	strace $0x90000053  }
0x4b: {  	s0 =	sadd.s32 @!p0 $0x100000, s1;
	[bflag:$0x2] =	sbarrier.arrive $0xFFFF  }
0x4c: {  	[sflag:s0] =	ssyncadd.tile.s32 @!p0 $0x1;
	_ =	shalt  }
.Lfunc_end2:
_tile_overlayer_lowered:
.L_overlay_start_2:
0x4d: {  	(tag) =	ssettag $0x2  }
0x4e: {  	s0 =	rddreg [dreg:$0x0];
	s2 =	stileid.u32  }
0x4f: {  	s1 =	rddreg [dreg:$0x1];
	p0 =	sne.s32 s2, $0x0  }
0x50: {  	s3 =	rddreg [dreg:$0x2];
	[bflag:$0x3] =	sbarrier.arrive $0xFFFF;
	s2 =	simm.s32 @!p0 $0x1C01  }
0x51: {  	[timem:s3], [sflag:s2] =	dma.local @!p0 [hbm:s0], s1  }
0x52: {  	s0 =	simm.s32 @!p0 $0x1  }
0x53: {  	_ =	swait.ge @!p0 [sflag:s0], s1  }
0x54: {  	s1 =	ssub.s32 @!p0 $0x0, s1;
	[sflag:s0] =	ssyncset.done @!p0 $0x0  }
0x55: {  	[sflag:s0] =	ssyncadd.s32 @!p0 s1  }
0x56: {  	[bflag:$0x3] =	sbarrier.arrive $0xFFFF  }
0x57: {  	_ =	shalt  }

</sc_bundles>
